<compile_context>
chip_gen: v7x
topology: tpu7x:2x2x1
jax: 0.10.2.dev20260603
libtpu: 0.0.44.dev20260713+nightly
codegen_flags: <defaults>
</compile_context>

<pallas_src>
import functools

import jax
import jax.numpy as jnp
from jax import lax
from jax.experimental import pallas as pl
from jax.experimental.pallas import tpu as pltpu
from jax.experimental.pallas import tpu_sc as plsc

N = 10000
H = 32
C = 128
K = 43
KP = 48
E = N * H

NW = 32
CHUNK = 80
NCHUNK = E // (NW * CHUNK)
EPW = E // NW
NBUF = 5

NB = 400
GB = N // NB


def _fc1_bn_relu_body(feat_ref, w_ref, g_ref, b_ref, o_ref):
    y = jnp.dot(feat_ref[...], w_ref[...], preferred_element_type=jnp.float32)
    m = jnp.mean(y, axis=0, keepdims=True)
    v = jnp.mean((y - m) * (y - m), axis=0, keepdims=True)
    xn = (y - m) * lax.rsqrt(v + 1e-5) * g_ref[...] + b_ref[...]
    o_ref[...] = jnp.maximum(xn, 0.0)


def _epilogue_body(conv_ref, feat_ref, w_ref, g2_ref, b2_ref, g3_ref, b3_ref,
                   o_ref):
    y = conv_ref[...]
    m = jnp.mean(y, axis=0, keepdims=True)
    v = jnp.mean((y - m) * (y - m), axis=0, keepdims=True)
    y = jnp.maximum((y - m) * lax.rsqrt(v + 1e-5) * g2_ref[...] + b2_ref[...],
                    0.0)
    z = jnp.dot(y, w_ref[...], preferred_element_type=jnp.float32)
    m = jnp.mean(z, axis=0, keepdims=True)
    v = jnp.mean((z - m) * (z - m), axis=0, keepdims=True)
    z = (z - m) * lax.rsqrt(v + 1e-5) * g3_ref[...] + b3_ref[...]
    o_ref[...] = jnp.maximum(feat_ref[...] + z, 0.0)


def _kpconv_body(gx_ref, rel_ref, m16_ref, kpw_ref, o_ref):
    f32 = jnp.float32
    rel = rel_ref[0:3, :]
    sq = jnp.sum(rel * rel, axis=0, keepdims=True)
    r5 = jnp.concatenate(
        [rel, sq, jnp.ones((1, NB * H), f32)], axis=0)
    d2t = jax.lax.dot_general(
        m16_ref[0:5, :], r5, (((0,), (0,)), ((), ())),
        preferred_element_type=f32,
        precision=jax.lax.Precision.HIGHEST)
    d2t = jnp.maximum(d2t, 0.0) + 1e-12
    inflt = jnp.maximum(1.0 - d2t * jax.lax.rsqrt(d2t), 0.0)
    a = jax.lax.dot_general(
        inflt, kpw_ref[...], (((0,), (0,)), ((), ())),
        preferred_element_type=f32)
    contrib = a * gx_ref[...]
    o_ref[...] = jnp.sum(contrib.reshape(NB, H, C), axis=1)


def _sc_gather_body(x_hbm, cx_hbm, cy_hbm, cz_hbm, idx_hbm,
                    gx_hbm, rel_hbm,
                    idx_v, xrow_v, cx_v, cy_v, cz_v, rx_v, ry_v, rz_v, *sems):
    gsems = sems[:NBUF]
    wsems = sems[NBUF:]
    c = lax.axis_index("c")
    s = lax.axis_index("s")
    wid = s * 2 + c
    pltpu.sync_copy(idx_hbm.at[wid], idx_v)
    pltpu.sync_copy(cx_hbm, cx_v)
    pltpu.sync_copy(cy_hbm, cy_v)
    pltpu.sync_copy(cz_hbm, cz_v)
    lanes = lax.iota(jnp.int32, 16)
    wbase = pl.multiple_of(wid * EPW, 8)

    def g_start(b, i):
        pltpu.async_copy(x_hbm.at[idx_v.at[i]], xrow_v.at[b], gsems[b])

    for b in range(NBUF):
        g_start(b, b)

    def body(i5, carry):
        for b in range(NBUF):
            i = i5 * NBUF + b
            for v in range(CHUNK // 16):
                j = idx_v[i, pl.ds(v * 16, 16)]
                n = jax.lax.shift_right_logical(
                    wbase + i * CHUNK + v * 16 + lanes, 5)
                off = i * CHUNK + v * 16
                rx_v[pl.ds(off, 16)] = (plsc.load_gather(cx_v, [j])
                                        - plsc.load_gather(cx_v, [n]))
                ry_v[pl.ds(off, 16)] = (plsc.load_gather(cy_v, [j])
                                        - plsc.load_gather(cy_v, [n]))
                rz_v[pl.ds(off, 16)] = (plsc.load_gather(cz_v, [j])
                                        - plsc.load_gather(cz_v, [n]))
            pltpu.make_async_copy(
                x_hbm.at[pl.ds(0, CHUNK)], xrow_v.at[b], gsems[b]).wait()
            pltpu.async_copy(
                xrow_v.at[b],
                gx_hbm.at[pl.ds(wbase + i * CHUNK, CHUNK)], wsems[b])
        for b in range(NBUF):
            i_next = (i5 + 1) * NBUF + b
            pltpu.make_async_copy(
                xrow_v.at[b], gx_hbm.at[pl.ds(0, CHUNK)], wsems[b]).wait()

            @pl.when(i_next < NCHUNK)
            def _():
                g_start(b, i_next)

        return carry

    lax.fori_loop(0, NCHUNK // NBUF, body, 0)
    pltpu.sync_copy(rx_v, rel_hbm.at[pl.ds(wbase, EPW)])
    pltpu.sync_copy(ry_v, rel_hbm.at[pl.ds(E + wbase, EPW)])
    pltpu.sync_copy(rz_v, rel_hbm.at[pl.ds(2 * E + wbase, EPW)])


def _make_sc_gather():
    f32 = jnp.float32
    return functools.partial(
        pl.kernel,
        out_type=[
            jax.ShapeDtypeStruct((E, C), f32),
            jax.ShapeDtypeStruct((3 * E,), f32),
        ],
        mesh=plsc.VectorSubcoreMesh(core_axis_name="c", subcore_axis_name="s"),
        compiler_params=pltpu.CompilerParams(needs_layout_passes=False),
        scratch_types=(
            [
                pltpu.VMEM((NCHUNK, CHUNK), jnp.int32),
                pltpu.VMEM((NBUF, CHUNK, C), f32),
                pltpu.VMEM((N,), f32),
                pltpu.VMEM((N,), f32),
                pltpu.VMEM((N,), f32),
                pltpu.VMEM((EPW,), f32),
                pltpu.VMEM((EPW,), f32),
                pltpu.VMEM((EPW,), f32),
            ]
            + [pltpu.SemaphoreType.DMA] * (2 * NBUF)
        ),
    )(_sc_gather_body)


def kernel(coord, feat, W1, W3, kernel_points, kp_weights,
           g1, b1, g2, b2, g3, b3, reference_index):
    f32 = jnp.float32
    g1 = g1.reshape(1, C); b1 = b1.reshape(1, C)
    g2 = g2.reshape(1, C); b2 = b2.reshape(1, C)
    g3 = g3.reshape(1, C); b3 = b3.reshape(1, C)

    x = pl.pallas_call(
        _fc1_bn_relu_body,
        out_shape=jax.ShapeDtypeStruct((N, C), f32),
    )(feat, W1.T, g1, b1)

    idx = reference_index.astype(jnp.int32).reshape(NW, NCHUNK, CHUNK)
    ct = coord.T
    cx, cy, cz = ct[0], ct[1], ct[2]
    gx, rel1d = _make_sc_gather()(x, cx, cy, cz, idx)

    kn2 = jnp.sum(kernel_points * kernel_points, axis=1)
    m16 = jnp.zeros((8, KP), f32)
    m16 = m16.at[0:3, :K].set(-2.0 * kernel_points.T)
    m16 = m16.at[3, :].set(1.0)
    m16 = m16.at[4, :K].set(kn2)
    kpw = jnp.zeros((KP, C), f32).at[:K, :].set(kp_weights)
    conv = pl.pallas_call(
        _kpconv_body,
        grid=(GB,),
        in_specs=[
            pl.BlockSpec((NB * H, C), lambda i: (i, 0)),
            pl.BlockSpec((3, NB * H), lambda i: (0, i)),
            pl.BlockSpec((8, KP), lambda i: (0, 0)),
            pl.BlockSpec((KP, C), lambda i: (0, 0)),
        ],
        out_specs=pl.BlockSpec((NB, C), lambda i: (i, 0)),
        out_shape=jax.ShapeDtypeStruct((N, C), f32),
    )(gx, rel1d.reshape(3, E), m16, kpw)

    out = pl.pallas_call(
        _epilogue_body,
        out_shape=jax.ShapeDtypeStruct((N, C), f32),
    )(conv, feat, W3.T, g2, b2, g3, b3)
    return out

# --- scband reference (transcript-rebuilt; emitter-appended) ---
"""Pipeline reference for scband-kpne-xt-3822520893925 (READ-ONLY COPY).

The authoritative reference and input builder live on the scoring server;
editing this copy changes nothing except your own understanding.
"""

import jax, jax.numpy as jnp
import numpy as np

N = 10000      # points
H = 32         # knn neighbours
C = 128        # embed_channels
K = 1 + 14 + 28  # total kernel points (sum of shell_sizes) = 43
SIGMA = 1.0    # = radius


def _bn(x, g, b):
    # PointBatchNorm / nn.BatchNorm1d in train mode: batch statistics over the point dim
    m = jnp.mean(x, axis=0)
    v = jnp.var(x, axis=0)
    return (x - m) / jnp.sqrt(v + 1e-5) * g + b


def setup_inputs(seed: int = 0) -> dict:
    key = jax.random.key(seed)
    ks = jax.random.split(key, 8)
    coord = jax.random.uniform(ks[0], (N, 3), dtype=jnp.float32) * 10.0
    feat = jax.random.normal(ks[1], (N, C), dtype=jnp.float32)
    reference_index = jax.random.randint(ks[2], (N, H), 0, N)
    # learned parameters
    W1 = jax.random.normal(ks[3], (C, C), dtype=jnp.float32) / np.sqrt(C)   # fc1 (bias=False)
    W3 = jax.random.normal(ks[4], (C, C), dtype=jnp.float32) / np.sqrt(C)   # fc3 (bias=False)
    kernel_points = jax.random.normal(ks[5], (K, 3), dtype=jnp.float32) * (SIGMA * 0.5)
    kp_weights = jax.random.normal(ks[6], (K, C), dtype=jnp.float32) / np.sqrt(K)  # KPConvD depthwise weights
    g1 = jnp.ones((C,), jnp.float32); b1 = jnp.zeros((C,), jnp.float32)
    g2 = jnp.ones((C,), jnp.float32); b2 = jnp.zeros((C,), jnp.float32)
    g3 = jnp.ones((C,), jnp.float32); b3 = jnp.zeros((C,), jnp.float32)
    return {
        "coord": coord, "feat": feat,
        "W1": W1, "W3": W3,
        "kernel_points": kernel_points, "kp_weights": kp_weights,
        "g1": g1, "b1": b1, "g2": g2, "b2": b2, "g3": g3, "b3": b3,
        "reference_index": reference_index,
    }


def reference(coord, feat, W1, W3, kernel_points, kp_weights, g1, b1, g2, b2, g3, b3, reference_index):
    # KPNeXt Block forward (groups=0 -> KPConvD, depthwise kernel-point conv)
    identity = feat
    # fc1 -> norm1 -> relu
    x = jax.nn.relu(_bn(feat @ W1.T, g1, b1))
    # ---- KPConvD message passing ----
    neighb_feats = x[reference_index]                       # gather  [N, H, C]
    neighb_pts = coord[reference_index] - coord[:, None, :]  # gather  [N, H, 3]
    diffs = neighb_pts[:, :, None, :] - kernel_points[None, None, :, :]  # [N, H, K, 3]
    sq_d = jnp.sum(diffs * diffs, axis=-1)                   # [N, H, K]
    # linear influence: max(0, 1 - d / sigma)
    infl = jax.nn.relu(1.0 - jnp.sqrt(sq_d + 1e-12) / SIGMA)  # [N, H, K]
    weighted = jnp.einsum('nhk,nhc->nkc', infl, neighb_feats)  # [N, K, C]
    conv = jnp.einsum('nkc,kc->nc', weighted, kp_weights)      # depthwise combine [N, C]
    # norm2 -> relu
    x = jax.nn.relu(_bn(conv, g2, b2))
    # fc3 -> norm3
    x = _bn(x @ W3.T, g3, b3)
    # residual + relu (drop_path = identity at rate 0)
    return jax.nn.relu(identity + x)

if __name__ == "__main__":
    import jax
    _d = setup_inputs()
    print(jax.jit(kernel)(*tuple(_d.values())))

</pallas_src>

<mosaic_0001>
#map = affine_map<(d0, d1) -> (0, 0)>
#map1 = affine_map<(d0, d1) -> (0)>
#map2 = affine_map<(d0, d1) -> (0, 0, 0)>
module attributes {stable_mosaic.version = 14 : i64} {
  func.func @_sc_gather_body(%arg0: i32, %arg1: i32, %arg2: memref<10000x128xf32, #tpu.memory_space<hbm>>, %arg3: memref<10000xf32, #tpu.memory_space<hbm>>, %arg4: memref<10000xf32, #tpu.memory_space<hbm>>, %arg5: memref<10000xf32, #tpu.memory_space<hbm>>, %arg6: memref<32x125x80xi32, #tpu.memory_space<hbm>>, %arg7: memref<320000x128xf32, #tpu.memory_space<hbm>>, %arg8: memref<960000xf32, #tpu.memory_space<hbm>>, %arg9: memref<125x80xi32, #tpu.memory_space<vmem>>, %arg10: memref<5x80x128xf32, #tpu.memory_space<vmem>>, %arg11: memref<10000xf32, #tpu.memory_space<vmem>>, %arg12: memref<10000xf32, #tpu.memory_space<vmem>>, %arg13: memref<10000xf32, #tpu.memory_space<vmem>>, %arg14: memref<10000xf32, #tpu.memory_space<vmem>>, %arg15: memref<10000xf32, #tpu.memory_space<vmem>>, %arg16: memref<10000xf32, #tpu.memory_space<vmem>>, %arg17: memref<!tpu.dma_semaphore, #tpu.memory_space<semaphore_mem>>, %arg18: memref<!tpu.dma_semaphore, #tpu.memory_space<semaphore_mem>>, %arg19: memref<!tpu.dma_semaphore, #tpu.memory_space<semaphore_mem>>, %arg20: memref<!tpu.dma_semaphore, #tpu.memory_space<semaphore_mem>>, %arg21: memref<!tpu.dma_semaphore, #tpu.memory_space<semaphore_mem>>, %arg22: memref<!tpu.dma_semaphore, #tpu.memory_space<semaphore_mem>>, %arg23: memref<!tpu.dma_semaphore, #tpu.memory_space<semaphore_mem>>, %arg24: memref<!tpu.dma_semaphore, #tpu.memory_space<semaphore_mem>>, %arg25: memref<!tpu.dma_semaphore, #tpu.memory_space<semaphore_mem>>, %arg26: memref<!tpu.dma_semaphore, #tpu.memory_space<semaphore_mem>>) attributes {dimension_semantics = [#tpu.dimension_semantics<core_parallel>, #tpu.dimension_semantics<subcore_parallel>], iteration_bounds = array<i64: 2, 16>, scalar_prefetch = 0 : i64, scratch_operands = 18 : i64, tpu.core_type = #tpu.core_type<sc_vector_subcore>, window_params = [{transform_indices = #map}, {transform_indices = #map1}, {transform_indices = #map1}, {transform_indices = #map1}, {transform_indices = #map2}, {transform_indices = #map}, {transform_indices = #map1}]} {
    %mul3A = arith.constant 2 : i32
    %mul3A_0 = arith.muli %arg1, %mul3A : i32
    %add3A = arith.addi %mul3A_0, %arg0 : i32
    "tpu.region"() ({
      %run_scoped3A = tpu.sem_alloc : memref<!tpu.dma_semaphore, #tpu.memory_space<semaphore_mem>>
      %dma_start3A_71 = arith.constant 0 : i32
      %dma_start3A_72 = arith.constant 0 : i32
      %dma_start3A_73 = tpu.memref_slice %arg6[%add3A, %dma_start3A_71, %dma_start3A_72] : memref<32x125x80xi32, #tpu.memory_space<hbm>> -> memref<1x125x80xi32, #tpu.memory_space<hbm>>
      %dma_start3A_74 = tpu.memref_squeeze %dma_start3A_73 : memref<1x125x80xi32, #tpu.memory_space<hbm>> -> memref<125x80xi32, #tpu.memory_space<hbm>>
      %dma_start3A_75 = arith.constant 0 : i32
      %dma_start3A_76 = arith.constant 0 : i32
      %dma_start3A_77 = tpu.memref_slice %arg6[%add3A, %dma_start3A_75, %dma_start3A_76] : memref<32x125x80xi32, #tpu.memory_space<hbm>> -> memref<1x125x80xi32, #tpu.memory_space<hbm>>
      %dma_start3A_78 = tpu.memref_squeeze %dma_start3A_77 : memref<1x125x80xi32, #tpu.memory_space<hbm>> -> memref<125x80xi32, #tpu.memory_space<hbm>>
      tpu.enqueue_dma source(%dma_start3A_78 : memref<125x80xi32, #tpu.memory_space<hbm>>) target(%arg9 : memref<125x80xi32, #tpu.memory_space<vmem>>) target_semaphore(%run_scoped3A : memref<!tpu.dma_semaphore, #tpu.memory_space<semaphore_mem>>)
      %dma_wait3A = arith.constant 0 : i32
      %dma_wait3A_79 = arith.constant 0 : i32
      %dma_wait3A_80 = tpu.memref_slice %arg6[%add3A, %dma_wait3A, %dma_wait3A_79] : memref<32x125x80xi32, #tpu.memory_space<hbm>> -> memref<1x125x80xi32, #tpu.memory_space<hbm>>
      %dma_wait3A_81 = tpu.memref_squeeze %dma_wait3A_80 : memref<1x125x80xi32, #tpu.memory_space<hbm>> -> memref<125x80xi32, #tpu.memory_space<hbm>>
      %dma_wait3A_82 = arith.constant 0 : i32
      %dma_wait3A_83 = arith.constant 0 : i32
      %dma_wait3A_84 = tpu.memref_slice %arg6[%add3A, %dma_wait3A_82, %dma_wait3A_83] : memref<32x125x80xi32, #tpu.memory_space<hbm>> -> memref<1x125x80xi32, #tpu.memory_space<hbm>>
      %dma_wait3A_85 = tpu.memref_squeeze %dma_wait3A_84 : memref<1x125x80xi32, #tpu.memory_space<hbm>> -> memref<125x80xi32, #tpu.memory_space<hbm>>
      tpu.wait_dma2 semaphore(%run_scoped3A : memref<!tpu.dma_semaphore, #tpu.memory_space<semaphore_mem>>) src(%dma_wait3A_85 : memref<125x80xi32, #tpu.memory_space<hbm>>) dst(%arg9 : memref<125x80xi32, #tpu.memory_space<vmem>>)
      tpu.yield
    }) : () -> ()
    "tpu.region"() ({
      %run_scoped3A = tpu.sem_alloc : memref<!tpu.dma_semaphore, #tpu.memory_space<semaphore_mem>>
      tpu.enqueue_dma source(%arg3 : memref<10000xf32, #tpu.memory_space<hbm>>) target(%arg11 : memref<10000xf32, #tpu.memory_space<vmem>>) target_semaphore(%run_scoped3A : memref<!tpu.dma_semaphore, #tpu.memory_space<semaphore_mem>>)
      tpu.wait_dma2 semaphore(%run_scoped3A : memref<!tpu.dma_semaphore, #tpu.memory_space<semaphore_mem>>) src(%arg3 : memref<10000xf32, #tpu.memory_space<hbm>>) dst(%arg11 : memref<10000xf32, #tpu.memory_space<vmem>>)
      tpu.yield
    }) : () -> ()
    "tpu.region"() ({
      %run_scoped3A = tpu.sem_alloc : memref<!tpu.dma_semaphore, #tpu.memory_space<semaphore_mem>>
      tpu.enqueue_dma source(%arg4 : memref<10000xf32, #tpu.memory_space<hbm>>) target(%arg12 : memref<10000xf32, #tpu.memory_space<vmem>>) target_semaphore(%run_scoped3A : memref<!tpu.dma_semaphore, #tpu.memory_space<semaphore_mem>>)
      tpu.wait_dma2 semaphore(%run_scoped3A : memref<!tpu.dma_semaphore, #tpu.memory_space<semaphore_mem>>) src(%arg4 : memref<10000xf32, #tpu.memory_space<hbm>>) dst(%arg12 : memref<10000xf32, #tpu.memory_space<vmem>>)
      tpu.yield
    }) : () -> ()
    "tpu.region"() ({
      %run_scoped3A = tpu.sem_alloc : memref<!tpu.dma_semaphore, #tpu.memory_space<semaphore_mem>>
      tpu.enqueue_dma source(%arg5 : memref<10000xf32, #tpu.memory_space<hbm>>) target(%arg13 : memref<10000xf32, #tpu.memory_space<vmem>>) target_semaphore(%run_scoped3A : memref<!tpu.dma_semaphore, #tpu.memory_space<semaphore_mem>>)
      tpu.wait_dma2 semaphore(%run_scoped3A : memref<!tpu.dma_semaphore, #tpu.memory_space<semaphore_mem>>) src(%arg5 : memref<10000xf32, #tpu.memory_space<hbm>>) dst(%arg13 : memref<10000xf32, #tpu.memory_space<vmem>>)
      tpu.yield
    }) : () -> ()
    %iota3A = tpu.iota {dimensions = array<i32: 0>} : vector<16xi32>
    %mul3A_1 = arith.constant 10000 : i32
    %mul3A_2 = arith.muli %add3A, %mul3A_1 : i32
    %multiple_of3A = tpu.assume_multiple %mul3A_2, 8 : i32
    %dma_start3A = arith.constant 0 : i32
    %dma_start3A_3 = arith.constant 0 : i32
    %dma_start3A_4 = arith.constant 0 : i32
    %dma_start3A_5 = arith.constant 0 : i32
    %dma_start3A_6 = tpu.memref_slice %arg10[%dma_start3A_3, %dma_start3A_4, %dma_start3A_5] : memref<5x80x128xf32, #tpu.memory_space<vmem>> -> memref<1x80x128xf32, #tpu.memory_space<vmem>>
    %dma_start3A_7 = tpu.memref_squeeze %dma_start3A_6 : memref<1x80x128xf32, #tpu.memory_space<vmem>> -> memref<80x128xf32, #tpu.memory_space<vmem>>
    %dma_start3A_8 = arith.constant 0 : i32
    %dma_start3A_9 = tpu.memref_slice %arg9[%dma_start3A, %dma_start3A_8] : memref<125x80xi32, #tpu.memory_space<vmem>> -> memref<1x80xi32, #tpu.memory_space<vmem>>
    %dma_start3A_10 = tpu.memref_squeeze %dma_start3A_9 : memref<1x80xi32, #tpu.memory_space<vmem>> -> memref<80xi32, #tpu.memory_space<vmem>>
    %dma_start3A_11 = arith.constant 0 : i32
    %dma_start3A_12 = arith.constant 0 : i32
    %dma_start3A_13 = tpu.memref_slice %arg2[%dma_start3A_11, %dma_start3A_12] : memref<10000x128xf32, #tpu.memory_space<hbm>> -> memref<10000x128xf32, #tpu.memory_space<hbm>>
    tpu.enqueue_indirect_dma source(%dma_start3A_13 : memref<10000x128xf32, #tpu.memory_space<hbm>>) target(%dma_start3A_7 : memref<80x128xf32, #tpu.memory_space<vmem>>) offsets(%dma_start3A_10 : memref<80xi32, #tpu.memory_space<vmem>>) semaphore(%arg17 : memref<!tpu.dma_semaphore, #tpu.memory_space<semaphore_mem>>)
    %dma_start3A_14 = arith.constant 1 : i32
    %dma_start3A_15 = arith.constant 1 : i32
    %dma_start3A_16 = arith.constant 0 : i32
    %dma_start3A_17 = arith.constant 0 : i32
    %dma_start3A_18 = tpu.memref_slice %arg10[%dma_start3A_15, %dma_start3A_16, %dma_start3A_17] : memref<5x80x128xf32, #tpu.memory_space<vmem>> -> memref<1x80x128xf32, #tpu.memory_space<vmem>>
    %dma_start3A_19 = tpu.memref_squeeze %dma_start3A_18 : memref<1x80x128xf32, #tpu.memory_space<vmem>> -> memref<80x128xf32, #tpu.memory_space<vmem>>
    %dma_start3A_20 = arith.constant 0 : i32
    %dma_start3A_21 = tpu.memref_slice %arg9[%dma_start3A_14, %dma_start3A_20] : memref<125x80xi32, #tpu.memory_space<vmem>> -> memref<1x80xi32, #tpu.memory_space<vmem>>
    %dma_start3A_22 = tpu.memref_squeeze %dma_start3A_21 : memref<1x80xi32, #tpu.memory_space<vmem>> -> memref<80xi32, #tpu.memory_space<vmem>>
    %dma_start3A_23 = arith.constant 0 : i32
    %dma_start3A_24 = arith.constant 0 : i32
    %dma_start3A_25 = tpu.memref_slice %arg2[%dma_start3A_23, %dma_start3A_24] : memref<10000x128xf32, #tpu.memory_space<hbm>> -> memref<10000x128xf32, #tpu.memory_space<hbm>>
    tpu.enqueue_indirect_dma source(%dma_start3A_25 : memref<10000x128xf32, #tpu.memory_space<hbm>>) target(%dma_start3A_19 : memref<80x128xf32, #tpu.memory_space<vmem>>) offsets(%dma_start3A_22 : memref<80xi32, #tpu.memory_space<vmem>>) semaphore(%arg18 : memref<!tpu.dma_semaphore, #tpu.memory_space<semaphore_mem>>)
    %dma_start3A_26 = arith.constant 2 : i32
    %dma_start3A_27 = arith.constant 2 : i32
    %dma_start3A_28 = arith.constant 0 : i32
    %dma_start3A_29 = arith.constant 0 : i32
    %dma_start3A_30 = tpu.memref_slice %arg10[%dma_start3A_27, %dma_start3A_28, %dma_start3A_29] : memref<5x80x128xf32, #tpu.memory_space<vmem>> -> memref<1x80x128xf32, #tpu.memory_space<vmem>>
    %dma_start3A_31 = tpu.memref_squeeze %dma_start3A_30 : memref<1x80x128xf32, #tpu.memory_space<vmem>> -> memref<80x128xf32, #tpu.memory_space<vmem>>
    %dma_start3A_32 = arith.constant 0 : i32
    %dma_start3A_33 = tpu.memref_slice %arg9[%dma_start3A_26, %dma_start3A_32] : memref<125x80xi32, #tpu.memory_space<vmem>> -> memref<1x80xi32, #tpu.memory_space<vmem>>
    %dma_start3A_34 = tpu.memref_squeeze %dma_start3A_33 : memref<1x80xi32, #tpu.memory_space<vmem>> -> memref<80xi32, #tpu.memory_space<vmem>>
    %dma_start3A_35 = arith.constant 0 : i32
    %dma_start3A_36 = arith.constant 0 : i32
    %dma_start3A_37 = tpu.memref_slice %arg2[%dma_start3A_35, %dma_start3A_36] : memref<10000x128xf32, #tpu.memory_space<hbm>> -> memref<10000x128xf32, #tpu.memory_space<hbm>>
    tpu.enqueue_indirect_dma source(%dma_start3A_37 : memref<10000x128xf32, #tpu.memory_space<hbm>>) target(%dma_start3A_31 : memref<80x128xf32, #tpu.memory_space<vmem>>) offsets(%dma_start3A_34 : memref<80xi32, #tpu.memory_space<vmem>>) semaphore(%arg19 : memref<!tpu.dma_semaphore, #tpu.memory_space<semaphore_mem>>)
    %dma_start3A_38 = arith.constant 3 : i32
    %dma_start3A_39 = arith.constant 3 : i32
    %dma_start3A_40 = arith.constant 0 : i32
    %dma_start3A_41 = arith.constant 0 : i32
    %dma_start3A_42 = tpu.memref_slice %arg10[%dma_start3A_39, %dma_start3A_40, %dma_start3A_41] : memref<5x80x128xf32, #tpu.memory_space<vmem>> -> memref<1x80x128xf32, #tpu.memory_space<vmem>>
    %dma_start3A_43 = tpu.memref_squeeze %dma_start3A_42 : memref<1x80x128xf32, #tpu.memory_space<vmem>> -> memref<80x128xf32, #tpu.memory_space<vmem>>
    %dma_start3A_44 = arith.constant 0 : i32
    %dma_start3A_45 = tpu.memref_slice %arg9[%dma_start3A_38, %dma_start3A_44] : memref<125x80xi32, #tpu.memory_space<vmem>> -> memref<1x80xi32, #tpu.memory_space<vmem>>
    %dma_start3A_46 = tpu.memref_squeeze %dma_start3A_45 : memref<1x80xi32, #tpu.memory_space<vmem>> -> memref<80xi32, #tpu.memory_space<vmem>>
    %dma_start3A_47 = arith.constant 0 : i32
    %dma_start3A_48 = arith.constant 0 : i32
    %dma_start3A_49 = tpu.memref_slice %arg2[%dma_start3A_47, %dma_start3A_48] : memref<10000x128xf32, #tpu.memory_space<hbm>> -> memref<10000x128xf32, #tpu.memory_space<hbm>>
    tpu.enqueue_indirect_dma source(%dma_start3A_49 : memref<10000x128xf32, #tpu.memory_space<hbm>>) target(%dma_start3A_43 : memref<80x128xf32, #tpu.memory_space<vmem>>) offsets(%dma_start3A_46 : memref<80xi32, #tpu.memory_space<vmem>>) semaphore(%arg20 : memref<!tpu.dma_semaphore, #tpu.memory_space<semaphore_mem>>)
    %dma_start3A_50 = arith.constant 4 : i32
    %dma_start3A_51 = arith.constant 4 : i32
    %dma_start3A_52 = arith.constant 0 : i32
    %dma_start3A_53 = arith.constant 0 : i32
    %dma_start3A_54 = tpu.memref_slice %arg10[%dma_start3A_51, %dma_start3A_52, %dma_start3A_53] : memref<5x80x128xf32, #tpu.memory_space<vmem>> -> memref<1x80x128xf32, #tpu.memory_space<vmem>>
    %dma_start3A_55 = tpu.memref_squeeze %dma_start3A_54 : memref<1x80x128xf32, #tpu.memory_space<vmem>> -> memref<80x128xf32, #tpu.memory_space<vmem>>
    %dma_start3A_56 = arith.constant 0 : i32
    %dma_start3A_57 = tpu.memref_slice %arg9[%dma_start3A_50, %dma_start3A_56] : memref<125x80xi32, #tpu.memory_space<vmem>> -> memref<1x80xi32, #tpu.memory_space<vmem>>
    %dma_start3A_58 = tpu.memref_squeeze %dma_start3A_57 : memref<1x80xi32, #tpu.memory_space<vmem>> -> memref<80xi32, #tpu.memory_space<vmem>>
    %dma_start3A_59 = arith.constant 0 : i32
    %dma_start3A_60 = arith.constant 0 : i32
    %dma_start3A_61 = tpu.memref_slice %arg2[%dma_start3A_59, %dma_start3A_60] : memref<10000x128xf32, #tpu.memory_space<hbm>> -> memref<10000x128xf32, #tpu.memory_space<hbm>>
    tpu.enqueue_indirect_dma source(%dma_start3A_61 : memref<10000x128xf32, #tpu.memory_space<hbm>>) target(%dma_start3A_55 : memref<80x128xf32, #tpu.memory_space<vmem>>) offsets(%dma_start3A_58 : memref<80xi32, #tpu.memory_space<vmem>>) semaphore(%arg21 : memref<!tpu.dma_semaphore, #tpu.memory_space<semaphore_mem>>)
    %scan3A = arith.constant 0 : i32
    %scan3A_62 = arith.constant 0 : i32
    %scan3A_63 = arith.constant 25 : i32
    %scan3A_64 = arith.addi %scan3A_62, %scan3A_63 : i32
    %scan3A_65 = arith.constant 1 : i32
    scf.for %scan3A_71 = %scan3A_62 to %scan3A_64 step %scan3A_65  : i32 {
      %mul3A_72 = arith.constant 5 : i32
      %mul3A_73 = arith.muli %scan3A_71, %mul3A_72 : i32
      %add3A_74 = arith.constant 0 : i32
      %add3A_75 = arith.addi %mul3A_73, %add3A_74 : i32
      %get3A = arith.index_cast %add3A_75 : i32 to index
      %get3A_76 = arith.constant 0 : index
      %get3A_77 = tpu.vector_load %arg9[%get3A, %get3A_76] {strides = array<i32>} : memref<125x80xi32, #tpu.memory_space<vmem>>, vector<16xi32>,
      %mul3A_78 = arith.constant 80 : i32
      %mul3A_79 = arith.muli %add3A_75, %mul3A_78 : i32
      %add3A_80 = arith.addi %multiple_of3A, %mul3A_79 : i32
      %add3A_81 = arith.constant 0 : i32
      %add3A_82 = arith.addi %add3A_80, %add3A_81 : i32
      %add3A_83 = vector.broadcast %add3A_82 : i32 to vector<16xi32>
      %add3A_84 = arith.addi %add3A_83, %iota3A : vector<16xi32>
      %shift_right_logical3A = arith.constant 5 : i32
      %shift_right_logical3A_85 = vector.broadcast %shift_right_logical3A : i32 to vector<16xi32>
      %shift_right_logical3A_86 = arith.shrui %add3A_84, %shift_right_logical3A_85 : vector<16xi32>
      %mul3A_87 = arith.constant 80 : i32
      %mul3A_88 = arith.muli %add3A_75, %mul3A_87 : i32
      %add3A_89 = arith.constant 0 : i32
      %add3A_90 = arith.addi %mul3A_88, %add3A_89 : i32
      %gather3A = tpu.vector_load_idx %arg11[%get3A_77] : memref<10000xf32, #tpu.memory_space<vmem>>[vector<16xi32>], vector<16xf32>,
      %gather3A_91 = tpu.vector_load_idx %arg11[%shift_right_logical3A_86] : memref<10000xf32, #tpu.memory_space<vmem>>[vector<16xi32>], vector<16xf32>,
      %sub3A = arith.subf %gather3A, %gather3A_91 : vector<16xf32>
      %swap3A = arith.index_cast %add3A_90 : i32 to index
      %swap3A_92 = tpu.vector_load %arg14[%swap3A] {strides = array<i32>} : memref<10000xf32, #tpu.memory_space<vmem>>, vector<16xf32>,
      tpu.vector_store %arg14[%swap3A], %sub3A {strides = array<i32>} : memref<10000xf32, #tpu.memory_space<vmem>>, vector<16xf32>,
      %gather3A_93 = tpu.vector_load_idx %arg12[%get3A_77] : memref<10000xf32, #tpu.memory_space<vmem>>[vector<16xi32>], vector<16xf32>,
      %gather3A_94 = tpu.vector_load_idx %arg12[%shift_right_logical3A_86] : memref<10000xf32, #tpu.memory_space<vmem>>[vector<16xi32>], vector<16xf32>,
      %sub3A_95 = arith.subf %gather3A_93, %gather3A_94 : vector<16xf32>
      %swap3A_96 = arith.index_cast %add3A_90 : i32 to index
      %swap3A_97 = tpu.vector_load %arg15[%swap3A_96] {strides = array<i32>} : memref<10000xf32, #tpu.memory_space<vmem>>, vector<16xf32>,
      tpu.vector_store %arg15[%swap3A_96], %sub3A_95 {strides = array<i32>} : memref<10000xf32, #tpu.memory_space<vmem>>, vector<16xf32>,
      %gather3A_98 = tpu.vector_load_idx %arg13[%get3A_77] : memref<10000xf32, #tpu.memory_space<vmem>>[vector<16xi32>], vector<16xf32>,
      %gather3A_99 = tpu.vector_load_idx %arg13[%shift_right_logical3A_86] : memref<10000xf32, #tpu.memory_space<vmem>>[vector<16xi32>], vector<16xf32>,
      %sub3A_100 = arith.subf %gather3A_98, %gather3A_99 : vector<16xf32>
      %swap3A_101 = arith.index_cast %add3A_90 : i32 to index
      %swap3A_102 = tpu.vector_load %arg16[%swap3A_101] {strides = array<i32>} : memref<10000xf32, #tpu.memory_space<vmem>>, vector<16xf32>,
      tpu.vector_store %arg16[%swap3A_101], %sub3A_100 {strides = array<i32>} : memref<10000xf32, #tpu.memory_space<vmem>>, vector<16xf32>,
      %get3A_103 = arith.index_cast %add3A_75 : i32 to index
      %get3A_104 = arith.constant 16 : index
      %get3A_105 = tpu.vector_load %arg9[%get3A_103, %get3A_104] {strides = array<i32>} : memref<125x80xi32, #tpu.memory_space<vmem>>, vector<16xi32>,
      %mul3A_106 = arith.constant 80 : i32
      %mul3A_107 = arith.muli %add3A_75, %mul3A_106 : i32
      %add3A_108 = arith.addi %multiple_of3A, %mul3A_107 : i32
      %add3A_109 = arith.constant 16 : i32
      %add3A_110 = arith.addi %add3A_108, %add3A_109 : i32
      %add3A_111 = vector.broadcast %add3A_110 : i32 to vector<16xi32>
      %add3A_112 = arith.addi %add3A_111, %iota3A : vector<16xi32>
      %shift_right_logical3A_113 = arith.constant 5 : i32
      %shift_right_logical3A_114 = vector.broadcast %shift_right_logical3A_113 : i32 to vector<16xi32>
      %shift_right_logical3A_115 = arith.shrui %add3A_112, %shift_right_logical3A_114 : vector<16xi32>
      %mul3A_116 = arith.constant 80 : i32
      %mul3A_117 = arith.muli %add3A_75, %mul3A_116 : i32
      %add3A_118 = arith.constant 16 : i32
      %add3A_119 = arith.addi %mul3A_117, %add3A_118 : i32
      %gather3A_120 = tpu.vector_load_idx %arg11[%get3A_105] : memref<10000xf32, #tpu.memory_space<vmem>>[vector<16xi32>], vector<16xf32>,
      %gather3A_121 = tpu.vector_load_idx %arg11[%shift_right_logical3A_115] : memref<10000xf32, #tpu.memory_space<vmem>>[vector<16xi32>], vector<16xf32>,
      %sub3A_122 = arith.subf %gather3A_120, %gather3A_121 : vector<16xf32>
      %swap3A_123 = arith.index_cast %add3A_119 : i32 to index
      %swap3A_124 = tpu.vector_load %arg14[%swap3A_123] {strides = array<i32>} : memref<10000xf32, #tpu.memory_space<vmem>>, vector<16xf32>,
      tpu.vector_store %arg14[%swap3A_123], %sub3A_122 {strides = array<i32>} : memref<10000xf32, #tpu.memory_space<vmem>>, vector<16xf32>,
      %gather3A_125 = tpu.vector_load_idx %arg12[%get3A_105] : memref<10000xf32, #tpu.memory_space<vmem>>[vector<16xi32>], vector<16xf32>,
      %gather3A_126 = tpu.vector_load_idx %arg12[%shift_right_logical3A_115] : memref<10000xf32, #tpu.memory_space<vmem>>[vector<16xi32>], vector<16xf32>,
      %sub3A_127 = arith.subf %gather3A_125, %gather3A_126 : vector<16xf32>
      %swap3A_128 = arith.index_cast %add3A_119 : i32 to index
      %swap3A_129 = tpu.vector_load %arg15[%swap3A_128] {strides = array<i32>} : memref<10000xf32, #tpu.memory_space<vmem>>, vector<16xf32>,
      tpu.vector_store %arg15[%swap3A_128], %sub3A_127 {strides = array<i32>} : memref<10000xf32, #tpu.memory_space<vmem>>, vector<16xf32>,
      %gather3A_130 = tpu.vector_load_idx %arg13[%get3A_105] : memref<10000xf32, #tpu.memory_space<vmem>>[vector<16xi32>], vector<16xf32>,
      %gather3A_131 = tpu.vector_load_idx %arg13[%shift_right_logical3A_115] : memref<10000xf32, #tpu.memory_space<vmem>>[vector<16xi32>], vector<16xf32>,
      %sub3A_132 = arith.subf %gather3A_130, %gather3A_131 : vector<16xf32>
      %swap3A_133 = arith.index_cast %add3A_119 : i32 to index
      %swap3A_134 = tpu.vector_load %arg16[%swap3A_133] {strides = array<i32>} : memref<10000xf32, #tpu.memory_space<vmem>>, vector<16xf32>,
      tpu.vector_store %arg16[%swap3A_133], %sub3A_132 {strides = array<i32>} : memref<10000xf32, #tpu.memory_space<vmem>>, vector<16xf32>,
      %get3A_135 = arith.index_cast %add3A_75 : i32 to index
      %get3A_136 = arith.constant 32 : index
      %get3A_137 = tpu.vector_load %arg9[%get3A_135, %get3A_136] {strides = array<i32>} : memref<125x80xi32, #tpu.memory_space<vmem>>, vector<16xi32>,
      %mul3A_138 = arith.constant 80 : i32
      %mul3A_139 = arith.muli %add3A_75, %mul3A_138 : i32
      %add3A_140 = arith.addi %multiple_of3A, %mul3A_139 : i32
      %add3A_141 = arith.constant 32 : i32
      %add3A_142 = arith.addi %add3A_140, %add3A_141 : i32
      %add3A_143 = vector.broadcast %add3A_142 : i32 to vector<16xi32>
      %add3A_144 = arith.addi %add3A_143, %iota3A : vector<16xi32>
      %shift_right_logical3A_145 = arith.constant 5 : i32
      %shift_right_logical3A_146 = vector.broadcast %shift_right_logical3A_145 : i32 to vector<16xi32>
      %shift_right_logical3A_147 = arith.shrui %add3A_144, %shift_right_logical3A_146 : vector<16xi32>
      %mul3A_148 = arith.constant 80 : i32
      %mul3A_149 = arith.muli %add3A_75, %mul3A_148 : i32
      %add3A_150 = arith.constant 32 : i32
      %add3A_151 = arith.addi %mul3A_149, %add3A_150 : i32
      %gather3A_152 = tpu.vector_load_idx %arg11[%get3A_137] : memref<10000xf32, #tpu.memory_space<vmem>>[vector<16xi32>], vector<16xf32>,
      %gather3A_153 = tpu.vector_load_idx %arg11[%shift_right_logical3A_147] : memref<10000xf32, #tpu.memory_space<vmem>>[vector<16xi32>], vector<16xf32>,
      %sub3A_154 = arith.subf %gather3A_152, %gather3A_153 : vector<16xf32>
      %swap3A_155 = arith.index_cast %add3A_151 : i32 to index
      %swap3A_156 = tpu.vector_load %arg14[%swap3A_155] {strides = array<i32>} : memref<10000xf32, #tpu.memory_space<vmem>>, vector<16xf32>,
      tpu.vector_store %arg14[%swap3A_155], %sub3A_154 {strides = array<i32>} : memref<10000xf32, #tpu.memory_space<vmem>>, vector<16xf32>,
      %gather3A_157 = tpu.vector_load_idx %arg12[%get3A_137] : memref<10000xf32, #tpu.memory_space<vmem>>[vector<16xi32>], vector<16xf32>,
      %gather3A_158 = tpu.vector_load_idx %arg12[%shift_right_logical3A_147] : memref<10000xf32, #tpu.memory_space<vmem>>[vector<16xi32>], vector<16xf32>,
      %sub3A_159 = arith.subf %gather3A_157, %gather3A_158 : vector<16xf32>
      %swap3A_160 = arith.index_cast %add3A_151 : i32 to index
      %swap3A_161 = tpu.vector_load %arg15[%swap3A_160] {strides = array<i32>} : memref<10000xf32, #tpu.memory_space<vmem>>, vector<16xf32>,
      tpu.vector_store %arg15[%swap3A_160], %sub3A_159 {strides = array<i32>} : memref<10000xf32, #tpu.memory_space<vmem>>, vector<16xf32>,
      %gather3A_162 = tpu.vector_load_idx %arg13[%get3A_137] : memref<10000xf32, #tpu.memory_space<vmem>>[vector<16xi32>], vector<16xf32>,
      %gather3A_163 = tpu.vector_load_idx %arg13[%shift_right_logical3A_147] : memref<10000xf32, #tpu.memory_space<vmem>>[vector<16xi32>], vector<16xf32>,
      %sub3A_164 = arith.subf %gather3A_162, %gather3A_163 : vector<16xf32>
      %swap3A_165 = arith.index_cast %add3A_151 : i32 to index
      %swap3A_166 = tpu.vector_load %arg16[%swap3A_165] {strides = array<i32>} : memref<10000xf32, #tpu.memory_space<vmem>>, vector<16xf32>,
      tpu.vector_store %arg16[%swap3A_165], %sub3A_164 {strides = array<i32>} : memref<10000xf32, #tpu.memory_space<vmem>>, vector<16xf32>,
      %get3A_167 = arith.index_cast %add3A_75 : i32 to index
      %get3A_168 = arith.constant 48 : index
      %get3A_169 = tpu.vector_load %arg9[%get3A_167, %get3A_168] {strides = array<i32>} : memref<125x80xi32, #tpu.memory_space<vmem>>, vector<16xi32>,
      %mul3A_170 = arith.constant 80 : i32
      %mul3A_171 = arith.muli %add3A_75, %mul3A_170 : i32
      %add3A_172 = arith.addi %multiple_of3A, %mul3A_171 : i32
      %add3A_173 = arith.constant 48 : i32
      %add3A_174 = arith.addi %add3A_172, %add3A_173 : i32
      %add3A_175 = vector.broadcast %add3A_174 : i32 to vector<16xi32>
      %add3A_176 = arith.addi %add3A_175, %iota3A : vector<16xi32>
      %shift_right_logical3A_177 = arith.constant 5 : i32
      %shift_right_logical3A_178 = vector.broadcast %shift_right_logical3A_177 : i32 to vector<16xi32>
      %shift_right_logical3A_179 = arith.shrui %add3A_176, %shift_right_logical3A_178 : vector<16xi32>
      %mul3A_180 = arith.constant 80 : i32
      %mul3A_181 = arith.muli %add3A_75, %mul3A_180 : i32
      %add3A_182 = arith.constant 48 : i32
      %add3A_183 = arith.addi %mul3A_181, %add3A_182 : i32
      %gather3A_184 = tpu.vector_load_idx %arg11[%get3A_169] : memref<10000xf32, #tpu.memory_space<vmem>>[vector<16xi32>], vector<16xf32>,
      %gather3A_185 = tpu.vector_load_idx %arg11[%shift_right_logical3A_179] : memref<10000xf32, #tpu.memory_space<vmem>>[vector<16xi32>], vector<16xf32>,
      %sub3A_186 = arith.subf %gather3A_184, %gather3A_185 : vector<16xf32>
      %swap3A_187 = arith.index_cast %add3A_183 : i32 to index
      %swap3A_188 = tpu.vector_load %arg14[%swap3A_187] {strides = array<i32>} : memref<10000xf32, #tpu.memory_space<vmem>>, vector<16xf32>,
      tpu.vector_store %arg14[%swap3A_187], %sub3A_186 {strides = array<i32>} : memref<10000xf32, #tpu.memory_space<vmem>>, vector<16xf32>,
      %gather3A_189 = tpu.vector_load_idx %arg12[%get3A_169] : memref<10000xf32, #tpu.memory_space<vmem>>[vector<16xi32>], vector<16xf32>,
      %gather3A_190 = tpu.vector_load_idx %arg12[%shift_right_logical3A_179] : memref<10000xf32, #tpu.memory_space<vmem>>[vector<16xi32>], vector<16xf32>,
      %sub3A_191 = arith.subf %gather3A_189, %gather3A_190 : vector<16xf32>
      %swap3A_192 = arith.index_cast %add3A_183 : i32 to index
      %swap3A_193 = tpu.vector_load %arg15[%swap3A_192] {strides = array<i32>} : memref<10000xf32, #tpu.memory_space<vmem>>, vector<16xf32>,
      tpu.vector_store %arg15[%swap3A_192], %sub3A_191 {strides = array<i32>} : memref<10000xf32, #tpu.memory_space<vmem>>, vector<16xf32>,
      %gather3A_194 = tpu.vector_load_idx %arg13[%get3A_169] : memref<10000xf32, #tpu.memory_space<vmem>>[vector<16xi32>], vector<16xf32>,
      %gather3A_195 = tpu.vector_load_idx %arg13[%shift_right_logical3A_179] : memref<10000xf32, #tpu.memory_space<vmem>>[vector<16xi32>], vector<16xf32>,
      %sub3A_196 = arith.subf %gather3A_194, %gather3A_195 : vector<16xf32>
      %swap3A_197 = arith.index_cast %add3A_183 : i32 to index
      %swap3A_198 = tpu.vector_load %arg16[%swap3A_197] {strides = array<i32>} : memref<10000xf32, #tpu.memory_space<vmem>>, vector<16xf32>,
      tpu.vector_store %arg16[%swap3A_197], %sub3A_196 {strides = array<i32>} : memref<10000xf32, #tpu.memory_space<vmem>>, vector<16xf32>,
      %get3A_199 = arith.index_cast %add3A_75 : i32 to index
      %get3A_200 = arith.constant 64 : index
      %get3A_201 = tpu.vector_load %arg9[%get3A_199, %get3A_200] {strides = array<i32>} : memref<125x80xi32, #tpu.memory_space<vmem>>, vector<16xi32>,
      %mul3A_202 = arith.constant 80 : i32
      %mul3A_203 = arith.muli %add3A_75, %mul3A_202 : i32
      %add3A_204 = arith.addi %multiple_of3A, %mul3A_203 : i32
      %add3A_205 = arith.constant 64 : i32
      %add3A_206 = arith.addi %add3A_204, %add3A_205 : i32
      %add3A_207 = vector.broadcast %add3A_206 : i32 to vector<16xi32>
      %add3A_208 = arith.addi %add3A_207, %iota3A : vector<16xi32>
      %shift_right_logical3A_209 = arith.constant 5 : i32
      %shift_right_logical3A_210 = vector.broadcast %shift_right_logical3A_209 : i32 to vector<16xi32>
      %shift_right_logical3A_211 = arith.shrui %add3A_208, %shift_right_logical3A_210 : vector<16xi32>
      %mul3A_212 = arith.constant 80 : i32
      %mul3A_213 = arith.muli %add3A_75, %mul3A_212 : i32
      %add3A_214 = arith.constant 64 : i32
      %add3A_215 = arith.addi %mul3A_213, %add3A_214 : i32
      %gather3A_216 = tpu.vector_load_idx %arg11[%get3A_201] : memref<10000xf32, #tpu.memory_space<vmem>>[vector<16xi32>], vector<16xf32>,
      %gather3A_217 = tpu.vector_load_idx %arg11[%shift_right_logical3A_211] : memref<10000xf32, #tpu.memory_space<vmem>>[vector<16xi32>], vector<16xf32>,
      %sub3A_218 = arith.subf %gather3A_216, %gather3A_217 : vector<16xf32>
      %swap3A_219 = arith.index_cast %add3A_215 : i32 to index
      %swap3A_220 = tpu.vector_load %arg14[%swap3A_219] {strides = array<i32>} : memref<10000xf32, #tpu.memory_space<vmem>>, vector<16xf32>,
      tpu.vector_store %arg14[%swap3A_219], %sub3A_218 {strides = array<i32>} : memref<10000xf32, #tpu.memory_space<vmem>>, vector<16xf32>,
      %gather3A_221 = tpu.vector_load_idx %arg12[%get3A_201] : memref<10000xf32, #tpu.memory_space<vmem>>[vector<16xi32>], vector<16xf32>,
      %gather3A_222 = tpu.vector_load_idx %arg12[%shift_right_logical3A_211] : memref<10000xf32, #tpu.memory_space<vmem>>[vector<16xi32>], vector<16xf32>,
      %sub3A_223 = arith.subf %gather3A_221, %gather3A_222 : vector<16xf32>
      %swap3A_224 = arith.index_cast %add3A_215 : i32 to index
      %swap3A_225 = tpu.vector_load %arg15[%swap3A_224] {strides = array<i32>} : memref<10000xf32, #tpu.memory_space<vmem>>, vector<16xf32>,
      tpu.vector_store %arg15[%swap3A_224], %sub3A_223 {strides = array<i32>} : memref<10000xf32, #tpu.memory_space<vmem>>, vector<16xf32>,
      %gather3A_226 = tpu.vector_load_idx %arg13[%get3A_201] : memref<10000xf32, #tpu.memory_space<vmem>>[vector<16xi32>], vector<16xf32>,
      %gather3A_227 = tpu.vector_load_idx %arg13[%shift_right_logical3A_211] : memref<10000xf32, #tpu.memory_space<vmem>>[vector<16xi32>], vector<16xf32>,
      %sub3A_228 = arith.subf %gather3A_226, %gather3A_227 : vector<16xf32>
      %swap3A_229 = arith.index_cast %add3A_215 : i32 to index
      %swap3A_230 = tpu.vector_load %arg16[%swap3A_229] {strides = array<i32>} : memref<10000xf32, #tpu.memory_space<vmem>>, vector<16xf32>,
      tpu.vector_store %arg16[%swap3A_229], %sub3A_228 {strides = array<i32>} : memref<10000xf32, #tpu.memory_space<vmem>>, vector<16xf32>,
      %dma_wait3A = arith.constant 0 : i32
      %dma_wait3A_231 = arith.constant 0 : i32
      %dma_wait3A_232 = arith.constant 0 : i32
      %dma_wait3A_233 = tpu.memref_slice %arg10[%dma_wait3A, %dma_wait3A_231, %dma_wait3A_232] : memref<5x80x128xf32, #tpu.memory_space<vmem>> -> memref<1x80x128xf32, #tpu.memory_space<vmem>>
      %dma_wait3A_234 = tpu.memref_squeeze %dma_wait3A_233 : memref<1x80x128xf32, #tpu.memory_space<vmem>> -> memref<80x128xf32, #tpu.memory_space<vmem>>
      %dma_wait3A_235 = arith.constant 0 : i32
      %dma_wait3A_236 = arith.constant 0 : i32
      %dma_wait3A_237 = tpu.memref_slice %arg2[%dma_wait3A_235, %dma_wait3A_236] : memref<10000x128xf32, #tpu.memory_space<hbm>> -> memref<80x128xf32, #tpu.memory_space<hbm>>
      %dma_wait3A_238 = arith.constant 0 : i32
      %dma_wait3A_239 = arith.constant 0 : i32
      %dma_wait3A_240 = tpu.memref_slice %arg10[%dma_wait3A, %dma_wait3A_238, %dma_wait3A_239] : memref<5x80x128xf32, #tpu.memory_space<vmem>> -> memref<1x80x128xf32, #tpu.memory_space<vmem>>
      %dma_wait3A_241 = tpu.memref_squeeze %dma_wait3A_240 : memref<1x80x128xf32, #tpu.memory_space<vmem>> -> memref<80x128xf32, #tpu.memory_space<vmem>>
      %dma_wait3A_242 = arith.constant 0 : i32
      %dma_wait3A_243 = arith.constant 0 : i32
      %dma_wait3A_244 = tpu.memref_slice %arg2[%dma_wait3A_242, %dma_wait3A_243] : memref<10000x128xf32, #tpu.memory_space<hbm>> -> memref<80x128xf32, #tpu.memory_space<hbm>>
      tpu.wait_dma2 semaphore(%arg17 : memref<!tpu.dma_semaphore, #tpu.memory_space<semaphore_mem>>) src(%dma_wait3A_244 : memref<80x128xf32, #tpu.memory_space<hbm>>) dst(%dma_wait3A_241 : memref<80x128xf32, #tpu.memory_space<vmem>>)
      %mul3A_245 = arith.constant 80 : i32
      %mul3A_246 = arith.muli %add3A_75, %mul3A_245 : i32
      %add3A_247 = arith.addi %multiple_of3A, %mul3A_246 : i32
      %dma_start3A_248 = arith.constant 0 : i32
      %dma_start3A_249 = arith.constant 0 : i32
      %dma_start3A_250 = arith.constant 0 : i32
      %dma_start3A_251 = tpu.memref_slice %arg10[%dma_start3A_248, %dma_start3A_249, %dma_start3A_250] : memref<5x80x128xf32, #tpu.memory_space<vmem>> -> memref<1x80x128xf32, #tpu.memory_space<vmem>>
      %dma_start3A_252 = tpu.memref_squeeze %dma_start3A_251 : memref<1x80x128xf32, #tpu.memory_space<vmem>> -> memref<80x128xf32, #tpu.memory_space<vmem>>
      %dma_start3A_253 = arith.constant 0 : i32
      %dma_start3A_254 = tpu.memref_slice %arg7[%add3A_247, %dma_start3A_253] : memref<320000x128xf32, #tpu.memory_space<hbm>> -> memref<80x128xf32, #tpu.memory_space<hbm>>
      %dma_start3A_255 = arith.constant 0 : i32
      %dma_start3A_256 = tpu.memref_slice %arg7[%add3A_247, %dma_start3A_255] : memref<320000x128xf32, #tpu.memory_space<hbm>> -> memref<80x128xf32, #tpu.memory_space<hbm>>
      %dma_start3A_257 = arith.constant 0 : i32
      %dma_start3A_258 = arith.constant 0 : i32
      %dma_start3A_259 = tpu.memref_slice %arg10[%dma_start3A_248, %dma_start3A_257, %dma_start3A_258] : memref<5x80x128xf32, #tpu.memory_space<vmem>> -> memref<1x80x128xf32, #tpu.memory_space<vmem>>
      %dma_start3A_260 = tpu.memref_squeeze %dma_start3A_259 : memref<1x80x128xf32, #tpu.memory_space<vmem>> -> memref<80x128xf32, #tpu.memory_space<vmem>>
      tpu.enqueue_dma source(%dma_start3A_260 : memref<80x128xf32, #tpu.memory_space<vmem>>) target(%dma_start3A_256 : memref<80x128xf32, #tpu.memory_space<hbm>>) target_semaphore(%arg22 : memref<!tpu.dma_semaphore, #tpu.memory_space<semaphore_mem>>)
      %mul3A_261 = arith.constant 5 : i32
      %mul3A_262 = arith.muli %scan3A_71, %mul3A_261 : i32
      %add3A_263 = arith.constant 1 : i32
      %add3A_264 = arith.addi %mul3A_262, %add3A_263 : i32
      %get3A_265 = arith.index_cast %add3A_264 : i32 to index
      %get3A_266 = arith.constant 0 : index
      %get3A_267 = tpu.vector_load %arg9[%get3A_265, %get3A_266] {strides = array<i32>} : memref<125x80xi32, #tpu.memory_space<vmem>>, vector<16xi32>,
      %mul3A_268 = arith.constant 80 : i32
      %mul3A_269 = arith.muli %add3A_264, %mul3A_268 : i32
      %add3A_270 = arith.addi %multiple_of3A, %mul3A_269 : i32
      %add3A_271 = arith.constant 0 : i32
      %add3A_272 = arith.addi %add3A_270, %add3A_271 : i32
      %add3A_273 = vector.broadcast %add3A_272 : i32 to vector<16xi32>
      %add3A_274 = arith.addi %add3A_273, %iota3A : vector<16xi32>
      %shift_right_logical3A_275 = arith.constant 5 : i32
      %shift_right_logical3A_276 = vector.broadcast %shift_right_logical3A_275 : i32 to vector<16xi32>
      %shift_right_logical3A_277 = arith.shrui %add3A_274, %shift_right_logical3A_276 : vector<16xi32>
      %mul3A_278 = arith.constant 80 : i32
      %mul3A_279 = arith.muli %add3A_264, %mul3A_278 : i32
      %add3A_280 = arith.constant 0 : i32
      %add3A_281 = arith.addi %mul3A_279, %add3A_280 : i32
      %gather3A_282 = tpu.vector_load_idx %arg11[%get3A_267] : memref<10000xf32, #tpu.memory_space<vmem>>[vector<16xi32>], vector<16xf32>,
      %gather3A_283 = tpu.vector_load_idx %arg11[%shift_right_logical3A_277] : memref<10000xf32, #tpu.memory_space<vmem>>[vector<16xi32>], vector<16xf32>,
      %sub3A_284 = arith.subf %gather3A_282, %gather3A_283 : vector<16xf32>
      %swap3A_285 = arith.index_cast %add3A_281 : i32 to index
      %swap3A_286 = tpu.vector_load %arg14[%swap3A_285] {strides = array<i32>} : memref<10000xf32, #tpu.memory_space<vmem>>, vector<16xf32>,
      tpu.vector_store %arg14[%swap3A_285], %sub3A_284 {strides = array<i32>} : memref<10000xf32, #tpu.memory_space<vmem>>, vector<16xf32>,
      %gather3A_287 = tpu.vector_load_idx %arg12[%get3A_267] : memref<10000xf32, #tpu.memory_space<vmem>>[vector<16xi32>], vector<16xf32>,
      %gather3A_288 = tpu.vector_load_idx %arg12[%shift_right_logical3A_277] : memref<10000xf32, #tpu.memory_space<vmem>>[vector<16xi32>], vector<16xf32>,
      %sub3A_289 = arith.subf %gather3A_287, %gather3A_288 : vector<16xf32>
      %swap3A_290 = arith.index_cast %add3A_281 : i32 to index
      %swap3A_291 = tpu.vector_load %arg15[%swap3A_290] {strides = array<i32>} : memref<10000xf32, #tpu.memory_space<vmem>>, vector<16xf32>,
      tpu.vector_store %arg15[%swap3A_290], %sub3A_289 {strides = array<i32>} : memref<10000xf32, #tpu.memory_space<vmem>>, vector<16xf32>,
      %gather3A_292 = tpu.vector_load_idx %arg13[%get3A_267] : memref<10000xf32, #tpu.memory_space<vmem>>[vector<16xi32>], vector<16xf32>,
      %gather3A_293 = tpu.vector_load_idx %arg13[%shift_right_logical3A_277] : memref<10000xf32, #tpu.memory_space<vmem>>[vector<16xi32>], vector<16xf32>,
      %sub3A_294 = arith.subf %gather3A_292, %gather3A_293 : vector<16xf32>
      %swap3A_295 = arith.index_cast %add3A_281 : i32 to index
      %swap3A_296 = tpu.vector_load %arg16[%swap3A_295] {strides = array<i32>} : memref<10000xf32, #tpu.memory_space<vmem>>, vector<16xf32>,
      tpu.vector_store %arg16[%swap3A_295], %sub3A_294 {strides = array<i32>} : memref<10000xf32, #tpu.memory_space<vmem>>, vector<16xf32>,
      %get3A_297 = arith.index_cast %add3A_264 : i32 to index
      %get3A_298 = arith.constant 16 : index
      %get3A_299 = tpu.vector_load %arg9[%get3A_297, %get3A_298] {strides = array<i32>} : memref<125x80xi32, #tpu.memory_space<vmem>>, vector<16xi32>,
      %mul3A_300 = arith.constant 80 : i32
      %mul3A_301 = arith.muli %add3A_264, %mul3A_300 : i32
      %add3A_302 = arith.addi %multiple_of3A, %mul3A_301 : i32
      %add3A_303 = arith.constant 16 : i32
      %add3A_304 = arith.addi %add3A_302, %add3A_303 : i32
      %add3A_305 = vector.broadcast %add3A_304 : i32 to vector<16xi32>
      %add3A_306 = arith.addi %add3A_305, %iota3A : vector<16xi32>
      %shift_right_logical3A_307 = arith.constant 5 : i32
      %shift_right_logical3A_308 = vector.broadcast %shift_right_logical3A_307 : i32 to vector<16xi32>
      %shift_right_logical3A_309 = arith.shrui %add3A_306, %shift_right_logical3A_308 : vector<16xi32>
      %mul3A_310 = arith.constant 80 : i32
      %mul3A_311 = arith.muli %add3A_264, %mul3A_310 : i32
      %add3A_312 = arith.constant 16 : i32
      %add3A_313 = arith.addi %mul3A_311, %add3A_312 : i32
      %gather3A_314 = tpu.vector_load_idx %arg11[%get3A_299] : memref<10000xf32, #tpu.memory_space<vmem>>[vector<16xi32>], vector<16xf32>,
      %gather3A_315 = tpu.vector_load_idx %arg11[%shift_right_logical3A_309] : memref<10000xf32, #tpu.memory_space<vmem>>[vector<16xi32>], vector<16xf32>,
      %sub3A_316 = arith.subf %gather3A_314, %gather3A_315 : vector<16xf32>
      %swap3A_317 = arith.index_cast %add3A_313 : i32 to index
      %swap3A_318 = tpu.vector_load %arg14[%swap3A_317] {strides = array<i32>} : memref<10000xf32, #tpu.memory_space<vmem>>, vector<16xf32>,
      tpu.vector_store %arg14[%swap3A_317], %sub3A_316 {strides = array<i32>} : memref<10000xf32, #tpu.memory_space<vmem>>, vector<16xf32>,
      %gather3A_319 = tpu.vector_load_idx %arg12[%get3A_299] : memref<10000xf32, #tpu.memory_space<vmem>>[vector<16xi32>], vector<16xf32>,
      %gather3A_320 = tpu.vector_load_idx %arg12[%shift_right_logical3A_309] : memref<10000xf32, #tpu.memory_space<vmem>>[vector<16xi32>], vector<16xf32>,
      %sub3A_321 = arith.subf %gather3A_319, %gather3A_320 : vector<16xf32>
      %swap3A_322 = arith.index_cast %add3A_313 : i32 to index
      %swap3A_323 = tpu.vector_load %arg15[%swap3A_322] {strides = array<i32>} : memref<10000xf32, #tpu.memory_space<vmem>>, vector<16xf32>,
      tpu.vector_store %arg15[%swap3A_322], %sub3A_321 {strides = array<i32>} : memref<10000xf32, #tpu.memory_space<vmem>>, vector<16xf32>,
      %gather3A_324 = tpu.vector_load_idx %arg13[%get3A_299] : memref<10000xf32, #tpu.memory_space<vmem>>[vector<16xi32>], vector<16xf32>,
      %gather3A_325 = tpu.vector_load_idx %arg13[%shift_right_logical3A_309] : memref<10000xf32, #tpu.memory_space<vmem>>[vector<16xi32>], vector<16xf32>,
      %sub3A_326 = arith.subf %gather3A_324, %gather3A_325 : vector<16xf32>
      %swap3A_327 = arith.index_cast %add3A_313 : i32 to index
      %swap3A_328 = tpu.vector_load %arg16[%swap3A_327] {strides = array<i32>} : memref<10000xf32, #tpu.memory_space<vmem>>, vector<16xf32>,
      tpu.vector_store %arg16[%swap3A_327], %sub3A_326 {strides = array<i32>} : memref<10000xf32, #tpu.memory_space<vmem>>, vector<16xf32>,
      %get3A_329 = arith.index_cast %add3A_264 : i32 to index
      %get3A_330 = arith.constant 32 : index
      %get3A_331 = tpu.vector_load %arg9[%get3A_329, %get3A_330] {strides = array<i32>} : memref<125x80xi32, #tpu.memory_space<vmem>>, vector<16xi32>,
      %mul3A_332 = arith.constant 80 : i32
      %mul3A_333 = arith.muli %add3A_264, %mul3A_332 : i32
      %add3A_334 = arith.addi %multiple_of3A, %mul3A_333 : i32
      %add3A_335 = arith.constant 32 : i32
      %add3A_336 = arith.addi %add3A_334, %add3A_335 : i32
      %add3A_337 = vector.broadcast %add3A_336 : i32 to vector<16xi32>
      %add3A_338 = arith.addi %add3A_337, %iota3A : vector<16xi32>
      %shift_right_logical3A_339 = arith.constant 5 : i32
      %shift_right_logical3A_340 = vector.broadcast %shift_right_logical3A_339 : i32 to vector<16xi32>
      %shift_right_logical3A_341 = arith.shrui %add3A_338, %shift_right_logical3A_340 : vector<16xi32>
      %mul3A_342 = arith.constant 80 : i32
      %mul3A_343 = arith.muli %add3A_264, %mul3A_342 : i32
      %add3A_344 = arith.constant 32 : i32
      %add3A_345 = arith.addi %mul3A_343, %add3A_344 : i32
      %gather3A_346 = tpu.vector_load_idx %arg11[%get3A_331] : memref<10000xf32, #tpu.memory_space<vmem>>[vector<16xi32>], vector<16xf32>,
      %gather3A_347 = tpu.vector_load_idx %arg11[%shift_right_logical3A_341] : memref<10000xf32, #tpu.memory_space<vmem>>[vector<16xi32>], vector<16xf32>,
      %sub3A_348 = arith.subf %gather3A_346, %gather3A_347 : vector<16xf32>
      %swap3A_349 = arith.index_cast %add3A_345 : i32 to index
      %swap3A_350 = tpu.vector_load %arg14[%swap3A_349] {strides = array<i32>} : memref<10000xf32, #tpu.memory_space<vmem>>, vector<16xf32>,
      tpu.vector_store %arg14[%swap3A_349], %sub3A_348 {strides = array<i32>} : memref<10000xf32, #tpu.memory_space<vmem>>, vector<16xf32>,
      %gather3A_351 = tpu.vector_load_idx %arg12[%get3A_331] : memref<10000xf32, #tpu.memory_space<vmem>>[vector<16xi32>], vector<16xf32>,
      %gather3A_352 = tpu.vector_load_idx %arg12[%shift_right_logical3A_341] : memref<10000xf32, #tpu.memory_space<vmem>>[vector<16xi32>], vector<16xf32>,
      %sub3A_353 = arith.subf %gather3A_351, %gather3A_352 : vector<16xf32>
      %swap3A_354 = arith.index_cast %add3A_345 : i32 to index
      %swap3A_355 = tpu.vector_load %arg15[%swap3A_354] {strides = array<i32>} : memref<10000xf32, #tpu.memory_space<vmem>>, vector<16xf32>,
      tpu.vector_store %arg15[%swap3A_354], %sub3A_353 {strides = array<i32>} : memref<10000xf32, #tpu.memory_space<vmem>>, vector<16xf32>,
      %gather3A_356 = tpu.vector_load_idx %arg13[%get3A_331] : memref<10000xf32, #tpu.memory_space<vmem>>[vector<16xi32>], vector<16xf32>,
      %gather3A_357 = tpu.vector_load_idx %arg13[%shift_right_logical3A_341] : memref<10000xf32, #tpu.memory_space<vmem>>[vector<16xi32>], vector<16xf32>,
      %sub3A_358 = arith.subf %gather3A_356, %gather3A_357 : vector<16xf32>
      %swap3A_359 = arith.index_cast %add3A_345 : i32 to index
      %swap3A_360 = tpu.vector_load %arg16[%swap3A_359] {strides = array<i32>} : memref<10000xf32, #tpu.memory_space<vmem>>, vector<16xf32>,
      tpu.vector_store %arg16[%swap3A_359], %sub3A_358 {strides = array<i32>} : memref<10000xf32, #tpu.memory_space<vmem>>, vector<16xf32>,
      %get3A_361 = arith.index_cast %add3A_264 : i32 to index
      %get3A_362 = arith.constant 48 : index
      %get3A_363 = tpu.vector_load %arg9[%get3A_361, %get3A_362] {strides = array<i32>} : memref<125x80xi32, #tpu.memory_space<vmem>>, vector<16xi32>,
      %mul3A_364 = arith.constant 80 : i32
      %mul3A_365 = arith.muli %add3A_264, %mul3A_364 : i32
      %add3A_366 = arith.addi %multiple_of3A, %mul3A_365 : i32
      %add3A_367 = arith.constant 48 : i32
      %add3A_368 = arith.addi %add3A_366, %add3A_367 : i32
      %add3A_369 = vector.broadcast %add3A_368 : i32 to vector<16xi32>
      %add3A_370 = arith.addi %add3A_369, %iota3A : vector<16xi32>
      %shift_right_logical3A_371 = arith.constant 5 : i32
      %shift_right_logical3A_372 = vector.broadcast %shift_right_logical3A_371 : i32 to vector<16xi32>
      %shift_right_logical3A_373 = arith.shrui %add3A_370, %shift_right_logical3A_372 : vector<16xi32>
      %mul3A_374 = arith.constant 80 : i32
      %mul3A_375 = arith.muli %add3A_264, %mul3A_374 : i32
      %add3A_376 = arith.constant 48 : i32
      %add3A_377 = arith.addi %mul3A_375, %add3A_376 : i32
      %gather3A_378 = tpu.vector_load_idx %arg11[%get3A_363] : memref<10000xf32, #tpu.memory_space<vmem>>[vector<16xi32>], vector<16xf32>,
      %gather3A_379 = tpu.vector_load_idx %arg11[%shift_right_logical3A_373] : memref<10000xf32, #tpu.memory_space<vmem>>[vector<16xi32>], vector<16xf32>,
      %sub3A_380 = arith.subf %gather3A_378, %gather3A_379 : vector<16xf32>
      %swap3A_381 = arith.index_cast %add3A_377 : i32 to index
      %swap3A_382 = tpu.vector_load %arg14[%swap3A_381] {strides = array<i32>} : memref<10000xf32, #tpu.memory_space<vmem>>, vector<16xf32>,
      tpu.vector_store %arg14[%swap3A_381], %sub3A_380 {strides = array<i32>} : memref<10000xf32, #tpu.memory_space<vmem>>, vector<16xf32>,
      %gather3A_383 = tpu.vector_load_idx %arg12[%get3A_363] : memref<10000xf32, #tpu.memory_space<vmem>>[vector<16xi32>], vector<16xf32>,
      %gather3A_384 = tpu.vector_load_idx %arg12[%shift_right_logical3A_373] : memref<10000xf32, #tpu.memory_space<vmem>>[vector<16xi32>], vector<16xf32>,
      %sub3A_385 = arith.subf %gather3A_383, %gather3A_384 : vector<16xf32>
      %swap3A_386 = arith.index_cast %add3A_377 : i32 to index
      %swap3A_387 = tpu.vector_load %arg15[%swap3A_386] {strides = array<i32>} : memref<10000xf32, #tpu.memory_space<vmem>>, vector<16xf32>,
      tpu.vector_store %arg15[%swap3A_386], %sub3A_385 {strides = array<i32>} : memref<10000xf32, #tpu.memory_space<vmem>>, vector<16xf32>,
      %gather3A_388 = tpu.vector_load_idx %arg13[%get3A_363] : memref<10000xf32, #tpu.memory_space<vmem>>[vector<16xi32>], vector<16xf32>,
      %gather3A_389 = tpu.vector_load_idx %arg13[%shift_right_logical3A_373] : memref<10000xf32, #tpu.memory_space<vmem>>[vector<16xi32>], vector<16xf32>,
      %sub3A_390 = arith.subf %gather3A_388, %gather3A_389 : vector<16xf32>
      %swap3A_391 = arith.index_cast %add3A_377 : i32 to index
      %swap3A_392 = tpu.vector_load %arg16[%swap3A_391] {strides = array<i32>} : memref<10000xf32, #tpu.memory_space<vmem>>, vector<16xf32>,
      tpu.vector_store %arg16[%swap3A_391], %sub3A_390 {strides = array<i32>} : memref<10000xf32, #tpu.memory_space<vmem>>, vector<16xf32>,
      %get3A_393 = arith.index_cast %add3A_264 : i32 to index
      %get3A_394 = arith.constant 64 : index
      %get3A_395 = tpu.vector_load %arg9[%get3A_393, %get3A_394] {strides = array<i32>} : memref<125x80xi32, #tpu.memory_space<vmem>>, vector<16xi32>,
      %mul3A_396 = arith.constant 80 : i32
      %mul3A_397 = arith.muli %add3A_264, %mul3A_396 : i32
      %add3A_398 = arith.addi %multiple_of3A, %mul3A_397 : i32
      %add3A_399 = arith.constant 64 : i32
      %add3A_400 = arith.addi %add3A_398, %add3A_399 : i32
      %add3A_401 = vector.broadcast %add3A_400 : i32 to vector<16xi32>
      %add3A_402 = arith.addi %add3A_401, %iota3A : vector<16xi32>
      %shift_right_logical3A_403 = arith.constant 5 : i32
      %shift_right_logical3A_404 = vector.broadcast %shift_right_logical3A_403 : i32 to vector<16xi32>
      %shift_right_logical3A_405 = arith.shrui %add3A_402, %shift_right_logical3A_404 : vector<16xi32>
      %mul3A_406 = arith.constant 80 : i32
      %mul3A_407 = arith.muli %add3A_264, %mul3A_406 : i32
      %add3A_408 = arith.constant 64 : i32
      %add3A_409 = arith.addi %mul3A_407, %add3A_408 : i32
      %gather3A_410 = tpu.vector_load_idx %arg11[%get3A_395] : memref<10000xf32, #tpu.memory_space<vmem>>[vector<16xi32>], vector<16xf32>,
      %gather3A_411 = tpu.vector_load_idx %arg11[%shift_right_logical3A_405] : memref<10000xf32, #tpu.memory_space<vmem>>[vector<16xi32>], vector<16xf32>,
      %sub3A_412 = arith.subf %gather3A_410, %gather3A_411 : vector<16xf32>
      %swap3A_413 = arith.index_cast %add3A_409 : i32 to index
      %swap3A_414 = tpu.vector_load %arg14[%swap3A_413] {strides = array<i32>} : memref<10000xf32, #tpu.memory_space<vmem>>, vector<16xf32>,
      tpu.vector_store %arg14[%swap3A_413], %sub3A_412 {strides = array<i32>} : memref<10000xf32, #tpu.memory_space<vmem>>, vector<16xf32>,
      %gather3A_415 = tpu.vector_load_idx %arg12[%get3A_395] : memref<10000xf32, #tpu.memory_space<vmem>>[vector<16xi32>], vector<16xf32>,
      %gather3A_416 = tpu.vector_load_idx %arg12[%shift_right_logical3A_405] : memref<10000xf32, #tpu.memory_space<vmem>>[vector<16xi32>], vector<16xf32>,
      %sub3A_417 = arith.subf %gather3A_415, %gather3A_416 : vector<16xf32>
      %swap3A_418 = arith.index_cast %add3A_409 : i32 to index
      %swap3A_419 = tpu.vector_load %arg15[%swap3A_418] {strides = array<i32>} : memref<10000xf32, #tpu.memory_space<vmem>>, vector<16xf32>,
      tpu.vector_store %arg15[%swap3A_418], %sub3A_417 {strides = array<i32>} : memref<10000xf32, #tpu.memory_space<vmem>>, vector<16xf32>,
      %gather3A_420 = tpu.vector_load_idx %arg13[%get3A_395] : memref<10000xf32, #tpu.memory_space<vmem>>[vector<16xi32>], vector<16xf32>,
      %gather3A_421 = tpu.vector_load_idx %arg13[%shift_right_logical3A_405] : memref<10000xf32, #tpu.memory_space<vmem>>[vector<16xi32>], vector<16xf32>,
      %sub3A_422 = arith.subf %gather3A_420, %gather3A_421 : vector<16xf32>
      %swap3A_423 = arith.index_cast %add3A_409 : i32 to index
      %swap3A_424 = tpu.vector_load %arg16[%swap3A_423] {strides = array<i32>} : memref<10000xf32, #tpu.memory_space<vmem>>, vector<16xf32>,
      tpu.vector_store %arg16[%swap3A_423], %sub3A_422 {strides = array<i32>} : memref<10000xf32, #tpu.memory_space<vmem>>, vector<16xf32>,
      %dma_wait3A_425 = arith.constant 1 : i32
      %dma_wait3A_426 = arith.constant 0 : i32
      %dma_wait3A_427 = arith.constant 0 : i32
      %dma_wait3A_428 = tpu.memref_slice %arg10[%dma_wait3A_425, %dma_wait3A_426, %dma_wait3A_427] : memref<5x80x128xf32, #tpu.memory_space<vmem>> -> memref<1x80x128xf32, #tpu.memory_space<vmem>>
      %dma_wait3A_429 = tpu.memref_squeeze %dma_wait3A_428 : memref<1x80x128xf32, #tpu.memory_space<vmem>> -> memref<80x128xf32, #tpu.memory_space<vmem>>
      %dma_wait3A_430 = arith.constant 0 : i32
      %dma_wait3A_431 = arith.constant 0 : i32
      %dma_wait3A_432 = tpu.memref_slice %arg2[%dma_wait3A_430, %dma_wait3A_431] : memref<10000x128xf32, #tpu.memory_space<hbm>> -> memref<80x128xf32, #tpu.memory_space<hbm>>
      %dma_wait3A_433 = arith.constant 0 : i32
      %dma_wait3A_434 = arith.constant 0 : i32
      %dma_wait3A_435 = tpu.memref_slice %arg10[%dma_wait3A_425, %dma_wait3A_433, %dma_wait3A_434] : memref<5x80x128xf32, #tpu.memory_space<vmem>> -> memref<1x80x128xf32, #tpu.memory_space<vmem>>
      %dma_wait3A_436 = tpu.memref_squeeze %dma_wait3A_435 : memref<1x80x128xf32, #tpu.memory_space<vmem>> -> memref<80x128xf32, #tpu.memory_space<vmem>>
      %dma_wait3A_437 = arith.constant 0 : i32
      %dma_wait3A_438 = arith.constant 0 : i32
      %dma_wait3A_439 = tpu.memref_slice %arg2[%dma_wait3A_437, %dma_wait3A_438] : memref<10000x128xf32, #tpu.memory_space<hbm>> -> memref<80x128xf32, #tpu.memory_space<hbm>>
      tpu.wait_dma2 semaphore(%arg18 : memref<!tpu.dma_semaphore, #tpu.memory_space<semaphore_mem>>) src(%dma_wait3A_439 : memref<80x128xf32, #tpu.memory_space<hbm>>) dst(%dma_wait3A_436 : memref<80x128xf32, #tpu.memory_space<vmem>>)
      %mul3A_440 = arith.constant 80 : i32
      %mul3A_441 = arith.muli %add3A_264, %mul3A_440 : i32
      %add3A_442 = arith.addi %multiple_of3A, %mul3A_441 : i32
      %dma_start3A_443 = arith.constant 1 : i32
      %dma_start3A_444 = arith.constant 0 : i32
      %dma_start3A_445 = arith.constant 0 : i32
      %dma_start3A_446 = tpu.memref_slice %arg10[%dma_start3A_443, %dma_start3A_444, %dma_start3A_445] : memref<5x80x128xf32, #tpu.memory_space<vmem>> -> memref<1x80x128xf32, #tpu.memory_space<vmem>>
      %dma_start3A_447 = tpu.memref_squeeze %dma_start3A_446 : memref<1x80x128xf32, #tpu.memory_space<vmem>> -> memref<80x128xf32, #tpu.memory_space<vmem>>
      %dma_start3A_448 = arith.constant 0 : i32
      %dma_start3A_449 = tpu.memref_slice %arg7[%add3A_442, %dma_start3A_448] : memref<320000x128xf32, #tpu.memory_space<hbm>> -> memref<80x128xf32, #tpu.memory_space<hbm>>
      %dma_start3A_450 = arith.constant 0 : i32
      %dma_start3A_451 = tpu.memref_slice %arg7[%add3A_442, %dma_start3A_450] : memref<320000x128xf32, #tpu.memory_space<hbm>> -> memref<80x128xf32, #tpu.memory_space<hbm>>
      %dma_start3A_452 = arith.constant 0 : i32
      %dma_start3A_453 = arith.constant 0 : i32
      %dma_start3A_454 = tpu.memref_slice %arg10[%dma_start3A_443, %dma_start3A_452, %dma_start3A_453] : memref<5x80x128xf32, #tpu.memory_space<vmem>> -> memref<1x80x128xf32, #tpu.memory_space<vmem>>
      %dma_start3A_455 = tpu.memref_squeeze %dma_start3A_454 : memref<1x80x128xf32, #tpu.memory_space<vmem>> -> memref<80x128xf32, #tpu.memory_space<vmem>>
      tpu.enqueue_dma source(%dma_start3A_455 : memref<80x128xf32, #tpu.memory_space<vmem>>) target(%dma_start3A_451 : memref<80x128xf32, #tpu.memory_space<hbm>>) target_semaphore(%arg23 : memref<!tpu.dma_semaphore, #tpu.memory_space<semaphore_mem>>)
      %mul3A_456 = arith.constant 5 : i32
      %mul3A_457 = arith.muli %scan3A_71, %mul3A_456 : i32
      %add3A_458 = arith.constant 2 : i32
      %add3A_459 = arith.addi %mul3A_457, %add3A_458 : i32
      %get3A_460 = arith.index_cast %add3A_459 : i32 to index
      %get3A_461 = arith.constant 0 : index
      %get3A_462 = tpu.vector_load %arg9[%get3A_460, %get3A_461] {strides = array<i32>} : memref<125x80xi32, #tpu.memory_space<vmem>>, vector<16xi32>,
      %mul3A_463 = arith.constant 80 : i32
      %mul3A_464 = arith.muli %add3A_459, %mul3A_463 : i32
      %add3A_465 = arith.addi %multiple_of3A, %mul3A_464 : i32
      %add3A_466 = arith.constant 0 : i32
      %add3A_467 = arith.addi %add3A_465, %add3A_466 : i32
      %add3A_468 = vector.broadcast %add3A_467 : i32 to vector<16xi32>
      %add3A_469 = arith.addi %add3A_468, %iota3A : vector<16xi32>
      %shift_right_logical3A_470 = arith.constant 5 : i32
      %shift_right_logical3A_471 = vector.broadcast %shift_right_logical3A_470 : i32 to vector<16xi32>
      %shift_right_logical3A_472 = arith.shrui %add3A_469, %shift_right_logical3A_471 : vector<16xi32>
      %mul3A_473 = arith.constant 80 : i32
      %mul3A_474 = arith.muli %add3A_459, %mul3A_473 : i32
      %add3A_475 = arith.constant 0 : i32
      %add3A_476 = arith.addi %mul3A_474, %add3A_475 : i32
      %gather3A_477 = tpu.vector_load_idx %arg11[%get3A_462] : memref<10000xf32, #tpu.memory_space<vmem>>[vector<16xi32>], vector<16xf32>,
      %gather3A_478 = tpu.vector_load_idx %arg11[%shift_right_logical3A_472] : memref<10000xf32, #tpu.memory_space<vmem>>[vector<16xi32>], vector<16xf32>,
      %sub3A_479 = arith.subf %gather3A_477, %gather3A_478 : vector<16xf32>
      %swap3A_480 = arith.index_cast %add3A_476 : i32 to index
      %swap3A_481 = tpu.vector_load %arg14[%swap3A_480] {strides = array<i32>} : memref<10000xf32, #tpu.memory_space<vmem>>, vector<16xf32>,
      tpu.vector_store %arg14[%swap3A_480], %sub3A_479 {strides = array<i32>} : memref<10000xf32, #tpu.memory_space<vmem>>, vector<16xf32>,
      %gather3A_482 = tpu.vector_load_idx %arg12[%get3A_462] : memref<10000xf32, #tpu.memory_space<vmem>>[vector<16xi32>], vector<16xf32>,
      %gather3A_483 = tpu.vector_load_idx %arg12[%shift_right_logical3A_472] : memref<10000xf32, #tpu.memory_space<vmem>>[vector<16xi32>], vector<16xf32>,
      %sub3A_484 = arith.subf %gather3A_482, %gather3A_483 : vector<16xf32>
      %swap3A_485 = arith.index_cast %add3A_476 : i32 to index
      %swap3A_486 = tpu.vector_load %arg15[%swap3A_485] {strides = array<i32>} : memref<10000xf32, #tpu.memory_space<vmem>>, vector<16xf32>,
      tpu.vector_store %arg15[%swap3A_485], %sub3A_484 {strides = array<i32>} : memref<10000xf32, #tpu.memory_space<vmem>>, vector<16xf32>,
      %gather3A_487 = tpu.vector_load_idx %arg13[%get3A_462] : memref<10000xf32, #tpu.memory_space<vmem>>[vector<16xi32>], vector<16xf32>,
      %gather3A_488 = tpu.vector_load_idx %arg13[%shift_right_logical3A_472] : memref<10000xf32, #tpu.memory_space<vmem>>[vector<16xi32>], vector<16xf32>,
      %sub3A_489 = arith.subf %gather3A_487, %gather3A_488 : vector<16xf32>
      %swap3A_490 = arith.index_cast %add3A_476 : i32 to index
      %swap3A_491 = tpu.vector_load %arg16[%swap3A_490] {strides = array<i32>} : memref<10000xf32, #tpu.memory_space<vmem>>, vector<16xf32>,
      tpu.vector_store %arg16[%swap3A_490], %sub3A_489 {strides = array<i32>} : memref<10000xf32, #tpu.memory_space<vmem>>, vector<16xf32>,
      %get3A_492 = arith.index_cast %add3A_459 : i32 to index
      %get3A_493 = arith.constant 16 : index
      %get3A_494 = tpu.vector_load %arg9[%get3A_492, %get3A_493] {strides = array<i32>} : memref<125x80xi32, #tpu.memory_space<vmem>>, vector<16xi32>,
      %mul3A_495 = arith.constant 80 : i32
      %mul3A_496 = arith.muli %add3A_459, %mul3A_495 : i32
      %add3A_497 = arith.addi %multiple_of3A, %mul3A_496 : i32
      %add3A_498 = arith.constant 16 : i32
      %add3A_499 = arith.addi %add3A_497, %add3A_498 : i32
      %add3A_500 = vector.broadcast %add3A_499 : i32 to vector<16xi32>
      %add3A_501 = arith.addi %add3A_500, %iota3A : vector<16xi32>
      %shift_right_logical3A_502 = arith.constant 5 : i32
      %shift_right_logical3A_503 = vector.broadcast %shift_right_logical3A_502 : i32 to vector<16xi32>
      %shift_right_logical3A_504 = arith.shrui %add3A_501, %shift_right_logical3A_503 : vector<16xi32>
      %mul3A_505 = arith.constant 80 : i32
      %mul3A_506 = arith.muli %add3A_459, %mul3A_505 : i32
      %add3A_507 = arith.constant 16 : i32
      %add3A_508 = arith.addi %mul3A_506, %add3A_507 : i32
      %gather3A_509 = tpu.vector_load_idx %arg11[%get3A_494] : memref<10000xf32, #tpu.memory_space<vmem>>[vector<16xi32>], vector<16xf32>,
      %gather3A_510 = tpu.vector_load_idx %arg11[%shift_right_logical3A_504] : memref<10000xf32, #tpu.memory_space<vmem>>[vector<16xi32>], vector<16xf32>,
      %sub3A_511 = arith.subf %gather3A_509, %gather3A_510 : vector<16xf32>
      %swap3A_512 = arith.index_cast %add3A_508 : i32 to index
      %swap3A_513 = tpu.vector_load %arg14[%swap3A_512] {strides = array<i32>} : memref<10000xf32, #tpu.memory_space<vmem>>, vector<16xf32>,
      tpu.vector_store %arg14[%swap3A_512], %sub3A_511 {strides = array<i32>} : memref<10000xf32, #tpu.memory_space<vmem>>, vector<16xf32>,
      %gather3A_514 = tpu.vector_load_idx %arg12[%get3A_494] : memref<10000xf32, #tpu.memory_space<vmem>>[vector<16xi32>], vector<16xf32>,
      %gather3A_515 = tpu.vector_load_idx %arg12[%shift_right_logical3A_504] : memref<10000xf32, #tpu.memory_space<vmem>>[vector<16xi32>], vector<16xf32>,
      %sub3A_516 = arith.subf %gather3A_514, %gather3A_515 : vector<16xf32>
      %swap3A_517 = arith.index_cast %add3A_508 : i32 to index
      %swap3A_518 = tpu.vector_load %arg15[%swap3A_517] {strides = array<i32>} : memref<10000xf32, #tpu.memory_space<vmem>>, vector<16xf32>,
      tpu.vector_store %arg15[%swap3A_517], %sub3A_516 {strides = array<i32>} : memref<10000xf32, #tpu.memory_space<vmem>>, vector<16xf32>,
      %gather3A_519 = tpu.vector_load_idx %arg13[%get3A_494] : memref<10000xf32, #tpu.memory_space<vmem>>[vector<16xi32>], vector<16xf32>,
      %gather3A_520 = tpu.vector_load_idx %arg13[%shift_right_logical3A_504] : memref<10000xf32, #tpu.memory_space<vmem>>[vector<16xi32>], vector<16xf32>,
      %sub3A_521 = arith.subf %gather3A_519, %gather3A_520 : vector<16xf32>
      %swap3A_522 = arith.index_cast %add3A_508 : i32 to index
      %swap3A_523 = tpu.vector_load %arg16[%swap3A_522] {strides = array<i32>} : memref<10000xf32, #tpu.memory_space<vmem>>, vector<16xf32>,
      tpu.vector_store %arg16[%swap3A_522], %sub3A_521 {strides = array<i32>} : memref<10000xf32, #tpu.memory_space<vmem>>, vector<16xf32>,
      %get3A_524 = arith.index_cast %add3A_459 : i32 to index
      %get3A_525 = arith.constant 32 : index
      %get3A_526 = tpu.vector_load %arg9[%get3A_524, %get3A_525] {strides = array<i32>} : memref<125x80xi32, #tpu.memory_space<vmem>>, vector<16xi32>,
      %mul3A_527 = arith.constant 80 : i32
      %mul3A_528 = arith.muli %add3A_459, %mul3A_527 : i32
      %add3A_529 = arith.addi %multiple_of3A, %mul3A_528 : i32
      %add3A_530 = arith.constant 32 : i32
      %add3A_531 = arith.addi %add3A_529, %add3A_530 : i32
      %add3A_532 = vector.broadcast %add3A_531 : i32 to vector<16xi32>
      %add3A_533 = arith.addi %add3A_532, %iota3A : vector<16xi32>
      %shift_right_logical3A_534 = arith.constant 5 : i32
      %shift_right_logical3A_535 = vector.broadcast %shift_right_logical3A_534 : i32 to vector<16xi32>
      %shift_right_logical3A_536 = arith.shrui %add3A_533, %shift_right_logical3A_535 : vector<16xi32>
      %mul3A_537 = arith.constant 80 : i32
      %mul3A_538 = arith.muli %add3A_459, %mul3A_537 : i32
      %add3A_539 = arith.constant 32 : i32
      %add3A_540 = arith.addi %mul3A_538, %add3A_539 : i32
      %gather3A_541 = tpu.vector_load_idx %arg11[%get3A_526] : memref<10000xf32, #tpu.memory_space<vmem>>[vector<16xi32>], vector<16xf32>,
      %gather3A_542 = tpu.vector_load_idx %arg11[%shift_right_logical3A_536] : memref<10000xf32, #tpu.memory_space<vmem>>[vector<16xi32>], vector<16xf32>,
      %sub3A_543 = arith.subf %gather3A_541, %gather3A_542 : vector<16xf32>
      %swap3A_544 = arith.index_cast %add3A_540 : i32 to index
      %swap3A_545 = tpu.vector_load %arg14[%swap3A_544] {strides = array<i32>} : memref<10000xf32, #tpu.memory_space<vmem>>, vector<16xf32>,
      tpu.vector_store %arg14[%swap3A_544], %sub3A_543 {strides = array<i32>} : memref<10000xf32, #tpu.memory_space<vmem>>, vector<16xf32>,
      %gather3A_546 = tpu.vector_load_idx %arg12[%get3A_526] : memref<10000xf32, #tpu.memory_space<vmem>>[vector<16xi32>], vector<16xf32>,
      %gather3A_547 = tpu.vector_load_idx %arg12[%shift_right_logical3A_536] : memref<10000xf32, #tpu.memory_space<vmem>>[vector<16xi32>], vector<16xf32>,
      %sub3A_548 = arith.subf %gather3A_546, %gather3A_547 : vector<16xf32>
      %swap3A_549 = arith.index_cast %add3A_540 : i32 to index
      %swap3A_550 = tpu.vector_load %arg15[%swap3A_549] {strides = array<i32>} : memref<10000xf32, #tpu.memory_space<vmem>>, vector<16xf32>,
      tpu.vector_store %arg15[%swap3A_549], %sub3A_548 {strides = array<i32>} : memref<10000xf32, #tpu.memory_space<vmem>>, vector<16xf32>,
      %gather3A_551 = tpu.vector_load_idx %arg13[%get3A_526] : memref<10000xf32, #tpu.memory_space<vmem>>[vector<16xi32>], vector<16xf32>,
      %gather3A_552 = tpu.vector_load_idx %arg13[%shift_right_logical3A_536] : memref<10000xf32, #tpu.memory_space<vmem>>[vector<16xi32>], vector<16xf32>,
      %sub3A_553 = arith.subf %gather3A_551, %gather3A_552 : vector<16xf32>
      %swap3A_554 = arith.index_cast %add3A_540 : i32 to index
      %swap3A_555 = tpu.vector_load %arg16[%swap3A_554] {strides = array<i32>} : memref<10000xf32, #tpu.memory_space<vmem>>, vector<16xf32>,
      tpu.vector_store %arg16[%swap3A_554], %sub3A_553 {strides = array<i32>} : memref<10000xf32, #tpu.memory_space<vmem>>, vector<16xf32>,
      %get3A_556 = arith.index_cast %add3A_459 : i32 to index
      %get3A_557 = arith.constant 48 : index
      %get3A_558 = tpu.vector_load %arg9[%get3A_556, %get3A_557] {strides = array<i32>} : memref<125x80xi32, #tpu.memory_space<vmem>>, vector<16xi32>,
      %mul3A_559 = arith.constant 80 : i32
      %mul3A_560 = arith.muli %add3A_459, %mul3A_559 : i32
      %add3A_561 = arith.addi %multiple_of3A, %mul3A_560 : i32
      %add3A_562 = arith.constant 48 : i32
      %add3A_563 = arith.addi %add3A_561, %add3A_562 : i32
      %add3A_564 = vector.broadcast %add3A_563 : i32 to vector<16xi32>
      %add3A_565 = arith.addi %add3A_564, %iota3A : vector<16xi32>
      %shift_right_logical3A_566 = arith.constant 5 : i32
      %shift_right_logical3A_567 = vector.broadcast %shift_right_logical3A_566 : i32 to vector<16xi32>
      %shift_right_logical3A_568 = arith.shrui %add3A_565, %shift_right_logical3A_567 : vector<16xi32>
      %mul3A_569 = arith.constant 80 : i32
      %mul3A_570 = arith.muli %add3A_459, %mul3A_569 : i32
      %add3A_571 = arith.constant 48 : i32
      %add3A_572 = arith.addi %mul3A_570, %add3A_571 : i32
      %gather3A_573 = tpu.vector_load_idx %arg11[%get3A_558] : memref<10000xf32, #tpu.memory_space<vmem>>[vector<16xi32>], vector<16xf32>,
      %gather3A_574 = tpu.vector_load_idx %arg11[%shift_right_logical3A_568] : memref<10000xf32, #tpu.memory_space<vmem>>[vector<16xi32>], vector<16xf32>,
      %sub3A_575 = arith.subf %gather3A_573, %gather3A_574 : vector<16xf32>
      %swap3A_576 = arith.index_cast %add3A_572 : i32 to index
      %swap3A_577 = tpu.vector_load %arg14[%swap3A_576] {strides = array<i32>} : memref<10000xf32, #tpu.memory_space<vmem>>, vector<16xf32>,
      tpu.vector_store %arg14[%swap3A_576], %sub3A_575 {strides = array<i32>} : memref<10000xf32, #tpu.memory_space<vmem>>, vector<16xf32>,
      %gather3A_578 = tpu.vector_load_idx %arg12[%get3A_558] : memref<10000xf32, #tpu.memory_space<vmem>>[vector<16xi32>], vector<16xf32>,
      %gather3A_579 = tpu.vector_load_idx %arg12[%shift_right_logical3A_568] : memref<10000xf32, #tpu.memory_space<vmem>>[vector<16xi32>], vector<16xf32>,
      %sub3A_580 = arith.subf %gather3A_578, %gather3A_579 : vector<16xf32>
      %swap3A_581 = arith.index_cast %add3A_572 : i32 to index
      %swap3A_582 = tpu.vector_load %arg15[%swap3A_581] {strides = array<i32>} : memref<10000xf32, #tpu.memory_space<vmem>>, vector<16xf32>,
      tpu.vector_store %arg15[%swap3A_581], %sub3A_580 {strides = array<i32>} : memref<10000xf32, #tpu.memory_space<vmem>>, vector<16xf32>,
      %gather3A_583 = tpu.vector_load_idx %arg13[%get3A_558] : memref<10000xf32, #tpu.memory_space<vmem>>[vector<16xi32>], vector<16xf32>,
      %gather3A_584 = tpu.vector_load_idx %arg13[%shift_right_logical3A_568] : memref<10000xf32, #tpu.memory_space<vmem>>[vector<16xi32>], vector<16xf32>,
      %sub3A_585 = arith.subf %gather3A_583, %gather3A_584 : vector<16xf32>
      %swap3A_586 = arith.index_cast %add3A_572 : i32 to index
      %swap3A_587 = tpu.vector_load %arg16[%swap3A_586] {strides = array<i32>} : memref<10000xf32, #tpu.memory_space<vmem>>, vector<16xf32>,
      tpu.vector_store %arg16[%swap3A_586], %sub3A_585 {strides = array<i32>} : memref<10000xf32, #tpu.memory_space<vmem>>, vector<16xf32>,
      %get3A_588 = arith.index_cast %add3A_459 : i32 to index
      %get3A_589 = arith.constant 64 : index
      %get3A_590 = tpu.vector_load %arg9[%get3A_588, %get3A_589] {strides = array<i32>} : memref<125x80xi32, #tpu.memory_space<vmem>>, vector<16xi32>,
      %mul3A_591 = arith.constant 80 : i32
      %mul3A_592 = arith.muli %add3A_459, %mul3A_591 : i32
      %add3A_593 = arith.addi %multiple_of3A, %mul3A_592 : i32
      %add3A_594 = arith.constant 64 : i32
      %add3A_595 = arith.addi %add3A_593, %add3A_594 : i32
      %add3A_596 = vector.broadcast %add3A_595 : i32 to vector<16xi32>
      %add3A_597 = arith.addi %add3A_596, %iota3A : vector<16xi32>
      %shift_right_logical3A_598 = arith.constant 5 : i32
      %shift_right_logical3A_599 = vector.broadcast %shift_right_logical3A_598 : i32 to vector<16xi32>
      %shift_right_logical3A_600 = arith.shrui %add3A_597, %shift_right_logical3A_599 : vector<16xi32>
      %mul3A_601 = arith.constant 80 : i32
      %mul3A_602 = arith.muli %add3A_459, %mul3A_601 : i32
      %add3A_603 = arith.constant 64 : i32
      %add3A_604 = arith.addi %mul3A_602, %add3A_603 : i32
      %gather3A_605 = tpu.vector_load_idx %arg11[%get3A_590] : memref<10000xf32, #tpu.memory_space<vmem>>[vector<16xi32>], vector<16xf32>,
      %gather3A_606 = tpu.vector_load_idx %arg11[%shift_right_logical3A_600] : memref<10000xf32, #tpu.memory_space<vmem>>[vector<16xi32>], vector<16xf32>,
      %sub3A_607 = arith.subf %gather3A_605, %gather3A_606 : vector<16xf32>
      %swap3A_608 = arith.index_cast %add3A_604 : i32 to index
      %swap3A_609 = tpu.vector_load %arg14[%swap3A_608] {strides = array<i32>} : memref<10000xf32, #tpu.memory_space<vmem>>, vector<16xf32>,
      tpu.vector_store %arg14[%swap3A_608], %sub3A_607 {strides = array<i32>} : memref<10000xf32, #tpu.memory_space<vmem>>, vector<16xf32>,
      %gather3A_610 = tpu.vector_load_idx %arg12[%get3A_590] : memref<10000xf32, #tpu.memory_space<vmem>>[vector<16xi32>], vector<16xf32>,
      %gather3A_611 = tpu.vector_load_idx %arg12[%shift_right_logical3A_600] : memref<10000xf32, #tpu.memory_space<vmem>>[vector<16xi32>], vector<16xf32>,
      %sub3A_612 = arith.subf %gather3A_610, %gather3A_611 : vector<16xf32>
      %swap3A_613 = arith.index_cast %add3A_604 : i32 to index
      %swap3A_614 = tpu.vector_load %arg15[%swap3A_613] {strides = array<i32>} : memref<10000xf32, #tpu.memory_space<vmem>>, vector<16xf32>,
      tpu.vector_store %arg15[%swap3A_613], %sub3A_612 {strides = array<i32>} : memref<10000xf32, #tpu.memory_space<vmem>>, vector<16xf32>,
      %gather3A_615 = tpu.vector_load_idx %arg13[%get3A_590] : memref<10000xf32, #tpu.memory_space<vmem>>[vector<16xi32>], vector<16xf32>,
      %gather3A_616 = tpu.vector_load_idx %arg13[%shift_right_logical3A_600] : memref<10000xf32, #tpu.memory_space<vmem>>[vector<16xi32>], vector<16xf32>,
      %sub3A_617 = arith.subf %gather3A_615, %gather3A_616 : vector<16xf32>
      %swap3A_618 = arith.index_cast %add3A_604 : i32 to index
      %swap3A_619 = tpu.vector_load %arg16[%swap3A_618] {strides = array<i32>} : memref<10000xf32, #tpu.memory_space<vmem>>, vector<16xf32>,
      tpu.vector_store %arg16[%swap3A_618], %sub3A_617 {strides = array<i32>} : memref<10000xf32, #tpu.memory_space<vmem>>, vector<16xf32>,
      %dma_wait3A_620 = arith.constant 2 : i32
      %dma_wait3A_621 = arith.constant 0 : i32
      %dma_wait3A_622 = arith.constant 0 : i32
      %dma_wait3A_623 = tpu.memref_slice %arg10[%dma_wait3A_620, %dma_wait3A_621, %dma_wait3A_622] : memref<5x80x128xf32, #tpu.memory_space<vmem>> -> memref<1x80x128xf32, #tpu.memory_space<vmem>>
      %dma_wait3A_624 = tpu.memref_squeeze %dma_wait3A_623 : memref<1x80x128xf32, #tpu.memory_space<vmem>> -> memref<80x128xf32, #tpu.memory_space<vmem>>
      %dma_wait3A_625 = arith.constant 0 : i32
      %dma_wait3A_626 = arith.constant 0 : i32
      %dma_wait3A_627 = tpu.memref_slice %arg2[%dma_wait3A_625, %dma_wait3A_626] : memref<10000x128xf32, #tpu.memory_space<hbm>> -> memref<80x128xf32, #tpu.memory_space<hbm>>
      %dma_wait3A_628 = arith.constant 0 : i32
      %dma_wait3A_629 = arith.constant 0 : i32
      %dma_wait3A_630 = tpu.memref_slice %arg10[%dma_wait3A_620, %dma_wait3A_628, %dma_wait3A_629] : memref<5x80x128xf32, #tpu.memory_space<vmem>> -> memref<1x80x128xf32, #tpu.memory_space<vmem>>
      %dma_wait3A_631 = tpu.memref_squeeze %dma_wait3A_630 : memref<1x80x128xf32, #tpu.memory_space<vmem>> -> memref<80x128xf32, #tpu.memory_space<vmem>>
      %dma_wait3A_632 = arith.constant 0 : i32
      %dma_wait3A_633 = arith.constant 0 : i32
      %dma_wait3A_634 = tpu.memref_slice %arg2[%dma_wait3A_632, %dma_wait3A_633] : memref<10000x128xf32, #tpu.memory_space<hbm>> -> memref<80x128xf32, #tpu.memory_space<hbm>>
      tpu.wait_dma2 semaphore(%arg19 : memref<!tpu.dma_semaphore, #tpu.memory_space<semaphore_mem>>) src(%dma_wait3A_634 : memref<80x128xf32, #tpu.memory_space<hbm>>) dst(%dma_wait3A_631 : memref<80x128xf32, #tpu.memory_space<vmem>>)
      %mul3A_635 = arith.constant 80 : i32
      %mul3A_636 = arith.muli %add3A_459, %mul3A_635 : i32
      %add3A_637 = arith.addi %multiple_of3A, %mul3A_636 : i32
      %dma_start3A_638 = arith.constant 2 : i32
      %dma_start3A_639 = arith.constant 0 : i32
      %dma_start3A_640 = arith.constant 0 : i32
      %dma_start3A_641 = tpu.memref_slice %arg10[%dma_start3A_638, %dma_start3A_639, %dma_start3A_640] : memref<5x80x128xf32, #tpu.memory_space<vmem>> -> memref<1x80x128xf32, #tpu.memory_space<vmem>>
      %dma_start3A_642 = tpu.memref_squeeze %dma_start3A_641 : memref<1x80x128xf32, #tpu.memory_space<vmem>> -> memref<80x128xf32, #tpu.memory_space<vmem>>
      %dma_start3A_643 = arith.constant 0 : i32
      %dma_start3A_644 = tpu.memref_slice %arg7[%add3A_637, %dma_start3A_643] : memref<320000x128xf32, #tpu.memory_space<hbm>> -> memref<80x128xf32, #tpu.memory_space<hbm>>
      %dma_start3A_645 = arith.constant 0 : i32
      %dma_start3A_646 = tpu.memref_slice %arg7[%add3A_637, %dma_start3A_645] : memref<320000x128xf32, #tpu.memory_space<hbm>> -> memref<80x128xf32, #tpu.memory_space<hbm>>
      %dma_start3A_647 = arith.constant 0 : i32
      %dma_start3A_648 = arith.constant 0 : i32
      %dma_start3A_649 = tpu.memref_slice %arg10[%dma_start3A_638, %dma_start3A_647, %dma_start3A_648] : memref<5x80x128xf32, #tpu.memory_space<vmem>> -> memref<1x80x128xf32, #tpu.memory_space<vmem>>
      %dma_start3A_650 = tpu.memref_squeeze %dma_start3A_649 : memref<1x80x128xf32, #tpu.memory_space<vmem>> -> memref<80x128xf32, #tpu.memory_space<vmem>>
      tpu.enqueue_dma source(%dma_start3A_650 : memref<80x128xf32, #tpu.memory_space<vmem>>) target(%dma_start3A_646 : memref<80x128xf32, #tpu.memory_space<hbm>>) target_semaphore(%arg24 : memref<!tpu.dma_semaphore, #tpu.memory_space<semaphore_mem>>)
      %mul3A_651 = arith.constant 5 : i32
      %mul3A_652 = arith.muli %scan3A_71, %mul3A_651 : i32
      %add3A_653 = arith.constant 3 : i32
      %add3A_654 = arith.addi %mul3A_652, %add3A_653 : i32
      %get3A_655 = arith.index_cast %add3A_654 : i32 to index
      %get3A_656 = arith.constant 0 : index
      %get3A_657 = tpu.vector_load %arg9[%get3A_655, %get3A_656] {strides = array<i32>} : memref<125x80xi32, #tpu.memory_space<vmem>>, vector<16xi32>,
      %mul3A_658 = arith.constant 80 : i32
      %mul3A_659 = arith.muli %add3A_654, %mul3A_658 : i32
      %add3A_660 = arith.addi %multiple_of3A, %mul3A_659 : i32
      %add3A_661 = arith.constant 0 : i32
      %add3A_662 = arith.addi %add3A_660, %add3A_661 : i32
      %add3A_663 = vector.broadcast %add3A_662 : i32 to vector<16xi32>
      %add3A_664 = arith.addi %add3A_663, %iota3A : vector<16xi32>
      %shift_right_logical3A_665 = arith.constant 5 : i32
      %shift_right_logical3A_666 = vector.broadcast %shift_right_logical3A_665 : i32 to vector<16xi32>
      %shift_right_logical3A_667 = arith.shrui %add3A_664, %shift_right_logical3A_666 : vector<16xi32>
      %mul3A_668 = arith.constant 80 : i32
      %mul3A_669 = arith.muli %add3A_654, %mul3A_668 : i32
      %add3A_670 = arith.constant 0 : i32
      %add3A_671 = arith.addi %mul3A_669, %add3A_670 : i32
      %gather3A_672 = tpu.vector_load_idx %arg11[%get3A_657] : memref<10000xf32, #tpu.memory_space<vmem>>[vector<16xi32>], vector<16xf32>,
      %gather3A_673 = tpu.vector_load_idx %arg11[%shift_right_logical3A_667] : memref<10000xf32, #tpu.memory_space<vmem>>[vector<16xi32>], vector<16xf32>,
      %sub3A_674 = arith.subf %gather3A_672, %gather3A_673 : vector<16xf32>
      %swap3A_675 = arith.index_cast %add3A_671 : i32 to index
      %swap3A_676 = tpu.vector_load %arg14[%swap3A_675] {strides = array<i32>} : memref<10000xf32, #tpu.memory_space<vmem>>, vector<16xf32>,
      tpu.vector_store %arg14[%swap3A_675], %sub3A_674 {strides = array<i32>} : memref<10000xf32, #tpu.memory_space<vmem>>, vector<16xf32>,
      %gather3A_677 = tpu.vector_load_idx %arg12[%get3A_657] : memref<10000xf32, #tpu.memory_space<vmem>>[vector<16xi32>], vector<16xf32>,
      %gather3A_678 = tpu.vector_load_idx %arg12[%shift_right_logical3A_667] : memref<10000xf32, #tpu.memory_space<vmem>>[vector<16xi32>], vector<16xf32>,
      %sub3A_679 = arith.subf %gather3A_677, %gather3A_678 : vector<16xf32>
      %swap3A_680 = arith.index_cast %add3A_671 : i32 to index
      %swap3A_681 = tpu.vector_load %arg15[%swap3A_680] {strides = array<i32>} : memref<10000xf32, #tpu.memory_space<vmem>>, vector<16xf32>,
      tpu.vector_store %arg15[%swap3A_680], %sub3A_679 {strides = array<i32>} : memref<10000xf32, #tpu.memory_space<vmem>>, vector<16xf32>,
      %gather3A_682 = tpu.vector_load_idx %arg13[%get3A_657] : memref<10000xf32, #tpu.memory_space<vmem>>[vector<16xi32>], vector<16xf32>,
      %gather3A_683 = tpu.vector_load_idx %arg13[%shift_right_logical3A_667] : memref<10000xf32, #tpu.memory_space<vmem>>[vector<16xi32>], vector<16xf32>,
      %sub3A_684 = arith.subf %gather3A_682, %gather3A_683 : vector<16xf32>
      %swap3A_685 = arith.index_cast %add3A_671 : i32 to index
      %swap3A_686 = tpu.vector_load %arg16[%swap3A_685] {strides = array<i32>} : memref<10000xf32, #tpu.memory_space<vmem>>, vector<16xf32>,
      tpu.vector_store %arg16[%swap3A_685], %sub3A_684 {strides = array<i32>} : memref<10000xf32, #tpu.memory_space<vmem>>, vector<16xf32>,
      %get3A_687 = arith.index_cast %add3A_654 : i32 to index
      %get3A_688 = arith.constant 16 : index
      %get3A_689 = tpu.vector_load %arg9[%get3A_687, %get3A_688] {strides = array<i32>} : memref<125x80xi32, #tpu.memory_space<vmem>>, vector<16xi32>,
      %mul3A_690 = arith.constant 80 : i32
      %mul3A_691 = arith.muli %add3A_654, %mul3A_690 : i32
      %add3A_692 = arith.addi %multiple_of3A, %mul3A_691 : i32
      %add3A_693 = arith.constant 16 : i32
      %add3A_694 = arith.addi %add3A_692, %add3A_693 : i32
      %add3A_695 = vector.broadcast %add3A_694 : i32 to vector<16xi32>
      %add3A_696 = arith.addi %add3A_695, %iota3A : vector<16xi32>
      %shift_right_logical3A_697 = arith.constant 5 : i32
      %shift_right_logical3A_698 = vector.broadcast %shift_right_logical3A_697 : i32 to vector<16xi32>
      %shift_right_logical3A_699 = arith.shrui %add3A_696, %shift_right_logical3A_698 : vector<16xi32>
      %mul3A_700 = arith.constant 80 : i32
      %mul3A_701 = arith.muli %add3A_654, %mul3A_700 : i32
      %add3A_702 = arith.constant 16 : i32
      %add3A_703 = arith.addi %mul3A_701, %add3A_702 : i32
      %gather3A_704 = tpu.vector_load_idx %arg11[%get3A_689] : memref<10000xf32, #tpu.memory_space<vmem>>[vector<16xi32>], vector<16xf32>,
      %gather3A_705 = tpu.vector_load_idx %arg11[%shift_right_logical3A_699] : memref<10000xf32, #tpu.memory_space<vmem>>[vector<16xi32>], vector<16xf32>,
      %sub3A_706 = arith.subf %gather3A_704, %gather3A_705 : vector<16xf32>
      %swap3A_707 = arith.index_cast %add3A_703 : i32 to index
      %swap3A_708 = tpu.vector_load %arg14[%swap3A_707] {strides = array<i32>} : memref<10000xf32, #tpu.memory_space<vmem>>, vector<16xf32>,
      tpu.vector_store %arg14[%swap3A_707], %sub3A_706 {strides = array<i32>} : memref<10000xf32, #tpu.memory_space<vmem>>, vector<16xf32>,
      %gather3A_709 = tpu.vector_load_idx %arg12[%get3A_689] : memref<10000xf32, #tpu.memory_space<vmem>>[vector<16xi32>], vector<16xf32>,
      %gather3A_710 = tpu.vector_load_idx %arg12[%shift_right_logical3A_699] : memref<10000xf32, #tpu.memory_space<vmem>>[vector<16xi32>], vector<16xf32>,
      %sub3A_711 = arith.subf %gather3A_709, %gather3A_710 : vector<16xf32>
      %swap3A_712 = arith.index_cast %add3A_703 : i32 to index
      %swap3A_713 = tpu.vector_load %arg15[%swap3A_712] {strides = array<i32>} : memref<10000xf32, #tpu.memory_space<vmem>>, vector<16xf32>,
      tpu.vector_store %arg15[%swap3A_712], %sub3A_711 {strides = array<i32>} : memref<10000xf32, #tpu.memory_space<vmem>>, vector<16xf32>,
      %gather3A_714 = tpu.vector_load_idx %arg13[%get3A_689] : memref<10000xf32, #tpu.memory_space<vmem>>[vector<16xi32>], vector<16xf32>,
      %gather3A_715 = tpu.vector_load_idx %arg13[%shift_right_logical3A_699] : memref<10000xf32, #tpu.memory_space<vmem>>[vector<16xi32>], vector<16xf32>,
      %sub3A_716 = arith.subf %gather3A_714, %gather3A_715 : vector<16xf32>
      %swap3A_717 = arith.index_cast %add3A_703 : i32 to index
      %swap3A_718 = tpu.vector_load %arg16[%swap3A_717] {strides = array<i32>} : memref<10000xf32, #tpu.memory_space<vmem>>, vector<16xf32>,
      tpu.vector_store %arg16[%swap3A_717], %sub3A_716 {strides = array<i32>} : memref<10000xf32, #tpu.memory_space<vmem>>, vector<16xf32>,
      %get3A_719 = arith.index_cast %add3A_654 : i32 to index
      %get3A_720 = arith.constant 32 : index
      %get3A_721 = tpu.vector_load %arg9[%get3A_719, %get3A_720] {strides = array<i32>} : memref<125x80xi32, #tpu.memory_space<vmem>>, vector<16xi32>,
      %mul3A_722 = arith.constant 80 : i32
      %mul3A_723 = arith.muli %add3A_654, %mul3A_722 : i32
      %add3A_724 = arith.addi %multiple_of3A, %mul3A_723 : i32
      %add3A_725 = arith.constant 32 : i32
      %add3A_726 = arith.addi %add3A_724, %add3A_725 : i32
      %add3A_727 = vector.broadcast %add3A_726 : i32 to vector<16xi32>
      %add3A_728 = arith.addi %add3A_727, %iota3A : vector<16xi32>
      %shift_right_logical3A_729 = arith.constant 5 : i32
      %shift_right_logical3A_730 = vector.broadcast %shift_right_logical3A_729 : i32 to vector<16xi32>
      %shift_right_logical3A_731 = arith.shrui %add3A_728, %shift_right_logical3A_730 : vector<16xi32>
      %mul3A_732 = arith.constant 80 : i32
      %mul3A_733 = arith.muli %add3A_654, %mul3A_732 : i32
      %add3A_734 = arith.constant 32 : i32
      %add3A_735 = arith.addi %mul3A_733, %add3A_734 : i32
      %gather3A_736 = tpu.vector_load_idx %arg11[%get3A_721] : memref<10000xf32, #tpu.memory_space<vmem>>[vector<16xi32>], vector<16xf32>,
      %gather3A_737 = tpu.vector_load_idx %arg11[%shift_right_logical3A_731] : memref<10000xf32, #tpu.memory_space<vmem>>[vector<16xi32>], vector<16xf32>,
      %sub3A_738 = arith.subf %gather3A_736, %gather3A_737 : vector<16xf32>
      %swap3A_739 = arith.index_cast %add3A_735 : i32 to index
      %swap3A_740 = tpu.vector_load %arg14[%swap3A_739] {strides = array<i32>} : memref<10000xf32, #tpu.memory_space<vmem>>, vector<16xf32>,
      tpu.vector_store %arg14[%swap3A_739], %sub3A_738 {strides = array<i32>} : memref<10000xf32, #tpu.memory_space<vmem>>, vector<16xf32>,
      %gather3A_741 = tpu.vector_load_idx %arg12[%get3A_721] : memref<10000xf32, #tpu.memory_space<vmem>>[vector<16xi32>], vector<16xf32>,
      %gather3A_742 = tpu.vector_load_idx %arg12[%shift_right_logical3A_731] : memref<10000xf32, #tpu.memory_space<vmem>>[vector<16xi32>], vector<16xf32>,
      %sub3A_743 = arith.subf %gather3A_741, %gather3A_742 : vector<16xf32>
      %swap3A_744 = arith.index_cast %add3A_735 : i32 to index
      %swap3A_745 = tpu.vector_load %arg15[%swap3A_744] {strides = array<i32>} : memref<10000xf32, #tpu.memory_space<vmem>>, vector<16xf32>,
      tpu.vector_store %arg15[%swap3A_744], %sub3A_743 {strides = array<i32>} : memref<10000xf32, #tpu.memory_space<vmem>>, vector<16xf32>,
      %gather3A_746 = tpu.vector_load_idx %arg13[%get3A_721] : memref<10000xf32, #tpu.memory_space<vmem>>[vector<16xi32>], vector<16xf32>,
      %gather3A_747 = tpu.vector_load_idx %arg13[%shift_right_logical3A_731] : memref<10000xf32, #tpu.memory_space<vmem>>[vector<16xi32>], vector<16xf32>,
      %sub3A_748 = arith.subf %gather3A_746, %gather3A_747 : vector<16xf32>
      %swap3A_749 = arith.index_cast %add3A_735 : i32 to index
      %swap3A_750 = tpu.vector_load %arg16[%swap3A_749] {strides = array<i32>} : memref<10000xf32, #tpu.memory_space<vmem>>, vector<16xf32>,
      tpu.vector_store %arg16[%swap3A_749], %sub3A_748 {strides = array<i32>} : memref<10000xf32, #tpu.memory_space<vmem>>, vector<16xf32>,
      %get3A_751 = arith.index_cast %add3A_654 : i32 to index
      %get3A_752 = arith.constant 48 : index
      %get3A_753 = tpu.vector_load %arg9[%get3A_751, %get3A_752] {strides = array<i32>} : memref<125x80xi32, #tpu.memory_space<vmem>>, vector<16xi32>,
      %mul3A_754 = arith.constant 80 : i32
      %mul3A_755 = arith.muli %add3A_654, %mul3A_754 : i32
      %add3A_756 = arith.addi %multiple_of3A, %mul3A_755 : i32
      %add3A_757 = arith.constant 48 : i32
      %add3A_758 = arith.addi %add3A_756, %add3A_757 : i32
      %add3A_759 = vector.broadcast %add3A_758 : i32 to vector<16xi32>
      %add3A_760 = arith.addi %add3A_759, %iota3A : vector<16xi32>
      %shift_right_logical3A_761 = arith.constant 5 : i32
      %shift_right_logical3A_762 = vector.broadcast %shift_right_logical3A_761 : i32 to vector<16xi32>
      %shift_right_logical3A_763 = arith.shrui %add3A_760, %shift_right_logical3A_762 : vector<16xi32>
      %mul3A_764 = arith.constant 80 : i32
      %mul3A_765 = arith.muli %add3A_654, %mul3A_764 : i32
      %add3A_766 = arith.constant 48 : i32
      %add3A_767 = arith.addi %mul3A_765, %add3A_766 : i32
      %gather3A_768 = tpu.vector_load_idx %arg11[%get3A_753] : memref<10000xf32, #tpu.memory_space<vmem>>[vector<16xi32>], vector<16xf32>,
      %gather3A_769 = tpu.vector_load_idx %arg11[%shift_right_logical3A_763] : memref<10000xf32, #tpu.memory_space<vmem>>[vector<16xi32>], vector<16xf32>,
      %sub3A_770 = arith.subf %gather3A_768, %gather3A_769 : vector<16xf32>
      %swap3A_771 = arith.index_cast %add3A_767 : i32 to index
      %swap3A_772 = tpu.vector_load %arg14[%swap3A_771] {strides = array<i32>} : memref<10000xf32, #tpu.memory_space<vmem>>, vector<16xf32>,
      tpu.vector_store %arg14[%swap3A_771], %sub3A_770 {strides = array<i32>} : memref<10000xf32, #tpu.memory_space<vmem>>, vector<16xf32>,
      %gather3A_773 = tpu.vector_load_idx %arg12[%get3A_753] : memref<10000xf32, #tpu.memory_space<vmem>>[vector<16xi32>], vector<16xf32>,
      %gather3A_774 = tpu.vector_load_idx %arg12[%shift_right_logical3A_763] : memref<10000xf32, #tpu.memory_space<vmem>>[vector<16xi32>], vector<16xf32>,
      %sub3A_775 = arith.subf %gather3A_773, %gather3A_774 : vector<16xf32>
      %swap3A_776 = arith.index_cast %add3A_767 : i32 to index
      %swap3A_777 = tpu.vector_load %arg15[%swap3A_776] {strides = array<i32>} : memref<10000xf32, #tpu.memory_space<vmem>>, vector<16xf32>,
      tpu.vector_store %arg15[%swap3A_776], %sub3A_775 {strides = array<i32>} : memref<10000xf32, #tpu.memory_space<vmem>>, vector<16xf32>,
      %gather3A_778 = tpu.vector_load_idx %arg13[%get3A_753] : memref<10000xf32, #tpu.memory_space<vmem>>[vector<16xi32>], vector<16xf32>,
      %gather3A_779 = tpu.vector_load_idx %arg13[%shift_right_logical3A_763] : memref<10000xf32, #tpu.memory_space<vmem>>[vector<16xi32>], vector<16xf32>,
      %sub3A_780 = arith.subf %gather3A_778, %gather3A_779 : vector<16xf32>
      %swap3A_781 = arith.index_cast %add3A_767 : i32 to index
      %swap3A_782 = tpu.vector_load %arg16[%swap3A_781] {strides = array<i32>} : memref<10000xf32, #tpu.memory_space<vmem>>, vector<16xf32>,
      tpu.vector_store %arg16[%swap3A_781], %sub3A_780 {strides = array<i32>} : memref<10000xf32, #tpu.memory_space<vmem>>, vector<16xf32>,
      %get3A_783 = arith.index_cast %add3A_654 : i32 to index
      %get3A_784 = arith.constant 64 : index
      %get3A_785 = tpu.vector_load %arg9[%get3A_783, %get3A_784] {strides = array<i32>} : memref<125x80xi32, #tpu.memory_space<vmem>>, vector<16xi32>,
      %mul3A_786 = arith.constant 80 : i32
      %mul3A_787 = arith.muli %add3A_654, %mul3A_786 : i32
      %add3A_788 = arith.addi %multiple_of3A, %mul3A_787 : i32
      %add3A_789 = arith.constant 64 : i32
      %add3A_790 = arith.addi %add3A_788, %add3A_789 : i32
      %add3A_791 = vector.broadcast %add3A_790 : i32 to vector<16xi32>
      %add3A_792 = arith.addi %add3A_791, %iota3A : vector<16xi32>
      %shift_right_logical3A_793 = arith.constant 5 : i32
      %shift_right_logical3A_794 = vector.broadcast %shift_right_logical3A_793 : i32 to vector<16xi32>
      %shift_right_logical3A_795 = arith.shrui %add3A_792, %shift_right_logical3A_794 : vector<16xi32>
      %mul3A_796 = arith.constant 80 : i32
      %mul3A_797 = arith.muli %add3A_654, %mul3A_796 : i32
      %add3A_798 = arith.constant 64 : i32
      %add3A_799 = arith.addi %mul3A_797, %add3A_798 : i32
      %gather3A_800 = tpu.vector_load_idx %arg11[%get3A_785] : memref<10000xf32, #tpu.memory_space<vmem>>[vector<16xi32>], vector<16xf32>,
      %gather3A_801 = tpu.vector_load_idx %arg11[%shift_right_logical3A_795] : memref<10000xf32, #tpu.memory_space<vmem>>[vector<16xi32>], vector<16xf32>,
      %sub3A_802 = arith.subf %gather3A_800, %gather3A_801 : vector<16xf32>
      %swap3A_803 = arith.index_cast %add3A_799 : i32 to index
      %swap3A_804 = tpu.vector_load %arg14[%swap3A_803] {strides = array<i32>} : memref<10000xf32, #tpu.memory_space<vmem>>, vector<16xf32>,
      tpu.vector_store %arg14[%swap3A_803], %sub3A_802 {strides = array<i32>} : memref<10000xf32, #tpu.memory_space<vmem>>, vector<16xf32>,
      %gather3A_805 = tpu.vector_load_idx %arg12[%get3A_785] : memref<10000xf32, #tpu.memory_space<vmem>>[vector<16xi32>], vector<16xf32>,
      %gather3A_806 = tpu.vector_load_idx %arg12[%shift_right_logical3A_795] : memref<10000xf32, #tpu.memory_space<vmem>>[vector<16xi32>], vector<16xf32>,
      %sub3A_807 = arith.subf %gather3A_805, %gather3A_806 : vector<16xf32>
      %swap3A_808 = arith.index_cast %add3A_799 : i32 to index
      %swap3A_809 = tpu.vector_load %arg15[%swap3A_808] {strides = array<i32>} : memref<10000xf32, #tpu.memory_space<vmem>>, vector<16xf32>,
      tpu.vector_store %arg15[%swap3A_808], %sub3A_807 {strides = array<i32>} : memref<10000xf32, #tpu.memory_space<vmem>>, vector<16xf32>,
      %gather3A_810 = tpu.vector_load_idx %arg13[%get3A_785] : memref<10000xf32, #tpu.memory_space<vmem>>[vector<16xi32>], vector<16xf32>,
      %gather3A_811 = tpu.vector_load_idx %arg13[%shift_right_logical3A_795] : memref<10000xf32, #tpu.memory_space<vmem>>[vector<16xi32>], vector<16xf32>,
      %sub3A_812 = arith.subf %gather3A_810, %gather3A_811 : vector<16xf32>
      %swap3A_813 = arith.index_cast %add3A_799 : i32 to index
      %swap3A_814 = tpu.vector_load %arg16[%swap3A_813] {strides = array<i32>} : memref<10000xf32, #tpu.memory_space<vmem>>, vector<16xf32>,
      tpu.vector_store %arg16[%swap3A_813], %sub3A_812 {strides = array<i32>} : memref<10000xf32, #tpu.memory_space<vmem>>, vector<16xf32>,
      %dma_wait3A_815 = arith.constant 3 : i32
      %dma_wait3A_816 = arith.constant 0 : i32
      %dma_wait3A_817 = arith.constant 0 : i32
      %dma_wait3A_818 = tpu.memref_slice %arg10[%dma_wait3A_815, %dma_wait3A_816, %dma_wait3A_817] : memref<5x80x128xf32, #tpu.memory_space<vmem>> -> memref<1x80x128xf32, #tpu.memory_space<vmem>>
      %dma_wait3A_819 = tpu.memref_squeeze %dma_wait3A_818 : memref<1x80x128xf32, #tpu.memory_space<vmem>> -> memref<80x128xf32, #tpu.memory_space<vmem>>
      %dma_wait3A_820 = arith.constant 0 : i32
      %dma_wait3A_821 = arith.constant 0 : i32
      %dma_wait3A_822 = tpu.memref_slice %arg2[%dma_wait3A_820, %dma_wait3A_821] : memref<10000x128xf32, #tpu.memory_space<hbm>> -> memref<80x128xf32, #tpu.memory_space<hbm>>
      %dma_wait3A_823 = arith.constant 0 : i32
      %dma_wait3A_824 = arith.constant 0 : i32
      %dma_wait3A_825 = tpu.memref_slice %arg10[%dma_wait3A_815, %dma_wait3A_823, %dma_wait3A_824] : memref<5x80x128xf32, #tpu.memory_space<vmem>> -> memref<1x80x128xf32, #tpu.memory_space<vmem>>
      %dma_wait3A_826 = tpu.memref_squeeze %dma_wait3A_825 : memref<1x80x128xf32, #tpu.memory_space<vmem>> -> memref<80x128xf32, #tpu.memory_space<vmem>>
      %dma_wait3A_827 = arith.constant 0 : i32
      %dma_wait3A_828 = arith.constant 0 : i32
      %dma_wait3A_829 = tpu.memref_slice %arg2[%dma_wait3A_827, %dma_wait3A_828] : memref<10000x128xf32, #tpu.memory_space<hbm>> -> memref<80x128xf32, #tpu.memory_space<hbm>>
      tpu.wait_dma2 semaphore(%arg20 : memref<!tpu.dma_semaphore, #tpu.memory_space<semaphore_mem>>) src(%dma_wait3A_829 : memref<80x128xf32, #tpu.memory_space<hbm>>) dst(%dma_wait3A_826 : memref<80x128xf32, #tpu.memory_space<vmem>>)
      %mul3A_830 = arith.constant 80 : i32
      %mul3A_831 = arith.muli %add3A_654, %mul3A_830 : i32
      %add3A_832 = arith.addi %multiple_of3A, %mul3A_831 : i32
      %dma_start3A_833 = arith.constant 3 : i32
      %dma_start3A_834 = arith.constant 0 : i32
      %dma_start3A_835 = arith.constant 0 : i32
      %dma_start3A_836 = tpu.memref_slice %arg10[%dma_start3A_833, %dma_start3A_834, %dma_start3A_835] : memref<5x80x128xf32, #tpu.memory_space<vmem>> -> memref<1x80x128xf32, #tpu.memory_space<vmem>>
      %dma_start3A_837 = tpu.memref_squeeze %dma_start3A_836 : memref<1x80x128xf32, #tpu.memory_space<vmem>> -> memref<80x128xf32, #tpu.memory_space<vmem>>
      %dma_start3A_838 = arith.constant 0 : i32
      %dma_start3A_839 = tpu.memref_slice %arg7[%add3A_832, %dma_start3A_838] : memref<320000x128xf32, #tpu.memory_space<hbm>> -> memref<80x128xf32, #tpu.memory_space<hbm>>
      %dma_start3A_840 = arith.constant 0 : i32
      %dma_start3A_841 = tpu.memref_slice %arg7[%add3A_832, %dma_start3A_840] : memref<320000x128xf32, #tpu.memory_space<hbm>> -> memref<80x128xf32, #tpu.memory_space<hbm>>
      %dma_start3A_842 = arith.constant 0 : i32
      %dma_start3A_843 = arith.constant 0 : i32
      %dma_start3A_844 = tpu.memref_slice %arg10[%dma_start3A_833, %dma_start3A_842, %dma_start3A_843] : memref<5x80x128xf32, #tpu.memory_space<vmem>> -> memref<1x80x128xf32, #tpu.memory_space<vmem>>
      %dma_start3A_845 = tpu.memref_squeeze %dma_start3A_844 : memref<1x80x128xf32, #tpu.memory_space<vmem>> -> memref<80x128xf32, #tpu.memory_space<vmem>>
      tpu.enqueue_dma source(%dma_start3A_845 : memref<80x128xf32, #tpu.memory_space<vmem>>) target(%dma_start3A_841 : memref<80x128xf32, #tpu.memory_space<hbm>>) target_semaphore(%arg25 : memref<!tpu.dma_semaphore, #tpu.memory_space<semaphore_mem>>)
      %mul3A_846 = arith.constant 5 : i32
      %mul3A_847 = arith.muli %scan3A_71, %mul3A_846 : i32
      %add3A_848 = arith.constant 4 : i32
      %add3A_849 = arith.addi %mul3A_847, %add3A_848 : i32
      %get3A_850 = arith.index_cast %add3A_849 : i32 to index
      %get3A_851 = arith.constant 0 : index
      %get3A_852 = tpu.vector_load %arg9[%get3A_850, %get3A_851] {strides = array<i32>} : memref<125x80xi32, #tpu.memory_space<vmem>>, vector<16xi32>,
      %mul3A_853 = arith.constant 80 : i32
      %mul3A_854 = arith.muli %add3A_849, %mul3A_853 : i32
      %add3A_855 = arith.addi %multiple_of3A, %mul3A_854 : i32
      %add3A_856 = arith.constant 0 : i32
      %add3A_857 = arith.addi %add3A_855, %add3A_856 : i32
      %add3A_858 = vector.broadcast %add3A_857 : i32 to vector<16xi32>
      %add3A_859 = arith.addi %add3A_858, %iota3A : vector<16xi32>
      %shift_right_logical3A_860 = arith.constant 5 : i32
      %shift_right_logical3A_861 = vector.broadcast %shift_right_logical3A_860 : i32 to vector<16xi32>
      %shift_right_logical3A_862 = arith.shrui %add3A_859, %shift_right_logical3A_861 : vector<16xi32>
      %mul3A_863 = arith.constant 80 : i32
      %mul3A_864 = arith.muli %add3A_849, %mul3A_863 : i32
      %add3A_865 = arith.constant 0 : i32
      %add3A_866 = arith.addi %mul3A_864, %add3A_865 : i32
      %gather3A_867 = tpu.vector_load_idx %arg11[%get3A_852] : memref<10000xf32, #tpu.memory_space<vmem>>[vector<16xi32>], vector<16xf32>,
      %gather3A_868 = tpu.vector_load_idx %arg11[%shift_right_logical3A_862] : memref<10000xf32, #tpu.memory_space<vmem>>[vector<16xi32>], vector<16xf32>,
      %sub3A_869 = arith.subf %gather3A_867, %gather3A_868 : vector<16xf32>
      %swap3A_870 = arith.index_cast %add3A_866 : i32 to index
      %swap3A_871 = tpu.vector_load %arg14[%swap3A_870] {strides = array<i32>} : memref<10000xf32, #tpu.memory_space<vmem>>, vector<16xf32>,
      tpu.vector_store %arg14[%swap3A_870], %sub3A_869 {strides = array<i32>} : memref<10000xf32, #tpu.memory_space<vmem>>, vector<16xf32>,
      %gather3A_872 = tpu.vector_load_idx %arg12[%get3A_852] : memref<10000xf32, #tpu.memory_space<vmem>>[vector<16xi32>], vector<16xf32>,
      %gather3A_873 = tpu.vector_load_idx %arg12[%shift_right_logical3A_862] : memref<10000xf32, #tpu.memory_space<vmem>>[vector<16xi32>], vector<16xf32>,
      %sub3A_874 = arith.subf %gather3A_872, %gather3A_873 : vector<16xf32>
      %swap3A_875 = arith.index_cast %add3A_866 : i32 to index
      %swap3A_876 = tpu.vector_load %arg15[%swap3A_875] {strides = array<i32>} : memref<10000xf32, #tpu.memory_space<vmem>>, vector<16xf32>,
      tpu.vector_store %arg15[%swap3A_875], %sub3A_874 {strides = array<i32>} : memref<10000xf32, #tpu.memory_space<vmem>>, vector<16xf32>,
      %gather3A_877 = tpu.vector_load_idx %arg13[%get3A_852] : memref<10000xf32, #tpu.memory_space<vmem>>[vector<16xi32>], vector<16xf32>,
      %gather3A_878 = tpu.vector_load_idx %arg13[%shift_right_logical3A_862] : memref<10000xf32, #tpu.memory_space<vmem>>[vector<16xi32>], vector<16xf32>,
      %sub3A_879 = arith.subf %gather3A_877, %gather3A_878 : vector<16xf32>
      %swap3A_880 = arith.index_cast %add3A_866 : i32 to index
      %swap3A_881 = tpu.vector_load %arg16[%swap3A_880] {strides = array<i32>} : memref<10000xf32, #tpu.memory_space<vmem>>, vector<16xf32>,
      tpu.vector_store %arg16[%swap3A_880], %sub3A_879 {strides = array<i32>} : memref<10000xf32, #tpu.memory_space<vmem>>, vector<16xf32>,
      %get3A_882 = arith.index_cast %add3A_849 : i32 to index
      %get3A_883 = arith.constant 16 : index
      %get3A_884 = tpu.vector_load %arg9[%get3A_882, %get3A_883] {strides = array<i32>} : memref<125x80xi32, #tpu.memory_space<vmem>>, vector<16xi32>,
      %mul3A_885 = arith.constant 80 : i32
      %mul3A_886 = arith.muli %add3A_849, %mul3A_885 : i32
      %add3A_887 = arith.addi %multiple_of3A, %mul3A_886 : i32
      %add3A_888 = arith.constant 16 : i32
      %add3A_889 = arith.addi %add3A_887, %add3A_888 : i32
      %add3A_890 = vector.broadcast %add3A_889 : i32 to vector<16xi32>
      %add3A_891 = arith.addi %add3A_890, %iota3A : vector<16xi32>
      %shift_right_logical3A_892 = arith.constant 5 : i32
      %shift_right_logical3A_893 = vector.broadcast %shift_right_logical3A_892 : i32 to vector<16xi32>
      %shift_right_logical3A_894 = arith.shrui %add3A_891, %shift_right_logical3A_893 : vector<16xi32>
      %mul3A_895 = arith.constant 80 : i32
      %mul3A_896 = arith.muli %add3A_849, %mul3A_895 : i32
      %add3A_897 = arith.constant 16 : i32
      %add3A_898 = arith.addi %mul3A_896, %add3A_897 : i32
      %gather3A_899 = tpu.vector_load_idx %arg11[%get3A_884] : memref<10000xf32, #tpu.memory_space<vmem>>[vector<16xi32>], vector<16xf32>,
      %gather3A_900 = tpu.vector_load_idx %arg11[%shift_right_logical3A_894] : memref<10000xf32, #tpu.memory_space<vmem>>[vector<16xi32>], vector<16xf32>,
      %sub3A_901 = arith.subf %gather3A_899, %gather3A_900 : vector<16xf32>
      %swap3A_902 = arith.index_cast %add3A_898 : i32 to index
      %swap3A_903 = tpu.vector_load %arg14[%swap3A_902] {strides = array<i32>} : memref<10000xf32, #tpu.memory_space<vmem>>, vector<16xf32>,
      tpu.vector_store %arg14[%swap3A_902], %sub3A_901 {strides = array<i32>} : memref<10000xf32, #tpu.memory_space<vmem>>, vector<16xf32>,
      %gather3A_904 = tpu.vector_load_idx %arg12[%get3A_884] : memref<10000xf32, #tpu.memory_space<vmem>>[vector<16xi32>], vector<16xf32>,
      %gather3A_905 = tpu.vector_load_idx %arg12[%shift_right_logical3A_894] : memref<10000xf32, #tpu.memory_space<vmem>>[vector<16xi32>], vector<16xf32>,
      %sub3A_906 = arith.subf %gather3A_904, %gather3A_905 : vector<16xf32>
      %swap3A_907 = arith.index_cast %add3A_898 : i32 to index
      %swap3A_908 = tpu.vector_load %arg15[%swap3A_907] {strides = array<i32>} : memref<10000xf32, #tpu.memory_space<vmem>>, vector<16xf32>,
      tpu.vector_store %arg15[%swap3A_907], %sub3A_906 {strides = array<i32>} : memref<10000xf32, #tpu.memory_space<vmem>>, vector<16xf32>,
      %gather3A_909 = tpu.vector_load_idx %arg13[%get3A_884] : memref<10000xf32, #tpu.memory_space<vmem>>[vector<16xi32>], vector<16xf32>,
      %gather3A_910 = tpu.vector_load_idx %arg13[%shift_right_logical3A_894] : memref<10000xf32, #tpu.memory_space<vmem>>[vector<16xi32>], vector<16xf32>,
      %sub3A_911 = arith.subf %gather3A_909, %gather3A_910 : vector<16xf32>
      %swap3A_912 = arith.index_cast %add3A_898 : i32 to index
      %swap3A_913 = tpu.vector_load %arg16[%swap3A_912] {strides = array<i32>} : memref<10000xf32, #tpu.memory_space<vmem>>, vector<16xf32>,
      tpu.vector_store %arg16[%swap3A_912], %sub3A_911 {strides = array<i32>} : memref<10000xf32, #tpu.memory_space<vmem>>, vector<16xf32>,
      %get3A_914 = arith.index_cast %add3A_849 : i32 to index
      %get3A_915 = arith.constant 32 : index
      %get3A_916 = tpu.vector_load %arg9[%get3A_914, %get3A_915] {strides = array<i32>} : memref<125x80xi32, #tpu.memory_space<vmem>>, vector<16xi32>,
      %mul3A_917 = arith.constant 80 : i32
      %mul3A_918 = arith.muli %add3A_849, %mul3A_917 : i32
      %add3A_919 = arith.addi %multiple_of3A, %mul3A_918 : i32
      %add3A_920 = arith.constant 32 : i32
      %add3A_921 = arith.addi %add3A_919, %add3A_920 : i32
      %add3A_922 = vector.broadcast %add3A_921 : i32 to vector<16xi32>
      %add3A_923 = arith.addi %add3A_922, %iota3A : vector<16xi32>
      %shift_right_logical3A_924 = arith.constant 5 : i32
      %shift_right_logical3A_925 = vector.broadcast %shift_right_logical3A_924 : i32 to vector<16xi32>
      %shift_right_logical3A_926 = arith.shrui %add3A_923, %shift_right_logical3A_925 : vector<16xi32>
      %mul3A_927 = arith.constant 80 : i32
      %mul3A_928 = arith.muli %add3A_849, %mul3A_927 : i32
      %add3A_929 = arith.constant 32 : i32
      %add3A_930 = arith.addi %mul3A_928, %add3A_929 : i32
      %gather3A_931 = tpu.vector_load_idx %arg11[%get3A_916] : memref<10000xf32, #tpu.memory_space<vmem>>[vector<16xi32>], vector<16xf32>,
      %gather3A_932 = tpu.vector_load_idx %arg11[%shift_right_logical3A_926] : memref<10000xf32, #tpu.memory_space<vmem>>[vector<16xi32>], vector<16xf32>,
      %sub3A_933 = arith.subf %gather3A_931, %gather3A_932 : vector<16xf32>
      %swap3A_934 = arith.index_cast %add3A_930 : i32 to index
      %swap3A_935 = tpu.vector_load %arg14[%swap3A_934] {strides = array<i32>} : memref<10000xf32, #tpu.memory_space<vmem>>, vector<16xf32>,
      tpu.vector_store %arg14[%swap3A_934], %sub3A_933 {strides = array<i32>} : memref<10000xf32, #tpu.memory_space<vmem>>, vector<16xf32>,
      %gather3A_936 = tpu.vector_load_idx %arg12[%get3A_916] : memref<10000xf32, #tpu.memory_space<vmem>>[vector<16xi32>], vector<16xf32>,
      %gather3A_937 = tpu.vector_load_idx %arg12[%shift_right_logical3A_926] : memref<10000xf32, #tpu.memory_space<vmem>>[vector<16xi32>], vector<16xf32>,
      %sub3A_938 = arith.subf %gather3A_936, %gather3A_937 : vector<16xf32>
      %swap3A_939 = arith.index_cast %add3A_930 : i32 to index
      %swap3A_940 = tpu.vector_load %arg15[%swap3A_939] {strides = array<i32>} : memref<10000xf32, #tpu.memory_space<vmem>>, vector<16xf32>,
      tpu.vector_store %arg15[%swap3A_939], %sub3A_938 {strides = array<i32>} : memref<10000xf32, #tpu.memory_space<vmem>>, vector<16xf32>,
      %gather3A_941 = tpu.vector_load_idx %arg13[%get3A_916] : memref<10000xf32, #tpu.memory_space<vmem>>[vector<16xi32>], vector<16xf32>,
      %gather3A_942 = tpu.vector_load_idx %arg13[%shift_right_logical3A_926] : memref<10000xf32, #tpu.memory_space<vmem>>[vector<16xi32>], vector<16xf32>,
      %sub3A_943 = arith.subf %gather3A_941, %gather3A_942 : vector<16xf32>
      %swap3A_944 = arith.index_cast %add3A_930 : i32 to index
      %swap3A_945 = tpu.vector_load %arg16[%swap3A_944] {strides = array<i32>} : memref<10000xf32, #tpu.memory_space<vmem>>, vector<16xf32>,
      tpu.vector_store %arg16[%swap3A_944], %sub3A_943 {strides = array<i32>} : memref<10000xf32, #tpu.memory_space<vmem>>, vector<16xf32>,
      %get3A_946 = arith.index_cast %add3A_849 : i32 to index
      %get3A_947 = arith.constant 48 : index
      %get3A_948 = tpu.vector_load %arg9[%get3A_946, %get3A_947] {strides = array<i32>} : memref<125x80xi32, #tpu.memory_space<vmem>>, vector<16xi32>,
      %mul3A_949 = arith.constant 80 : i32
      %mul3A_950 = arith.muli %add3A_849, %mul3A_949 : i32
      %add3A_951 = arith.addi %multiple_of3A, %mul3A_950 : i32
      %add3A_952 = arith.constant 48 : i32
      %add3A_953 = arith.addi %add3A_951, %add3A_952 : i32
      %add3A_954 = vector.broadcast %add3A_953 : i32 to vector<16xi32>
      %add3A_955 = arith.addi %add3A_954, %iota3A : vector<16xi32>
      %shift_right_logical3A_956 = arith.constant 5 : i32
      %shift_right_logical3A_957 = vector.broadcast %shift_right_logical3A_956 : i32 to vector<16xi32>
      %shift_right_logical3A_958 = arith.shrui %add3A_955, %shift_right_logical3A_957 : vector<16xi32>
      %mul3A_959 = arith.constant 80 : i32
      %mul3A_960 = arith.muli %add3A_849, %mul3A_959 : i32
      %add3A_961 = arith.constant 48 : i32
      %add3A_962 = arith.addi %mul3A_960, %add3A_961 : i32
      %gather3A_963 = tpu.vector_load_idx %arg11[%get3A_948] : memref<10000xf32, #tpu.memory_space<vmem>>[vector<16xi32>], vector<16xf32>,
      %gather3A_964 = tpu.vector_load_idx %arg11[%shift_right_logical3A_958] : memref<10000xf32, #tpu.memory_space<vmem>>[vector<16xi32>], vector<16xf32>,
      %sub3A_965 = arith.subf %gather3A_963, %gather3A_964 : vector<16xf32>
      %swap3A_966 = arith.index_cast %add3A_962 : i32 to index
      %swap3A_967 = tpu.vector_load %arg14[%swap3A_966] {strides = array<i32>} : memref<10000xf32, #tpu.memory_space<vmem>>, vector<16xf32>,
      tpu.vector_store %arg14[%swap3A_966], %sub3A_965 {strides = array<i32>} : memref<10000xf32, #tpu.memory_space<vmem>>, vector<16xf32>,
      %gather3A_968 = tpu.vector_load_idx %arg12[%get3A_948] : memref<10000xf32, #tpu.memory_space<vmem>>[vector<16xi32>], vector<16xf32>,
      %gather3A_969 = tpu.vector_load_idx %arg12[%shift_right_logical3A_958] : memref<10000xf32, #tpu.memory_space<vmem>>[vector<16xi32>], vector<16xf32>,
      %sub3A_970 = arith.subf %gather3A_968, %gather3A_969 : vector<16xf32>
      %swap3A_971 = arith.index_cast %add3A_962 : i32 to index
      %swap3A_972 = tpu.vector_load %arg15[%swap3A_971] {strides = array<i32>} : memref<10000xf32, #tpu.memory_space<vmem>>, vector<16xf32>,
      tpu.vector_store %arg15[%swap3A_971], %sub3A_970 {strides = array<i32>} : memref<10000xf32, #tpu.memory_space<vmem>>, vector<16xf32>,
      %gather3A_973 = tpu.vector_load_idx %arg13[%get3A_948] : memref<10000xf32, #tpu.memory_space<vmem>>[vector<16xi32>], vector<16xf32>,
      %gather3A_974 = tpu.vector_load_idx %arg13[%shift_right_logical3A_958] : memref<10000xf32, #tpu.memory_space<vmem>>[vector<16xi32>], vector<16xf32>,
      %sub3A_975 = arith.subf %gather3A_973, %gather3A_974 : vector<16xf32>
      %swap3A_976 = arith.index_cast %add3A_962 : i32 to index
      %swap3A_977 = tpu.vector_load %arg16[%swap3A_976] {strides = array<i32>} : memref<10000xf32, #tpu.memory_space<vmem>>, vector<16xf32>,
      tpu.vector_store %arg16[%swap3A_976], %sub3A_975 {strides = array<i32>} : memref<10000xf32, #tpu.memory_space<vmem>>, vector<16xf32>,
      %get3A_978 = arith.index_cast %add3A_849 : i32 to index
      %get3A_979 = arith.constant 64 : index
      %get3A_980 = tpu.vector_load %arg9[%get3A_978, %get3A_979] {strides = array<i32>} : memref<125x80xi32, #tpu.memory_space<vmem>>, vector<16xi32>,
      %mul3A_981 = arith.constant 80 : i32
      %mul3A_982 = arith.muli %add3A_849, %mul3A_981 : i32
      %add3A_983 = arith.addi %multiple_of3A, %mul3A_982 : i32
      %add3A_984 = arith.constant 64 : i32
      %add3A_985 = arith.addi %add3A_983, %add3A_984 : i32
      %add3A_986 = vector.broadcast %add3A_985 : i32 to vector<16xi32>
      %add3A_987 = arith.addi %add3A_986, %iota3A : vector<16xi32>
      %shift_right_logical3A_988 = arith.constant 5 : i32
      %shift_right_logical3A_989 = vector.broadcast %shift_right_logical3A_988 : i32 to vector<16xi32>
      %shift_right_logical3A_990 = arith.shrui %add3A_987, %shift_right_logical3A_989 : vector<16xi32>
      %mul3A_991 = arith.constant 80 : i32
      %mul3A_992 = arith.muli %add3A_849, %mul3A_991 : i32
      %add3A_993 = arith.constant 64 : i32
      %add3A_994 = arith.addi %mul3A_992, %add3A_993 : i32
      %gather3A_995 = tpu.vector_load_idx %arg11[%get3A_980] : memref<10000xf32, #tpu.memory_space<vmem>>[vector<16xi32>], vector<16xf32>,
      %gather3A_996 = tpu.vector_load_idx %arg11[%shift_right_logical3A_990] : memref<10000xf32, #tpu.memory_space<vmem>>[vector<16xi32>], vector<16xf32>,
      %sub3A_997 = arith.subf %gather3A_995, %gather3A_996 : vector<16xf32>
      %swap3A_998 = arith.index_cast %add3A_994 : i32 to index
      %swap3A_999 = tpu.vector_load %arg14[%swap3A_998] {strides = array<i32>} : memref<10000xf32, #tpu.memory_space<vmem>>, vector<16xf32>,
      tpu.vector_store %arg14[%swap3A_998], %sub3A_997 {strides = array<i32>} : memref<10000xf32, #tpu.memory_space<vmem>>, vector<16xf32>,
      %gather3A_1000 = tpu.vector_load_idx %arg12[%get3A_980] : memref<10000xf32, #tpu.memory_space<vmem>>[vector<16xi32>], vector<16xf32>,
      %gather3A_1001 = tpu.vector_load_idx %arg12[%shift_right_logical3A_990] : memref<10000xf32, #tpu.memory_space<vmem>>[vector<16xi32>], vector<16xf32>,
      %sub3A_1002 = arith.subf %gather3A_1000, %gather3A_1001 : vector<16xf32>
      %swap3A_1003 = arith.index_cast %add3A_994 : i32 to index
      %swap3A_1004 = tpu.vector_load %arg15[%swap3A_1003] {strides = array<i32>} : memref<10000xf32, #tpu.memory_space<vmem>>, vector<16xf32>,
      tpu.vector_store %arg15[%swap3A_1003], %sub3A_1002 {strides = array<i32>} : memref<10000xf32, #tpu.memory_space<vmem>>, vector<16xf32>,
      %gather3A_1005 = tpu.vector_load_idx %arg13[%get3A_980] : memref<10000xf32, #tpu.memory_space<vmem>>[vector<16xi32>], vector<16xf32>,
      %gather3A_1006 = tpu.vector_load_idx %arg13[%shift_right_logical3A_990] : memref<10000xf32, #tpu.memory_space<vmem>>[vector<16xi32>], vector<16xf32>,
      %sub3A_1007 = arith.subf %gather3A_1005, %gather3A_1006 : vector<16xf32>
      %swap3A_1008 = arith.index_cast %add3A_994 : i32 to index
      %swap3A_1009 = tpu.vector_load %arg16[%swap3A_1008] {strides = array<i32>} : memref<10000xf32, #tpu.memory_space<vmem>>, vector<16xf32>,
      tpu.vector_store %arg16[%swap3A_1008], %sub3A_1007 {strides = array<i32>} : memref<10000xf32, #tpu.memory_space<vmem>>, vector<16xf32>,
      %dma_wait3A_1010 = arith.constant 4 : i32
      %dma_wait3A_1011 = arith.constant 0 : i32
      %dma_wait3A_1012 = arith.constant 0 : i32
      %dma_wait3A_1013 = tpu.memref_slice %arg10[%dma_wait3A_1010, %dma_wait3A_1011, %dma_wait3A_1012] : memref<5x80x128xf32, #tpu.memory_space<vmem>> -> memref<1x80x128xf32, #tpu.memory_space<vmem>>
      %dma_wait3A_1014 = tpu.memref_squeeze %dma_wait3A_1013 : memref<1x80x128xf32, #tpu.memory_space<vmem>> -> memref<80x128xf32, #tpu.memory_space<vmem>>
      %dma_wait3A_1015 = arith.constant 0 : i32
      %dma_wait3A_1016 = arith.constant 0 : i32
      %dma_wait3A_1017 = tpu.memref_slice %arg2[%dma_wait3A_1015, %dma_wait3A_1016] : memref<10000x128xf32, #tpu.memory_space<hbm>> -> memref<80x128xf32, #tpu.memory_space<hbm>>
      %dma_wait3A_1018 = arith.constant 0 : i32
      %dma_wait3A_1019 = arith.constant 0 : i32
      %dma_wait3A_1020 = tpu.memref_slice %arg10[%dma_wait3A_1010, %dma_wait3A_1018, %dma_wait3A_1019] : memref<5x80x128xf32, #tpu.memory_space<vmem>> -> memref<1x80x128xf32, #tpu.memory_space<vmem>>
      %dma_wait3A_1021 = tpu.memref_squeeze %dma_wait3A_1020 : memref<1x80x128xf32, #tpu.memory_space<vmem>> -> memref<80x128xf32, #tpu.memory_space<vmem>>
      %dma_wait3A_1022 = arith.constant 0 : i32
      %dma_wait3A_1023 = arith.constant 0 : i32
      %dma_wait3A_1024 = tpu.memref_slice %arg2[%dma_wait3A_1022, %dma_wait3A_1023] : memref<10000x128xf32, #tpu.memory_space<hbm>> -> memref<80x128xf32, #tpu.memory_space<hbm>>
      tpu.wait_dma2 semaphore(%arg21 : memref<!tpu.dma_semaphore, #tpu.memory_space<semaphore_mem>>) src(%dma_wait3A_1024 : memref<80x128xf32, #tpu.memory_space<hbm>>) dst(%dma_wait3A_1021 : memref<80x128xf32, #tpu.memory_space<vmem>>)
      %mul3A_1025 = arith.constant 80 : i32
      %mul3A_1026 = arith.muli %add3A_849, %mul3A_1025 : i32
      %add3A_1027 = arith.addi %multiple_of3A, %mul3A_1026 : i32
      %dma_start3A_1028 = arith.constant 4 : i32
      %dma_start3A_1029 = arith.constant 0 : i32
      %dma_start3A_1030 = arith.constant 0 : i32
      %dma_start3A_1031 = tpu.memref_slice %arg10[%dma_start3A_1028, %dma_start3A_1029, %dma_start3A_1030] : memref<5x80x128xf32, #tpu.memory_space<vmem>> -> memref<1x80x128xf32, #tpu.memory_space<vmem>>
      %dma_start3A_1032 = tpu.memref_squeeze %dma_start3A_1031 : memref<1x80x128xf32, #tpu.memory_space<vmem>> -> memref<80x128xf32, #tpu.memory_space<vmem>>
      %dma_start3A_1033 = arith.constant 0 : i32
      %dma_start3A_1034 = tpu.memref_slice %arg7[%add3A_1027, %dma_start3A_1033] : memref<320000x128xf32, #tpu.memory_space<hbm>> -> memref<80x128xf32, #tpu.memory_space<hbm>>
      %dma_start3A_1035 = arith.constant 0 : i32
      %dma_start3A_1036 = tpu.memref_slice %arg7[%add3A_1027, %dma_start3A_1035] : memref<320000x128xf32, #tpu.memory_space<hbm>> -> memref<80x128xf32, #tpu.memory_space<hbm>>
      %dma_start3A_1037 = arith.constant 0 : i32
      %dma_start3A_1038 = arith.constant 0 : i32
      %dma_start3A_1039 = tpu.memref_slice %arg10[%dma_start3A_1028, %dma_start3A_1037, %dma_start3A_1038] : memref<5x80x128xf32, #tpu.memory_space<vmem>> -> memref<1x80x128xf32, #tpu.memory_space<vmem>>
      %dma_start3A_1040 = tpu.memref_squeeze %dma_start3A_1039 : memref<1x80x128xf32, #tpu.memory_space<vmem>> -> memref<80x128xf32, #tpu.memory_space<vmem>>
      tpu.enqueue_dma source(%dma_start3A_1040 : memref<80x128xf32, #tpu.memory_space<vmem>>) target(%dma_start3A_1036 : memref<80x128xf32, #tpu.memory_space<hbm>>) target_semaphore(%arg26 : memref<!tpu.dma_semaphore, #tpu.memory_space<semaphore_mem>>)
      %add3A_1041 = arith.constant 1 : i32
      %add3A_1042 = arith.addi %scan3A_71, %add3A_1041 : i32
      %mul3A_1043 = arith.constant 5 : i32
      %mul3A_1044 = arith.muli %add3A_1042, %mul3A_1043 : i32
      %add3A_1045 = arith.constant 0 : i32
      %add3A_1046 = arith.addi %mul3A_1044, %add3A_1045 : i32
      %dma_wait3A_1047 = arith.constant 0 : i32
      %dma_wait3A_1048 = arith.constant 0 : i32
      %dma_wait3A_1049 = arith.constant 0 : i32
      %dma_wait3A_1050 = tpu.memref_slice %arg10[%dma_wait3A_1047, %dma_wait3A_1048, %dma_wait3A_1049] : memref<5x80x128xf32, #tpu.memory_space<vmem>> -> memref<1x80x128xf32, #tpu.memory_space<vmem>>
      %dma_wait3A_1051 = tpu.memref_squeeze %dma_wait3A_1050 : memref<1x80x128xf32, #tpu.memory_space<vmem>> -> memref<80x128xf32, #tpu.memory_space<vmem>>
      %dma_wait3A_1052 = arith.constant 0 : i32
      %dma_wait3A_1053 = arith.constant 0 : i32
      %dma_wait3A_1054 = tpu.memref_slice %arg7[%dma_wait3A_1052, %dma_wait3A_1053] : memref<320000x128xf32, #tpu.memory_space<hbm>> -> memref<80x128xf32, #tpu.memory_space<hbm>>
      %dma_wait3A_1055 = arith.constant 0 : i32
      %dma_wait3A_1056 = arith.constant 0 : i32
      %dma_wait3A_1057 = tpu.memref_slice %arg7[%dma_wait3A_1055, %dma_wait3A_1056] : memref<320000x128xf32, #tpu.memory_space<hbm>> -> memref<80x128xf32, #tpu.memory_space<hbm>>
      %dma_wait3A_1058 = arith.constant 0 : i32
      %dma_wait3A_1059 = arith.constant 0 : i32
      %dma_wait3A_1060 = tpu.memref_slice %arg10[%dma_wait3A_1047, %dma_wait3A_1058, %dma_wait3A_1059] : memref<5x80x128xf32, #tpu.memory_space<vmem>> -> memref<1x80x128xf32, #tpu.memory_space<vmem>>
      %dma_wait3A_1061 = tpu.memref_squeeze %dma_wait3A_1060 : memref<1x80x128xf32, #tpu.memory_space<vmem>> -> memref<80x128xf32, #tpu.memory_space<vmem>>
      tpu.wait_dma2 semaphore(%arg22 : memref<!tpu.dma_semaphore, #tpu.memory_space<semaphore_mem>>) src(%dma_wait3A_1061 : memref<80x128xf32, #tpu.memory_space<vmem>>) dst(%dma_wait3A_1057 : memref<80x128xf32, #tpu.memory_space<hbm>>)
      %lt3A = arith.constant 125 : i32
      %lt3A_1062 = arith.cmpi slt, %add3A_1046, %lt3A : i32
      %convert_element_type3A = arith.extui %lt3A_1062 : i1 to i32
      %cond3A = arith.constant 0 : i32
      %cond3A_1063 = arith.cmpi ne, %convert_element_type3A, %cond3A : i32
      scf.if %cond3A_1063 {
        %dma_start3A_1168 = arith.constant 0 : i32
        %dma_start3A_1169 = arith.constant 0 : i32
        %dma_start3A_1170 = arith.constant 0 : i32
        %dma_start3A_1171 = tpu.memref_slice %arg10[%dma_start3A_1168, %dma_start3A_1169, %dma_start3A_1170] : memref<5x80x128xf32, #tpu.memory_space<vmem>> -> memref<1x80x128xf32, #tpu.memory_space<vmem>>
        %dma_start3A_1172 = tpu.memref_squeeze %dma_start3A_1171 : memref<1x80x128xf32, #tpu.memory_space<vmem>> -> memref<80x128xf32, #tpu.memory_space<vmem>>
        %dma_start3A_1173 = arith.constant 0 : i32
        %dma_start3A_1174 = tpu.memref_slice %arg9[%add3A_1046, %dma_start3A_1173] : memref<125x80xi32, #tpu.memory_space<vmem>> -> memref<1x80xi32, #tpu.memory_space<vmem>>
        %dma_start3A_1175 = tpu.memref_squeeze %dma_start3A_1174 : memref<1x80xi32, #tpu.memory_space<vmem>> -> memref<80xi32, #tpu.memory_space<vmem>>
        %dma_start3A_1176 = arith.constant 0 : i32
        %dma_start3A_1177 = arith.constant 0 : i32
        %dma_start3A_1178 = tpu.memref_slice %arg2[%dma_start3A_1176, %dma_start3A_1177] : memref<10000x128xf32, #tpu.memory_space<hbm>> -> memref<10000x128xf32, #tpu.memory_space<hbm>>
        tpu.enqueue_indirect_dma source(%dma_start3A_1178 : memref<10000x128xf32, #tpu.memory_space<hbm>>) target(%dma_start3A_1172 : memref<80x128xf32, #tpu.memory_space<vmem>>) offsets(%dma_start3A_1175 : memref<80xi32, #tpu.memory_space<vmem>>) semaphore(%arg17 : memref<!tpu.dma_semaphore, #tpu.memory_space<semaphore_mem>>)
      } else {
      }
      %add3A_1064 = arith.constant 1 : i32
      %add3A_1065 = arith.addi %scan3A_71, %add3A_1064 : i32
      %mul3A_1066 = arith.constant 5 : i32
      %mul3A_1067 = arith.muli %add3A_1065, %mul3A_1066 : i32
      %add3A_1068 = arith.constant 1 : i32
      %add3A_1069 = arith.addi %mul3A_1067, %add3A_1068 : i32
      %dma_wait3A_1070 = arith.constant 1 : i32
      %dma_wait3A_1071 = arith.constant 0 : i32
      %dma_wait3A_1072 = arith.constant 0 : i32
      %dma_wait3A_1073 = tpu.memref_slice %arg10[%dma_wait3A_1070, %dma_wait3A_1071, %dma_wait3A_1072] : memref<5x80x128xf32, #tpu.memory_space<vmem>> -> memref<1x80x128xf32, #tpu.memory_space<vmem>>
      %dma_wait3A_1074 = tpu.memref_squeeze %dma_wait3A_1073 : memref<1x80x128xf32, #tpu.memory_space<vmem>> -> memref<80x128xf32, #tpu.memory_space<vmem>>
      %dma_wait3A_1075 = arith.constant 0 : i32
      %dma_wait3A_1076 = arith.constant 0 : i32
      %dma_wait3A_1077 = tpu.memref_slice %arg7[%dma_wait3A_1075, %dma_wait3A_1076] : memref<320000x128xf32, #tpu.memory_space<hbm>> -> memref<80x128xf32, #tpu.memory_space<hbm>>
      %dma_wait3A_1078 = arith.constant 0 : i32
      %dma_wait3A_1079 = arith.constant 0 : i32
      %dma_wait3A_1080 = tpu.memref_slice %arg7[%dma_wait3A_1078, %dma_wait3A_1079] : memref<320000x128xf32, #tpu.memory_space<hbm>> -> memref<80x128xf32, #tpu.memory_space<hbm>>
      %dma_wait3A_1081 = arith.constant 0 : i32
      %dma_wait3A_1082 = arith.constant 0 : i32
      %dma_wait3A_1083 = tpu.memref_slice %arg10[%dma_wait3A_1070, %dma_wait3A_1081, %dma_wait3A_1082] : memref<5x80x128xf32, #tpu.memory_space<vmem>> -> memref<1x80x128xf32, #tpu.memory_space<vmem>>
      %dma_wait3A_1084 = tpu.memref_squeeze %dma_wait3A_1083 : memref<1x80x128xf32, #tpu.memory_space<vmem>> -> memref<80x128xf32, #tpu.memory_space<vmem>>
      tpu.wait_dma2 semaphore(%arg23 : memref<!tpu.dma_semaphore, #tpu.memory_space<semaphore_mem>>) src(%dma_wait3A_1084 : memref<80x128xf32, #tpu.memory_space<vmem>>) dst(%dma_wait3A_1080 : memref<80x128xf32, #tpu.memory_space<hbm>>)
      %lt3A_1085 = arith.constant 125 : i32
      %lt3A_1086 = arith.cmpi slt, %add3A_1069, %lt3A_1085 : i32
      %convert_element_type3A_1087 = arith.extui %lt3A_1086 : i1 to i32
      %cond3A_1088 = arith.constant 0 : i32
      %cond3A_1089 = arith.cmpi ne, %convert_element_type3A_1087, %cond3A_1088 : i32
      scf.if %cond3A_1089 {
        %dma_start3A_1168 = arith.constant 1 : i32
        %dma_start3A_1169 = arith.constant 0 : i32
        %dma_start3A_1170 = arith.constant 0 : i32
        %dma_start3A_1171 = tpu.memref_slice %arg10[%dma_start3A_1168, %dma_start3A_1169, %dma_start3A_1170] : memref<5x80x128xf32, #tpu.memory_space<vmem>> -> memref<1x80x128xf32, #tpu.memory_space<vmem>>
        %dma_start3A_1172 = tpu.memref_squeeze %dma_start3A_1171 : memref<1x80x128xf32, #tpu.memory_space<vmem>> -> memref<80x128xf32, #tpu.memory_space<vmem>>
        %dma_start3A_1173 = arith.constant 0 : i32
        %dma_start3A_1174 = tpu.memref_slice %arg9[%add3A_1069, %dma_start3A_1173] : memref<125x80xi32, #tpu.memory_space<vmem>> -> memref<1x80xi32, #tpu.memory_space<vmem>>
        %dma_start3A_1175 = tpu.memref_squeeze %dma_start3A_1174 : memref<1x80xi32, #tpu.memory_space<vmem>> -> memref<80xi32, #tpu.memory_space<vmem>>
        %dma_start3A_1176 = arith.constant 0 : i32
        %dma_start3A_1177 = arith.constant 0 : i32
        %dma_start3A_1178 = tpu.memref_slice %arg2[%dma_start3A_1176, %dma_start3A_1177] : memref<10000x128xf32, #tpu.memory_space<hbm>> -> memref<10000x128xf32, #tpu.memory_space<hbm>>
        tpu.enqueue_indirect_dma source(%dma_start3A_1178 : memref<10000x128xf32, #tpu.memory_space<hbm>>) target(%dma_start3A_1172 : memref<80x128xf32, #tpu.memory_space<vmem>>) offsets(%dma_start3A_1175 : memref<80xi32, #tpu.memory_space<vmem>>) semaphore(%arg18 : memref<!tpu.dma_semaphore, #tpu.memory_space<semaphore_mem>>)
      } else {
      }
      %add3A_1090 = arith.constant 1 : i32
      %add3A_1091 = arith.addi %scan3A_71, %add3A_1090 : i32
      %mul3A_1092 = arith.constant 5 : i32
      %mul3A_1093 = arith.muli %add3A_1091, %mul3A_1092 : i32
      %add3A_1094 = arith.constant 2 : i32
      %add3A_1095 = arith.addi %mul3A_1093, %add3A_1094 : i32
      %dma_wait3A_1096 = arith.constant 2 : i32
      %dma_wait3A_1097 = arith.constant 0 : i32
      %dma_wait3A_1098 = arith.constant 0 : i32
      %dma_wait3A_1099 = tpu.memref_slice %arg10[%dma_wait3A_1096, %dma_wait3A_1097, %dma_wait3A_1098] : memref<5x80x128xf32, #tpu.memory_space<vmem>> -> memref<1x80x128xf32, #tpu.memory_space<vmem>>
      %dma_wait3A_1100 = tpu.memref_squeeze %dma_wait3A_1099 : memref<1x80x128xf32, #tpu.memory_space<vmem>> -> memref<80x128xf32, #tpu.memory_space<vmem>>
      %dma_wait3A_1101 = arith.constant 0 : i32
      %dma_wait3A_1102 = arith.constant 0 : i32
      %dma_wait3A_1103 = tpu.memref_slice %arg7[%dma_wait3A_1101, %dma_wait3A_1102] : memref<320000x128xf32, #tpu.memory_space<hbm>> -> memref<80x128xf32, #tpu.memory_space<hbm>>
      %dma_wait3A_1104 = arith.constant 0 : i32
      %dma_wait3A_1105 = arith.constant 0 : i32
      %dma_wait3A_1106 = tpu.memref_slice %arg7[%dma_wait3A_1104, %dma_wait3A_1105] : memref<320000x128xf32, #tpu.memory_space<hbm>> -> memref<80x128xf32, #tpu.memory_space<hbm>>
      %dma_wait3A_1107 = arith.constant 0 : i32
      %dma_wait3A_1108 = arith.constant 0 : i32
      %dma_wait3A_1109 = tpu.memref_slice %arg10[%dma_wait3A_1096, %dma_wait3A_1107, %dma_wait3A_1108] : memref<5x80x128xf32, #tpu.memory_space<vmem>> -> memref<1x80x128xf32, #tpu.memory_space<vmem>>
      %dma_wait3A_1110 = tpu.memref_squeeze %dma_wait3A_1109 : memref<1x80x128xf32, #tpu.memory_space<vmem>> -> memref<80x128xf32, #tpu.memory_space<vmem>>
      tpu.wait_dma2 semaphore(%arg24 : memref<!tpu.dma_semaphore, #tpu.memory_space<semaphore_mem>>) src(%dma_wait3A_1110 : memref<80x128xf32, #tpu.memory_space<vmem>>) dst(%dma_wait3A_1106 : memref<80x128xf32, #tpu.memory_space<hbm>>)
      %lt3A_1111 = arith.constant 125 : i32
      %lt3A_1112 = arith.cmpi slt, %add3A_1095, %lt3A_1111 : i32
      %convert_element_type3A_1113 = arith.extui %lt3A_1112 : i1 to i32
      %cond3A_1114 = arith.constant 0 : i32
      %cond3A_1115 = arith.cmpi ne, %convert_element_type3A_1113, %cond3A_1114 : i32
      scf.if %cond3A_1115 {
        %dma_start3A_1168 = arith.constant 2 : i32
        %dma_start3A_1169 = arith.constant 0 : i32
        %dma_start3A_1170 = arith.constant 0 : i32
        %dma_start3A_1171 = tpu.memref_slice %arg10[%dma_start3A_1168, %dma_start3A_1169, %dma_start3A_1170] : memref<5x80x128xf32, #tpu.memory_space<vmem>> -> memref<1x80x128xf32, #tpu.memory_space<vmem>>
        %dma_start3A_1172 = tpu.memref_squeeze %dma_start3A_1171 : memref<1x80x128xf32, #tpu.memory_space<vmem>> -> memref<80x128xf32, #tpu.memory_space<vmem>>
        %dma_start3A_1173 = arith.constant 0 : i32
        %dma_start3A_1174 = tpu.memref_slice %arg9[%add3A_1095, %dma_start3A_1173] : memref<125x80xi32, #tpu.memory_space<vmem>> -> memref<1x80xi32, #tpu.memory_space<vmem>>
        %dma_start3A_1175 = tpu.memref_squeeze %dma_start3A_1174 : memref<1x80xi32, #tpu.memory_space<vmem>> -> memref<80xi32, #tpu.memory_space<vmem>>
        %dma_start3A_1176 = arith.constant 0 : i32
        %dma_start3A_1177 = arith.constant 0 : i32
        %dma_start3A_1178 = tpu.memref_slice %arg2[%dma_start3A_1176, %dma_start3A_1177] : memref<10000x128xf32, #tpu.memory_space<hbm>> -> memref<10000x128xf32, #tpu.memory_space<hbm>>
        tpu.enqueue_indirect_dma source(%dma_start3A_1178 : memref<10000x128xf32, #tpu.memory_space<hbm>>) target(%dma_start3A_1172 : memref<80x128xf32, #tpu.memory_space<vmem>>) offsets(%dma_start3A_1175 : memref<80xi32, #tpu.memory_space<vmem>>) semaphore(%arg19 : memref<!tpu.dma_semaphore, #tpu.memory_space<semaphore_mem>>)
      } else {
      }
      %add3A_1116 = arith.constant 1 : i32
      %add3A_1117 = arith.addi %scan3A_71, %add3A_1116 : i32
      %mul3A_1118 = arith.constant 5 : i32
      %mul3A_1119 = arith.muli %add3A_1117, %mul3A_1118 : i32
      %add3A_1120 = arith.constant 3 : i32
      %add3A_1121 = arith.addi %mul3A_1119, %add3A_1120 : i32
      %dma_wait3A_1122 = arith.constant 3 : i32
      %dma_wait3A_1123 = arith.constant 0 : i32
      %dma_wait3A_1124 = arith.constant 0 : i32
      %dma_wait3A_1125 = tpu.memref_slice %arg10[%dma_wait3A_1122, %dma_wait3A_1123, %dma_wait3A_1124] : memref<5x80x128xf32, #tpu.memory_space<vmem>> -> memref<1x80x128xf32, #tpu.memory_space<vmem>>
      %dma_wait3A_1126 = tpu.memref_squeeze %dma_wait3A_1125 : memref<1x80x128xf32, #tpu.memory_space<vmem>> -> memref<80x128xf32, #tpu.memory_space<vmem>>
      %dma_wait3A_1127 = arith.constant 0 : i32
      %dma_wait3A_1128 = arith.constant 0 : i32
      %dma_wait3A_1129 = tpu.memref_slice %arg7[%dma_wait3A_1127, %dma_wait3A_1128] : memref<320000x128xf32, #tpu.memory_space<hbm>> -> memref<80x128xf32, #tpu.memory_space<hbm>>
      %dma_wait3A_1130 = arith.constant 0 : i32
      %dma_wait3A_1131 = arith.constant 0 : i32
      %dma_wait3A_1132 = tpu.memref_slice %arg7[%dma_wait3A_1130, %dma_wait3A_1131] : memref<320000x128xf32, #tpu.memory_space<hbm>> -> memref<80x128xf32, #tpu.memory_space<hbm>>
      %dma_wait3A_1133 = arith.constant 0 : i32
      %dma_wait3A_1134 = arith.constant 0 : i32
      %dma_wait3A_1135 = tpu.memref_slice %arg10[%dma_wait3A_1122, %dma_wait3A_1133, %dma_wait3A_1134] : memref<5x80x128xf32, #tpu.memory_space<vmem>> -> memref<1x80x128xf32, #tpu.memory_space<vmem>>
      %dma_wait3A_1136 = tpu.memref_squeeze %dma_wait3A_1135 : memref<1x80x128xf32, #tpu.memory_space<vmem>> -> memref<80x128xf32, #tpu.memory_space<vmem>>
      tpu.wait_dma2 semaphore(%arg25 : memref<!tpu.dma_semaphore, #tpu.memory_space<semaphore_mem>>) src(%dma_wait3A_1136 : memref<80x128xf32, #tpu.memory_space<vmem>>) dst(%dma_wait3A_1132 : memref<80x128xf32, #tpu.memory_space<hbm>>)
      %lt3A_1137 = arith.constant 125 : i32
      %lt3A_1138 = arith.cmpi slt, %add3A_1121, %lt3A_1137 : i32
      %convert_element_type3A_1139 = arith.extui %lt3A_1138 : i1 to i32
      %cond3A_1140 = arith.constant 0 : i32
      %cond3A_1141 = arith.cmpi ne, %convert_element_type3A_1139, %cond3A_1140 : i32
      scf.if %cond3A_1141 {
        %dma_start3A_1168 = arith.constant 3 : i32
        %dma_start3A_1169 = arith.constant 0 : i32
        %dma_start3A_1170 = arith.constant 0 : i32
        %dma_start3A_1171 = tpu.memref_slice %arg10[%dma_start3A_1168, %dma_start3A_1169, %dma_start3A_1170] : memref<5x80x128xf32, #tpu.memory_space<vmem>> -> memref<1x80x128xf32, #tpu.memory_space<vmem>>
        %dma_start3A_1172 = tpu.memref_squeeze %dma_start3A_1171 : memref<1x80x128xf32, #tpu.memory_space<vmem>> -> memref<80x128xf32, #tpu.memory_space<vmem>>
        %dma_start3A_1173 = arith.constant 0 : i32
        %dma_start3A_1174 = tpu.memref_slice %arg9[%add3A_1121, %dma_start3A_1173] : memref<125x80xi32, #tpu.memory_space<vmem>> -> memref<1x80xi32, #tpu.memory_space<vmem>>
        %dma_start3A_1175 = tpu.memref_squeeze %dma_start3A_1174 : memref<1x80xi32, #tpu.memory_space<vmem>> -> memref<80xi32, #tpu.memory_space<vmem>>
        %dma_start3A_1176 = arith.constant 0 : i32
        %dma_start3A_1177 = arith.constant 0 : i32
        %dma_start3A_1178 = tpu.memref_slice %arg2[%dma_start3A_1176, %dma_start3A_1177] : memref<10000x128xf32, #tpu.memory_space<hbm>> -> memref<10000x128xf32, #tpu.memory_space<hbm>>
        tpu.enqueue_indirect_dma source(%dma_start3A_1178 : memref<10000x128xf32, #tpu.memory_space<hbm>>) target(%dma_start3A_1172 : memref<80x128xf32, #tpu.memory_space<vmem>>) offsets(%dma_start3A_1175 : memref<80xi32, #tpu.memory_space<vmem>>) semaphore(%arg20 : memref<!tpu.dma_semaphore, #tpu.memory_space<semaphore_mem>>)
      } else {
      }
      %add3A_1142 = arith.constant 1 : i32
      %add3A_1143 = arith.addi %scan3A_71, %add3A_1142 : i32
      %mul3A_1144 = arith.constant 5 : i32
      %mul3A_1145 = arith.muli %add3A_1143, %mul3A_1144 : i32
      %add3A_1146 = arith.constant 4 : i32
      %add3A_1147 = arith.addi %mul3A_1145, %add3A_1146 : i32
      %dma_wait3A_1148 = arith.constant 4 : i32
      %dma_wait3A_1149 = arith.constant 0 : i32
      %dma_wait3A_1150 = arith.constant 0 : i32
      %dma_wait3A_1151 = tpu.memref_slice %arg10[%dma_wait3A_1148, %dma_wait3A_1149, %dma_wait3A_1150] : memref<5x80x128xf32, #tpu.memory_space<vmem>> -> memref<1x80x128xf32, #tpu.memory_space<vmem>>
      %dma_wait3A_1152 = tpu.memref_squeeze %dma_wait3A_1151 : memref<1x80x128xf32, #tpu.memory_space<vmem>> -> memref<80x128xf32, #tpu.memory_space<vmem>>
      %dma_wait3A_1153 = arith.constant 0 : i32
      %dma_wait3A_1154 = arith.constant 0 : i32
      %dma_wait3A_1155 = tpu.memref_slice %arg7[%dma_wait3A_1153, %dma_wait3A_1154] : memref<320000x128xf32, #tpu.memory_space<hbm>> -> memref<80x128xf32, #tpu.memory_space<hbm>>
      %dma_wait3A_1156 = arith.constant 0 : i32
      %dma_wait3A_1157 = arith.constant 0 : i32
      %dma_wait3A_1158 = tpu.memref_slice %arg7[%dma_wait3A_1156, %dma_wait3A_1157] : memref<320000x128xf32, #tpu.memory_space<hbm>> -> memref<80x128xf32, #tpu.memory_space<hbm>>
      %dma_wait3A_1159 = arith.constant 0 : i32
      %dma_wait3A_1160 = arith.constant 0 : i32
      %dma_wait3A_1161 = tpu.memref_slice %arg10[%dma_wait3A_1148, %dma_wait3A_1159, %dma_wait3A_1160] : memref<5x80x128xf32, #tpu.memory_space<vmem>> -> memref<1x80x128xf32, #tpu.memory_space<vmem>>
      %dma_wait3A_1162 = tpu.memref_squeeze %dma_wait3A_1161 : memref<1x80x128xf32, #tpu.memory_space<vmem>> -> memref<80x128xf32, #tpu.memory_space<vmem>>
      tpu.wait_dma2 semaphore(%arg26 : memref<!tpu.dma_semaphore, #tpu.memory_space<semaphore_mem>>) src(%dma_wait3A_1162 : memref<80x128xf32, #tpu.memory_space<vmem>>) dst(%dma_wait3A_1158 : memref<80x128xf32, #tpu.memory_space<hbm>>)
      %lt3A_1163 = arith.constant 125 : i32
      %lt3A_1164 = arith.cmpi slt, %add3A_1147, %lt3A_1163 : i32
      %convert_element_type3A_1165 = arith.extui %lt3A_1164 : i1 to i32
      %cond3A_1166 = arith.constant 0 : i32
      %cond3A_1167 = arith.cmpi ne, %convert_element_type3A_1165, %cond3A_1166 : i32
      scf.if %cond3A_1167 {
        %dma_start3A_1168 = arith.constant 4 : i32
        %dma_start3A_1169 = arith.constant 0 : i32
        %dma_start3A_1170 = arith.constant 0 : i32
        %dma_start3A_1171 = tpu.memref_slice %arg10[%dma_start3A_1168, %dma_start3A_1169, %dma_start3A_1170] : memref<5x80x128xf32, #tpu.memory_space<vmem>> -> memref<1x80x128xf32, #tpu.memory_space<vmem>>
        %dma_start3A_1172 = tpu.memref_squeeze %dma_start3A_1171 : memref<1x80x128xf32, #tpu.memory_space<vmem>> -> memref<80x128xf32, #tpu.memory_space<vmem>>
        %dma_start3A_1173 = arith.constant 0 : i32
        %dma_start3A_1174 = tpu.memref_slice %arg9[%add3A_1147, %dma_start3A_1173] : memref<125x80xi32, #tpu.memory_space<vmem>> -> memref<1x80xi32, #tpu.memory_space<vmem>>
        %dma_start3A_1175 = tpu.memref_squeeze %dma_start3A_1174 : memref<1x80xi32, #tpu.memory_space<vmem>> -> memref<80xi32, #tpu.memory_space<vmem>>
        %dma_start3A_1176 = arith.constant 0 : i32
        %dma_start3A_1177 = arith.constant 0 : i32
        %dma_start3A_1178 = tpu.memref_slice %arg2[%dma_start3A_1176, %dma_start3A_1177] : memref<10000x128xf32, #tpu.memory_space<hbm>> -> memref<10000x128xf32, #tpu.memory_space<hbm>>
        tpu.enqueue_indirect_dma source(%dma_start3A_1178 : memref<10000x128xf32, #tpu.memory_space<hbm>>) target(%dma_start3A_1172 : memref<80x128xf32, #tpu.memory_space<vmem>>) offsets(%dma_start3A_1175 : memref<80xi32, #tpu.memory_space<vmem>>) semaphore(%arg21 : memref<!tpu.dma_semaphore, #tpu.memory_space<semaphore_mem>>)
      } else {
      }
    }
    %scan3A_66 = arith.constant 25 : i32
    "tpu.region"() ({
      %run_scoped3A = tpu.sem_alloc : memref<!tpu.dma_semaphore, #tpu.memory_space<semaphore_mem>>
      %dma_start3A_71 = tpu.memref_slice %arg8[%multiple_of3A] : memref<960000xf32, #tpu.memory_space<hbm>> -> memref<10000xf32, #tpu.memory_space<hbm>>
      %dma_start3A_72 = tpu.memref_slice %arg8[%multiple_of3A] : memref<960000xf32, #tpu.memory_space<hbm>> -> memref<10000xf32, #tpu.memory_space<hbm>>
      tpu.enqueue_dma source(%arg14 : memref<10000xf32, #tpu.memory_space<vmem>>) target(%dma_start3A_72 : memref<10000xf32, #tpu.memory_space<hbm>>) target_semaphore(%run_scoped3A : memref<!tpu.dma_semaphore, #tpu.memory_space<semaphore_mem>>)
      %dma_wait3A = tpu.memref_slice %arg8[%multiple_of3A] : memref<960000xf32, #tpu.memory_space<hbm>> -> memref<10000xf32, #tpu.memory_space<hbm>>
      %dma_wait3A_73 = tpu.memref_slice %arg8[%multiple_of3A] : memref<960000xf32, #tpu.memory_space<hbm>> -> memref<10000xf32, #tpu.memory_space<hbm>>
      tpu.wait_dma2 semaphore(%run_scoped3A : memref<!tpu.dma_semaphore, #tpu.memory_space<semaphore_mem>>) src(%arg14 : memref<10000xf32, #tpu.memory_space<vmem>>) dst(%dma_wait3A_73 : memref<10000xf32, #tpu.memory_space<hbm>>)
      tpu.yield
    }) : () -> ()
    %add3A_67 = arith.constant 320000 : i32
    %add3A_68 = arith.addi %add3A_67, %multiple_of3A : i32
    "tpu.region"() ({
      %run_scoped3A = tpu.sem_alloc : memref<!tpu.dma_semaphore, #tpu.memory_space<semaphore_mem>>
      %dma_start3A_71 = tpu.memref_slice %arg8[%add3A_68] : memref<960000xf32, #tpu.memory_space<hbm>> -> memref<10000xf32, #tpu.memory_space<hbm>>
      %dma_start3A_72 = tpu.memref_slice %arg8[%add3A_68] : memref<960000xf32, #tpu.memory_space<hbm>> -> memref<10000xf32, #tpu.memory_space<hbm>>
      tpu.enqueue_dma source(%arg15 : memref<10000xf32, #tpu.memory_space<vmem>>) target(%dma_start3A_72 : memref<10000xf32, #tpu.memory_space<hbm>>) target_semaphore(%run_scoped3A : memref<!tpu.dma_semaphore, #tpu.memory_space<semaphore_mem>>)
      %dma_wait3A = tpu.memref_slice %arg8[%add3A_68] : memref<960000xf32, #tpu.memory_space<hbm>> -> memref<10000xf32, #tpu.memory_space<hbm>>
      %dma_wait3A_73 = tpu.memref_slice %arg8[%add3A_68] : memref<960000xf32, #tpu.memory_space<hbm>> -> memref<10000xf32, #tpu.memory_space<hbm>>
      tpu.wait_dma2 semaphore(%run_scoped3A : memref<!tpu.dma_semaphore, #tpu.memory_space<semaphore_mem>>) src(%arg15 : memref<10000xf32, #tpu.memory_space<vmem>>) dst(%dma_wait3A_73 : memref<10000xf32, #tpu.memory_space<hbm>>)
      tpu.yield
    }) : () -> ()
    %add3A_69 = arith.constant 640000 : i32
    %add3A_70 = arith.addi %add3A_69, %multiple_of3A : i32
    "tpu.region"() ({
      %run_scoped3A = tpu.sem_alloc : memref<!tpu.dma_semaphore, #tpu.memory_space<semaphore_mem>>
      %dma_start3A_71 = tpu.memref_slice %arg8[%add3A_70] : memref<960000xf32, #tpu.memory_space<hbm>> -> memref<10000xf32, #tpu.memory_space<hbm>>
      %dma_start3A_72 = tpu.memref_slice %arg8[%add3A_70] : memref<960000xf32, #tpu.memory_space<hbm>> -> memref<10000xf32, #tpu.memory_space<hbm>>
      tpu.enqueue_dma source(%arg16 : memref<10000xf32, #tpu.memory_space<vmem>>) target(%dma_start3A_72 : memref<10000xf32, #tpu.memory_space<hbm>>) target_semaphore(%run_scoped3A : memref<!tpu.dma_semaphore, #tpu.memory_space<semaphore_mem>>)
      %dma_wait3A = tpu.memref_slice %arg8[%add3A_70] : memref<960000xf32, #tpu.memory_space<hbm>> -> memref<10000xf32, #tpu.memory_space<hbm>>
      %dma_wait3A_73 = tpu.memref_slice %arg8[%add3A_70] : memref<960000xf32, #tpu.memory_space<hbm>> -> memref<10000xf32, #tpu.memory_space<hbm>>
      tpu.wait_dma2 semaphore(%run_scoped3A : memref<!tpu.dma_semaphore, #tpu.memory_space<semaphore_mem>>) src(%arg16 : memref<10000xf32, #tpu.memory_space<vmem>>) dst(%dma_wait3A_73 : memref<10000xf32, #tpu.memory_space<hbm>>)
      tpu.yield
    }) : () -> ()
    return
  }
}

module attributes {stable_mosaic.version = 14 : i64} {
  func.func @_fc1_bn_relu_body(%arg0: memref<10000x128xf32, #tpu.memory_space<vmem>>, %arg1: memref<128x128xf32, #tpu.memory_space<vmem>>, %arg2: memref<1x128xf32, #tpu.memory_space<vmem>>, %arg3: memref<1x128xf32, #tpu.memory_space<vmem>>, %arg4: memref<10000x128xf32, #tpu.memory_space<vmem>>) attributes {dimension_semantics = [], scalar_prefetch = 0 : i64, scratch_operands = 0 : i64, tpu.core_type = #tpu.core_type<tc>} {
    %get3A = arith.constant 0 : index
    %get3A_0 = arith.constant 0 : index
    %get3A_1 = vector.load %arg0[%get3A, %get3A_0] : memref<10000x128xf32, #tpu.memory_space<vmem>>, vector<10000x128xf32>
    %get3A_2 = arith.constant 0 : index
    %get3A_3 = arith.constant 0 : index
    %get3A_4 = vector.load %arg1[%get3A_2, %get3A_3] : memref<128x128xf32, #tpu.memory_space<vmem>>, vector<128x128xf32>
    %dot_general3A = arith.constant dense<0.000000e+00> : vector<10000x128xf32>
    %dot_general3A_5 = tpu.matmul %get3A_1, %get3A_4, %dot_general3A {dimension_numbers = #tpu.dot_dimension_numbers<[1], [0], [0], [1], [0, 0, 1, 1], [], []>, transpose_lhs_hint = false} : vector<10000x128xf32>, vector<128x128xf32>, vector<10000x128xf32> -> vector<10000x128xf32>
    %reduce_sum3A = arith.constant dense<0.000000e+00> : vector<128xf32>
    %reduce_sum3A_6 = vector.multi_reduction <add>, %dot_general3A_5, %reduce_sum3A [0] : vector<10000x128xf32> to vector<128xf32>
    %broadcast_in_dim3A = vector.shape_cast %reduce_sum3A_6 : vector<128xf32> to vector<1x128xf32>
    %div3A = arith.constant 1.000000e+04 : f32
    %div3A_7 = vector.broadcast %div3A : f32 to vector<1x128xf32>
    %div3A_8 = arith.divf %broadcast_in_dim3A, %div3A_7 : vector<1x128xf32>
    %sub3A = vector.broadcast %div3A_8 : vector<1x128xf32> to vector<10000x128xf32>
    %sub3A_9 = arith.subf %dot_general3A_5, %sub3A : vector<10000x128xf32>
    %sub3A_10 = vector.broadcast %div3A_8 : vector<1x128xf32> to vector<10000x128xf32>
    %sub3A_11 = arith.subf %dot_general3A_5, %sub3A_10 : vector<10000x128xf32>
    %mul3A = arith.mulf %sub3A_9, %sub3A_11 : vector<10000x128xf32>
    %reduce_sum3A_12 = arith.constant dense<0.000000e+00> : vector<128xf32>
    %reduce_sum3A_13 = vector.multi_reduction <add>, %mul3A, %reduce_sum3A_12 [0] : vector<10000x128xf32> to vector<128xf32>
    %broadcast_in_dim3A_14 = vector.shape_cast %reduce_sum3A_13 : vector<128xf32> to vector<1x128xf32>
    %div3A_15 = arith.constant 1.000000e+04 : f32
    %div3A_16 = vector.broadcast %div3A_15 : f32 to vector<1x128xf32>
    %div3A_17 = arith.divf %broadcast_in_dim3A_14, %div3A_16 : vector<1x128xf32>
    %sub3A_18 = vector.broadcast %div3A_8 : vector<1x128xf32> to vector<10000x128xf32>
    %sub3A_19 = arith.subf %dot_general3A_5, %sub3A_18 : vector<10000x128xf32>
    %add3A = arith.constant 9.99999974E-6 : f32
    %add3A_20 = vector.broadcast %add3A : f32 to vector<1x128xf32>
    %add3A_21 = arith.addf %div3A_17, %add3A_20 : vector<1x128xf32>
    %rsqrt3A = math.rsqrt %add3A_21 : vector<1x128xf32>
    %mul3A_22 = vector.broadcast %rsqrt3A : vector<1x128xf32> to vector<10000x128xf32>
    %mul3A_23 = arith.mulf %sub3A_19, %mul3A_22 : vector<10000x128xf32>
    %get3A_24 = arith.constant 0 : index
    %get3A_25 = arith.constant 0 : index
    %get3A_26 = vector.load %arg2[%get3A_24, %get3A_25] : memref<1x128xf32, #tpu.memory_space<vmem>>, vector<1x128xf32>
    %mul3A_27 = vector.broadcast %get3A_26 : vector<1x128xf32> to vector<10000x128xf32>
    %mul3A_28 = arith.mulf %mul3A_23, %mul3A_27 : vector<10000x128xf32>
    %get3A_29 = arith.constant 0 : index
    %get3A_30 = arith.constant 0 : index
    %get3A_31 = vector.load %arg3[%get3A_29, %get3A_30] : memref<1x128xf32, #tpu.memory_space<vmem>>, vector<1x128xf32>
    %add3A_32 = vector.broadcast %get3A_31 : vector<1x128xf32> to vector<10000x128xf32>
    %add3A_33 = arith.addf %mul3A_28, %add3A_32 : vector<10000x128xf32>
    %max3A = arith.constant 0.000000e+00 : f32
    %max3A_34 = vector.broadcast %max3A : f32 to vector<10000x128xf32>
    %max3A_35 = arith.maximumf %add3A_33, %max3A_34 : vector<10000x128xf32>
    %swap3A = arith.constant 0 : index
    %swap3A_36 = arith.constant 0 : index
    %swap3A_37 = vector.load %arg4[%swap3A, %swap3A_36] : memref<10000x128xf32, #tpu.memory_space<vmem>>, vector<10000x128xf32>
    tpu.vector_store %arg4[%swap3A, %swap3A_36], %max3A_35 {strides = array<i32>} : memref<10000x128xf32, #tpu.memory_space<vmem>>, vector<10000x128xf32>,
    return
  }
}

module attributes {stable_mosaic.version = 14 : i64} {
  func.func @_kpconv_body(%arg0: i32, %arg1: memref<12800x128xf32, #tpu.memory_space<vmem>>, %arg2: memref<3x12800xf32, #tpu.memory_space<vmem>>, %arg3: memref<8x48xf32, #tpu.memory_space<vmem>>, %arg4: memref<48x128xf32, #tpu.memory_space<vmem>>, %arg5: memref<400x128xf32, #tpu.memory_space<vmem>>) attributes {dimension_semantics = [#tpu.dimension_semantics<arbitrary>], iteration_bounds = array<i64: 25>, scalar_prefetch = 0 : i64, scratch_operands = 0 : i64, tpu.core_type = #tpu.core_type<tc>, window_params = [{transform_indices = @transform_0, window_bounds = array<i64: 12800, 128>}, {transform_indices = @transform_1, window_bounds = array<i64: 3, 12800>}, {pipeline_mode = #tpu.pipeline_mode<synchronous>, transform_indices = @transform_2, window_bounds = array<i64: 8, 48>}, {pipeline_mode = #tpu.pipeline_mode<synchronous>, transform_indices = @transform_3, window_bounds = array<i64: 48, 128>}, {transform_indices = @transform_4, window_bounds = array<i64: 400, 128>}]} {
    %get3A = arith.constant 0 : index
    %get3A_0 = arith.constant 0 : index
    %get3A_1 = vector.load %arg2[%get3A, %get3A_0] : memref<3x12800xf32, #tpu.memory_space<vmem>>, vector<3x12800xf32>
    %mul3A = arith.mulf %get3A_1, %get3A_1 : vector<3x12800xf32>
    %reduce_sum3A = arith.constant dense<0.000000e+00> : vector<12800xf32>
    %reduce_sum3A_2 = vector.multi_reduction <add>, %mul3A, %reduce_sum3A [0] : vector<3x12800xf32> to vector<12800xf32>
    %broadcast_in_dim3A = vector.shape_cast %reduce_sum3A_2 : vector<12800xf32> to vector<1x12800xf32>
    %broadcast_in_dim3A_3 = arith.constant 1.000000e+00 : f32
    %broadcast_in_dim3A_4 = vector.broadcast %broadcast_in_dim3A_3 : f32 to vector<1x12800xf32>
    %concatenate3A = tpu.concatenate %get3A_1, %broadcast_in_dim3A, %broadcast_in_dim3A_4 in 0 : vector<3x12800xf32>, vector<1x12800xf32>, vector<1x12800xf32> -> vector<5x12800xf32>
    %get3A_5 = arith.constant 0 : index
    %get3A_6 = arith.constant 0 : index
    %get3A_7 = vector.load %arg3[%get3A_5, %get3A_6] : memref<8x48xf32, #tpu.memory_space<vmem>>, vector<5x48xf32>
    %dot_general3A = arith.constant dense<0.000000e+00> : vector<48x12800xf32>
    %dot_general3A_8 = tpu.matmul %get3A_7, %concatenate3A, %dot_general3A {dimension_numbers = #tpu.dot_dimension_numbers<[0], [0], [1], [1], [0, 1, 1, 1], [], []>, precision = #tpu.contract_precision<fp32>, transpose_lhs_hint = false} : vector<5x48xf32>, vector<5x12800xf32>, vector<48x12800xf32> -> vector<48x12800xf32>
    %max3A = arith.constant 0.000000e+00 : f32
    %max3A_9 = vector.broadcast %max3A : f32 to vector<48x12800xf32>
    %max3A_10 = arith.maximumf %dot_general3A_8, %max3A_9 : vector<48x12800xf32>
    %add3A = arith.constant 9.99999996E-13 : f32
    %add3A_11 = vector.broadcast %add3A : f32 to vector<48x12800xf32>
    %add3A_12 = arith.addf %max3A_10, %add3A_11 : vector<48x12800xf32>
    %rsqrt3A = math.rsqrt %add3A_12 : vector<48x12800xf32>
    %mul3A_13 = arith.mulf %add3A_12, %rsqrt3A : vector<48x12800xf32>
    %sub3A = arith.constant 1.000000e+00 : f32
    %sub3A_14 = vector.broadcast %sub3A : f32 to vector<48x12800xf32>
    %sub3A_15 = arith.subf %sub3A_14, %mul3A_13 : vector<48x12800xf32>
    %max3A_16 = arith.constant 0.000000e+00 : f32
    %max3A_17 = vector.broadcast %max3A_16 : f32 to vector<48x12800xf32>
    %max3A_18 = arith.maximumf %sub3A_15, %max3A_17 : vector<48x12800xf32>
    %get3A_19 = arith.constant 0 : index
    %get3A_20 = arith.constant 0 : index
    %get3A_21 = vector.load %arg4[%get3A_19, %get3A_20] : memref<48x128xf32, #tpu.memory_space<vmem>>, vector<48x128xf32>
    %dot_general3A_22 = arith.constant dense<0.000000e+00> : vector<12800x128xf32>
    %dot_general3A_23 = tpu.matmul %max3A_18, %get3A_21, %dot_general3A_22 {dimension_numbers = #tpu.dot_dimension_numbers<[0], [0], [1], [1], [0, 1, 1, 1], [], []>, transpose_lhs_hint = false} : vector<48x12800xf32>, vector<48x128xf32>, vector<12800x128xf32> -> vector<12800x128xf32>
    %get3A_24 = arith.constant 0 : index
    %get3A_25 = arith.constant 0 : index
    %get3A_26 = vector.load %arg1[%get3A_24, %get3A_25] : memref<12800x128xf32, #tpu.memory_space<vmem>>, vector<12800x128xf32>
    %mul3A_27 = arith.mulf %dot_general3A_23, %get3A_26 : vector<12800x128xf32>
    %reshape3A = vector.shape_cast %mul3A_27 : vector<12800x128xf32> to vector<400x32x128xf32>
    %reduce_sum3A_28 = arith.constant dense<0.000000e+00> : vector<400x128xf32>
    %reduce_sum3A_29 = vector.multi_reduction <add>, %reshape3A, %reduce_sum3A_28 [1] : vector<400x32x128xf32> to vector<400x128xf32>
    %swap3A = arith.constant 0 : index
    %swap3A_30 = arith.constant 0 : index
    %swap3A_31 = vector.load %arg5[%swap3A, %swap3A_30] : memref<400x128xf32, #tpu.memory_space<vmem>>, vector<400x128xf32>
    tpu.vector_store %arg5[%swap3A, %swap3A_30], %reduce_sum3A_29 {strides = array<i32>} : memref<400x128xf32, #tpu.memory_space<vmem>>, vector<400x128xf32>,
    return
  }
  func.func @transform_0(%arg0: i32) -> (i32, i32) {
    %c0_i32 = arith.constant 0 : i32
    %c0_i32_0 = arith.constant 0 : i32
    return %arg0, %c0_i32 : i32, i32
  }
  func.func @transform_1(%arg0: i32) -> (i32, i32) {
    %c0_i32 = arith.constant 0 : i32
    %c0_i32_0 = arith.constant 0 : i32
    return %c0_i32, %arg0 : i32, i32
  }
  func.func @transform_2(%arg0: i32) -> (i32, i32) {
    %c0_i32 = arith.constant 0 : i32
    %c0_i32_0 = arith.constant 0 : i32
    %c0_i32_1 = arith.constant 0 : i32
    return %c0_i32, %c0_i32_0 : i32, i32
  }
  func.func @transform_3(%arg0: i32) -> (i32, i32) {
    %c0_i32 = arith.constant 0 : i32
    %c0_i32_0 = arith.constant 0 : i32
    %c0_i32_1 = arith.constant 0 : i32
    return %c0_i32, %c0_i32_0 : i32, i32
  }
  func.func @transform_4(%arg0: i32) -> (i32, i32) {
    %c0_i32 = arith.constant 0 : i32
    %c0_i32_0 = arith.constant 0 : i32
    return %arg0, %c0_i32 : i32, i32
  }
}

module attributes {stable_mosaic.version = 14 : i64} {
  func.func @_epilogue_body(%arg0: memref<10000x128xf32, #tpu.memory_space<vmem>>, %arg1: memref<10000x128xf32, #tpu.memory_space<vmem>>, %arg2: memref<128x128xf32, #tpu.memory_space<vmem>>, %arg3: memref<1x128xf32, #tpu.memory_space<vmem>>, %arg4: memref<1x128xf32, #tpu.memory_space<vmem>>, %arg5: memref<1x128xf32, #tpu.memory_space<vmem>>, %arg6: memref<1x128xf32, #tpu.memory_space<vmem>>, %arg7: memref<10000x128xf32, #tpu.memory_space<vmem>>) attributes {dimension_semantics = [], scalar_prefetch = 0 : i64, scratch_operands = 0 : i64, tpu.core_type = #tpu.core_type<tc>} {
    %get3A = arith.constant 0 : index
    %get3A_0 = arith.constant 0 : index
    %get3A_1 = vector.load %arg0[%get3A, %get3A_0] : memref<10000x128xf32, #tpu.memory_space<vmem>>, vector<10000x128xf32>
    %reduce_sum3A = arith.constant dense<0.000000e+00> : vector<128xf32>
    %reduce_sum3A_2 = vector.multi_reduction <add>, %get3A_1, %reduce_sum3A [0] : vector<10000x128xf32> to vector<128xf32>
    %broadcast_in_dim3A = vector.shape_cast %reduce_sum3A_2 : vector<128xf32> to vector<1x128xf32>
    %div3A = arith.constant 1.000000e+04 : f32
    %div3A_3 = vector.broadcast %div3A : f32 to vector<1x128xf32>
    %div3A_4 = arith.divf %broadcast_in_dim3A, %div3A_3 : vector<1x128xf32>
    %sub3A = vector.broadcast %div3A_4 : vector<1x128xf32> to vector<10000x128xf32>
    %sub3A_5 = arith.subf %get3A_1, %sub3A : vector<10000x128xf32>
    %sub3A_6 = vector.broadcast %div3A_4 : vector<1x128xf32> to vector<10000x128xf32>
    %sub3A_7 = arith.subf %get3A_1, %sub3A_6 : vector<10000x128xf32>
    %mul3A = arith.mulf %sub3A_5, %sub3A_7 : vector<10000x128xf32>
    %reduce_sum3A_8 = arith.constant dense<0.000000e+00> : vector<128xf32>
    %reduce_sum3A_9 = vector.multi_reduction <add>, %mul3A, %reduce_sum3A_8 [0] : vector<10000x128xf32> to vector<128xf32>
    %broadcast_in_dim3A_10 = vector.shape_cast %reduce_sum3A_9 : vector<128xf32> to vector<1x128xf32>
    %div3A_11 = arith.constant 1.000000e+04 : f32
    %div3A_12 = vector.broadcast %div3A_11 : f32 to vector<1x128xf32>
    %div3A_13 = arith.divf %broadcast_in_dim3A_10, %div3A_12 : vector<1x128xf32>
    %sub3A_14 = vector.broadcast %div3A_4 : vector<1x128xf32> to vector<10000x128xf32>
    %sub3A_15 = arith.subf %get3A_1, %sub3A_14 : vector<10000x128xf32>
    %add3A = arith.constant 9.99999974E-6 : f32
    %add3A_16 = vector.broadcast %add3A : f32 to vector<1x128xf32>
    %add3A_17 = arith.addf %div3A_13, %add3A_16 : vector<1x128xf32>
    %rsqrt3A = math.rsqrt %add3A_17 : vector<1x128xf32>
    %mul3A_18 = vector.broadcast %rsqrt3A : vector<1x128xf32> to vector<10000x128xf32>
    %mul3A_19 = arith.mulf %sub3A_15, %mul3A_18 : vector<10000x128xf32>
    %get3A_20 = arith.constant 0 : index
    %get3A_21 = arith.constant 0 : index
    %get3A_22 = vector.load %arg3[%get3A_20, %get3A_21] : memref<1x128xf32, #tpu.memory_space<vmem>>, vector<1x128xf32>
    %mul3A_23 = vector.broadcast %get3A_22 : vector<1x128xf32> to vector<10000x128xf32>
    %mul3A_24 = arith.mulf %mul3A_19, %mul3A_23 : vector<10000x128xf32>
    %get3A_25 = arith.constant 0 : index
    %get3A_26 = arith.constant 0 : index
    %get3A_27 = vector.load %arg4[%get3A_25, %get3A_26] : memref<1x128xf32, #tpu.memory_space<vmem>>, vector<1x128xf32>
    %add3A_28 = vector.broadcast %get3A_27 : vector<1x128xf32> to vector<10000x128xf32>
    %add3A_29 = arith.addf %mul3A_24, %add3A_28 : vector<10000x128xf32>
    %max3A = arith.constant 0.000000e+00 : f32
    %max3A_30 = vector.broadcast %max3A : f32 to vector<10000x128xf32>
    %max3A_31 = arith.maximumf %add3A_29, %max3A_30 : vector<10000x128xf32>
    %get3A_32 = arith.constant 0 : index
    %get3A_33 = arith.constant 0 : index
    %get3A_34 = vector.load %arg2[%get3A_32, %get3A_33] : memref<128x128xf32, #tpu.memory_space<vmem>>, vector<128x128xf32>
    %dot_general3A = arith.constant dense<0.000000e+00> : vector<10000x128xf32>
    %dot_general3A_35 = tpu.matmul %max3A_31, %get3A_34, %dot_general3A {dimension_numbers = #tpu.dot_dimension_numbers<[1], [0], [0], [1], [0, 0, 1, 1], [], []>, transpose_lhs_hint = false} : vector<10000x128xf32>, vector<128x128xf32>, vector<10000x128xf32> -> vector<10000x128xf32>
    %reduce_sum3A_36 = arith.constant dense<0.000000e+00> : vector<128xf32>
    %reduce_sum3A_37 = vector.multi_reduction <add>, %dot_general3A_35, %reduce_sum3A_36 [0] : vector<10000x128xf32> to vector<128xf32>
    %broadcast_in_dim3A_38 = vector.shape_cast %reduce_sum3A_37 : vector<128xf32> to vector<1x128xf32>
    %div3A_39 = arith.constant 1.000000e+04 : f32
    %div3A_40 = vector.broadcast %div3A_39 : f32 to vector<1x128xf32>
    %div3A_41 = arith.divf %broadcast_in_dim3A_38, %div3A_40 : vector<1x128xf32>
    %sub3A_42 = vector.broadcast %div3A_41 : vector<1x128xf32> to vector<10000x128xf32>
    %sub3A_43 = arith.subf %dot_general3A_35, %sub3A_42 : vector<10000x128xf32>
    %sub3A_44 = vector.broadcast %div3A_41 : vector<1x128xf32> to vector<10000x128xf32>
    %sub3A_45 = arith.subf %dot_general3A_35, %sub3A_44 : vector<10000x128xf32>
    %mul3A_46 = arith.mulf %sub3A_43, %sub3A_45 : vector<10000x128xf32>
    %reduce_sum3A_47 = arith.constant dense<0.000000e+00> : vector<128xf32>
    %reduce_sum3A_48 = vector.multi_reduction <add>, %mul3A_46, %reduce_sum3A_47 [0] : vector<10000x128xf32> to vector<128xf32>
    %broadcast_in_dim3A_49 = vector.shape_cast %reduce_sum3A_48 : vector<128xf32> to vector<1x128xf32>
    %div3A_50 = arith.constant 1.000000e+04 : f32
    %div3A_51 = vector.broadcast %div3A_50 : f32 to vector<1x128xf32>
    %div3A_52 = arith.divf %broadcast_in_dim3A_49, %div3A_51 : vector<1x128xf32>
    %sub3A_53 = vector.broadcast %div3A_41 : vector<1x128xf32> to vector<10000x128xf32>
    %sub3A_54 = arith.subf %dot_general3A_35, %sub3A_53 : vector<10000x128xf32>
    %add3A_55 = arith.constant 9.99999974E-6 : f32
    %add3A_56 = vector.broadcast %add3A_55 : f32 to vector<1x128xf32>
    %add3A_57 = arith.addf %div3A_52, %add3A_56 : vector<1x128xf32>
    %rsqrt3A_58 = math.rsqrt %add3A_57 : vector<1x128xf32>
    %mul3A_59 = vector.broadcast %rsqrt3A_58 : vector<1x128xf32> to vector<10000x128xf32>
    %mul3A_60 = arith.mulf %sub3A_54, %mul3A_59 : vector<10000x128xf32>
    %get3A_61 = arith.constant 0 : index
    %get3A_62 = arith.constant 0 : index
    %get3A_63 = vector.load %arg5[%get3A_61, %get3A_62] : memref<1x128xf32, #tpu.memory_space<vmem>>, vector<1x128xf32>
    %mul3A_64 = vector.broadcast %get3A_63 : vector<1x128xf32> to vector<10000x128xf32>
    %mul3A_65 = arith.mulf %mul3A_60, %mul3A_64 : vector<10000x128xf32>
    %get3A_66 = arith.constant 0 : index
    %get3A_67 = arith.constant 0 : index
    %get3A_68 = vector.load %arg6[%get3A_66, %get3A_67] : memref<1x128xf32, #tpu.memory_space<vmem>>, vector<1x128xf32>
    %add3A_69 = vector.broadcast %get3A_68 : vector<1x128xf32> to vector<10000x128xf32>
    %add3A_70 = arith.addf %mul3A_65, %add3A_69 : vector<10000x128xf32>
    %get3A_71 = arith.constant 0 : index
    %get3A_72 = arith.constant 0 : index
    %get3A_73 = vector.load %arg1[%get3A_71, %get3A_72] : memref<10000x128xf32, #tpu.memory_space<vmem>>, vector<10000x128xf32>
    %add3A_74 = arith.addf %get3A_73, %add3A_70 : vector<10000x128xf32>
    %max3A_75 = arith.constant 0.000000e+00 : f32
    %max3A_76 = vector.broadcast %max3A_75 : f32 to vector<10000x128xf32>
    %max3A_77 = arith.maximumf %add3A_74, %max3A_76 : vector<10000x128xf32>
    %swap3A = arith.constant 0 : index
    %swap3A_78 = arith.constant 0 : index
    %swap3A_79 = vector.load %arg7[%swap3A, %swap3A_78] : memref<10000x128xf32, #tpu.memory_space<vmem>>, vector<10000x128xf32>
    tpu.vector_store %arg7[%swap3A, %swap3A_78], %max3A_77 {strides = array<i32>} : memref<10000x128xf32, #tpu.memory_space<vmem>>, vector<10000x128xf32>,
    return
  }
}

</mosaic_0001>

<sc_bundles>
// kernel: kernel.6.cloned.1.call-start
scs
__scs_entry_jumppad:
0x0: {  	(pc) =	sbr.rel $0x88, $3  }
0x1: {  	(tag) =	ssettag $0x0;
	lr =	simm.s32 $0x1  }
0x2: {  	[smem:$0x3F94] =	sst lr;
	_ =	strace $0xD0000000  }
0x3: {  	_ = 	snop  }
0x4: {  	_ = 	snop  }
0x5: {  	_ = 	snop  }
0x6: {  	_ = 	snop  }
0x7: {  	_ = 	snop  }
__scs_overlays_trampoline_lowered:
0x8: {  	[smem:$0x3FA3] =	sst s0  }
0x9: {  	[smem:$0x3FA4] =	sst s1  }
0xa: {  	[smem:$0x3FA5] =	sst s2  }
0xb: {  	[smem:$0x3FA6] =	sst s3  }
0xc: {  	[smem:$0x3FA7] =	sst s4  }
0xd: {  	[smem:$0x3FA8] =	sst s5  }
0xe: {  	[smem:$0x3FA9] =	sst s6  }
0xf: {  	[smem:$0x3FAA] =	sst s7  }
0x10: {  	[smem:$0x3FAB] =	sst s8  }
0x11: {  	[smem:$0x3FAC] =	sst s9;
	s0 =	simm.s32 @!p0 $0x0  }
0x12: {  	s1 =	sld [smem:$0x3F92];
	s0 =	simm.s32 @p0 $0x1  }
0x13: {  	[smem:$0x3FAD] =	sst s0;
	s0 =	simm.s32 @!p1 $0x0  }
0x14: {  	s2 =	sld [smem:$0x3F91];
	s0 =	simm.s32 @p1 $0x1  }
0x15: {  	[smem:$0x3FAE] =	sst s0;
	s0 =	simm.s32 @!p2 $0x0  }
0x16: {  	s3 =	sld [smem:$0x3FDB];
	s0 =	simm.s32 @p2 $0x1  }
0x17: {  	s4 =	simm.s32 $0x1BF5;
	[smem:$0x3FB0] =	sst s0  }
0x18: {  	s0 =	sld [smem:$0x3F93];
	_ =	swait.ge [sflag:s4], $0x0  }
0x19: {  	s7 =	sld [smem:$0x3F94]  }
0x1a: {  	s8 =	sadd.s32 $0xFFFFE003, lr  }
0x1b: {  	s9 =	sadd.s32 $0xFFFFFEF7, lr;
	s5 =	simm.s32 $0xFFFFFFFF;
	p2 =	slt.u32 s8, $0xFFFFF086  }
0x1c: {  	p1 =	slt.u32 s9, $0xF7A;
	s5 =	simm.s32 @!p2 $0x0  }
0x1d: {  	s5 =	simm.s32 @p1 $0x1;
	p0 =	seq.s32 s7, s2  }
0x1e: {  	s7 =	smul.u32 @!p0 $0xF7A, s2;
	p2 =	seq.s32 @!p0 s5, $0x0  }
0x1f: {  	s9 =	smul.u32 $0xF7A, s1;
	s8 =	simm.s32 @!p0 $0x1BF5;
	p2 =	por !p2, p0  }
0x20: {  	[sflag:s8] =	ssyncset.s32 @!p0 $0xFFFFF086;
	s6 =	sadd.s32 @!p0 s3, s7;
	s7 =	simm.s32 @!p0 $0x108  }
0x21: {  	s3 =	sadd.s32 s3, s9;
	s6 =	sadd.s32 @!p0 $0x88, s6;
	s7 =	simm.s32 @p2 $0x1082  }
0x22: {  	[simem:s7], [sflag:s8] =	dma.local @!p0 [hbm:s6], $0xF7A  }
0x23: {  	s9 =	sor.u32 $0xD0000000, s2;
	s6 =	simm.s32 $0x108;
	_ =	swait.ge @!p0 [sflag:s8], $0x0  }
0x24: {  	s3 =	sadd.s32 $0x88, s3;
	s6 =	simm.s32 @!p1 $0x1082;
	[sflag:s4] =	ssyncset.s32 $0xFFFFF086  }
0x25: {  	[simem:s6], [sflag:s4] =	dma.local [hbm:s3], $0xF7A  }
0x26: {  	[smem:$0x3F94] =	sst s1;
	(tag) =	ssettag s2;
	_ =	strace s9  }
0x27: {  	s1 =	sld [smem:$0x3FA4]  }
0x28: {  	s2 =	sld [smem:$0x3FA5]  }
0x29: {  	s4 =	sld [smem:$0x3FA7]  }
0x2a: {  	p0 =	seq.s32 s5, $0x0;
	s5 =	sld [smem:$0x3FA8]  }
0x2b: {  	s6 =	sld [smem:$0x3FA9]  }
0x2c: {  	s7 =	sld [smem:$0x3FAA]  }
0x2d: {  	s3 =	simm.s32 $0x108;
	s8 =	sld [smem:$0x3FAB]  }
0x2e: {  	s3 =	simm.s32 @!p0 $0x1082;
	s9 =	sld [smem:$0x3FAC]  }
0x2f: {  	lr =	sadd.s32 s0, s3;
	s0 =	sld [smem:$0x3FA3]  }
0x30: {  	s3 =	sld [smem:$0x3FA6]  }
0x31: {  	[smem:$0x3FAF] =	sst s10  }
0x32: {  	s10 =	sld [smem:$0x3FAD];
	_ =	sdelay $0x3  }
0x33: {  	p0 =	seq.s32 s10, $0x1;
	s10 =	sld [smem:$0x3FAF];
	_ =	sdelay $0x3  }
0x34: {  	[smem:$0x3FAF] =	sst s10  }
0x35: {  	s10 =	sld [smem:$0x3FAE];
	_ =	sdelay $0x3  }
0x36: {  	p1 =	seq.s32 s10, $0x1;
	s10 =	sld [smem:$0x3FAF];
	_ =	sdelay $0x3  }
0x37: {  	[smem:$0x3FAF] =	sst s10  }
0x38: {  	s10 =	sld [smem:$0x3FB0]  }
0x39: {  	_ = 	snop;
	(pc) =	sbr.ind lr, $3  }
0x3a: {  	_ = 	snop  }
0x3b: {  	_ = 	snop  }
0x3c: {  	p2 =	seq.s32 s10, $0x1;
	s10 =	sld [smem:$0x3FAF]  }
0x3d: {  	_ =	shalt  }
0x3e: {  	_ =	shalt  }
0x3f: {  	_ =	shalt  }
0x40: {  	_ =	shalt  }
0x41: {  	_ =	shalt  }
0x42: {  	_ =	shalt  }
0x43: {  	_ =	shalt  }
0x44: {  	_ =	shalt  }
0x45: {  	_ =	shalt  }
0x46: {  	_ =	shalt  }
0x47: {  	_ =	shalt  }
0x48: {  	_ =	shalt  }
0x49: {  	_ =	shalt  }
0x4a: {  	_ =	shalt  }
0x4b: {  	_ =	shalt  }
0x4c: {  	_ =	shalt  }
0x4d: {  	_ =	shalt  }
0x4e: {  	_ =	shalt  }
0x4f: {  	_ =	shalt  }
0x50: {  	_ =	shalt  }
0x51: {  	_ =	shalt  }
0x52: {  	_ =	shalt  }
0x53: {  	_ =	shalt  }
0x54: {  	_ =	shalt  }
0x55: {  	_ =	shalt  }
0x56: {  	_ =	shalt  }
0x57: {  	_ =	shalt  }
0x58: {  	_ =	shalt  }
0x59: {  	_ =	shalt  }
0x5a: {  	_ =	shalt  }
0x5b: {  	_ =	shalt  }
0x5c: {  	_ =	shalt  }
0x5d: {  	_ =	shalt  }
0x5e: {  	_ =	shalt  }
0x5f: {  	_ =	shalt  }
0x60: {  	_ =	shalt  }
0x61: {  	_ =	shalt  }
0x62: {  	_ =	shalt  }
0x63: {  	_ =	shalt  }
0x64: {  	_ =	shalt  }
0x65: {  	_ =	shalt  }
0x66: {  	_ =	shalt  }
0x67: {  	_ =	shalt  }
0x68: {  	_ =	shalt  }
0x69: {  	_ =	shalt  }
0x6a: {  	_ =	shalt  }
0x6b: {  	_ =	shalt  }
0x6c: {  	_ =	shalt  }
0x6d: {  	_ =	shalt  }
0x6e: {  	_ =	shalt  }
0x6f: {  	_ =	shalt  }
0x70: {  	_ =	shalt  }
0x71: {  	_ =	shalt  }
0x72: {  	_ =	shalt  }
0x73: {  	_ =	shalt  }
0x74: {  	_ =	shalt  }
0x75: {  	_ =	shalt  }
0x76: {  	_ =	shalt  }
0x77: {  	_ =	shalt  }
0x78: {  	_ =	shalt  }
0x79: {  	_ =	shalt  }
0x7a: {  	_ =	shalt  }
0x7b: {  	_ =	shalt  }
0x7c: {  	_ =	shalt  }
0x7d: {  	_ =	shalt  }
0x7e: {  	_ =	shalt  }
0x7f: {  	_ =	shalt  }
0x80: {  	_ =	shalt  }
0x81: {  	_ =	shalt  }
0x82: {  	_ =	shalt  }
0x83: {  	_ =	shalt  }
0x84: {  	_ =	shalt  }
0x85: {  	_ =	shalt  }
0x86: {  	_ =	shalt  }
0x87: {  	_ =	shalt  }
.Lfunc_end0:
.L_simem_size_0:
called_computation_lowered:
.L_overlay_start_0:
0x88: {  	s2 =	sld [smem:$0x3FD9]  }
0x89: {  	s3 =	sld [smem:$0x3FFE];
	_ =	sdelay $0x1  }
0x8a: {  	s1 =	srdreg.scid  }
0x8b: {  	s0 =	sand.u32 $0x1, s1  }
0x8c: {  	s17 =	sshll.u32 s0, $0xA;
	s2 =	sadd.s32 s3, s2  }
0x8d: {  	s2 =	sadd.s32 s2, s17  }
0x8e: {  	[smem:$0x3FBB] =	sst s2  }
0x8f: {  	_ = 	snop  }
0x90: {  	s2 =	sld [smem:$0x3FD0];
	(tm) =	ssettm $0x1  }
0x91: {  	s18 =	sld [smem:$0x3FFB];
	_ =	sdelay $0x3  }
0x92: {  	_ =	strace s18  }
0x93: {  	s3 =	sld [smem:$0x3FFC];
	_ =	sdelay $0x3  }
0x94: {  	_ =	strace s3  }
0x95: {  	s3 =	sld [smem:$0x3FFD];
	_ =	sdelay $0x3  }
0x96: {  	_ =	strace s3  }
0x97: {  	_ =	strace $0x8FFFFFFF  }
0x98: {  	s19 =	sld [smem:$0x3FDB];
	_ =	sdelay $0x1  }
0x99: {  	s4 =	simm.s32 $_scs_section_size  }
0x9a: {  	s5 =	simm.s32 $_size__tile_overlayer_lowered;
	s6 =	simm.s32 $_tile_overlayer_lowered  }
0x9b: {  	s22 =	simm.s32 $0x1BFF;
	s21 =	sshll.u32 s6, $0x1;
	s3 =	sadd.s32 s4, s19  }
0x9c: {  	s7 =	simm.s32 $0x0;
	s20 =	sshll.u32 s5, $0x1;
	s5 =	sadd.s32 s21, s3  }
0x9d: {  	[timem:s7], [sflag:s22] =	dma.local [hbm:s5], s20  }
0x9e: {  	_ =	swait.ge [sflag:s22], s20  }
0x9f: {  	s4 =	ssub.s32 $0x0, s20;
	[sflag:s22] =	ssyncset.done $0x0  }
0xa0: {  	[sflag:s22] =	ssyncadd.s32 s4;
	_ =	sdelay $0x1  }
0xa1: {  	s23 =	simm.s32 $0x1B8B  }
0xa2: {  	_ =	swait.ge [sflag:s23], $0x1  }
0xa3: {  	[sflag:s23] =	ssyncset.done $0x0  }
0xa4: {  	s25 =	simm.s32 $0x1B8E;
	s24 =	sld [smem:$0x3FFE];
	[sflag:s23] =	ssyncadd.s32 $0xFFFFFFFF  }
0xa5: {  	s26 =	simm.s32 $execute0_lowered;
	[smem:$0x3FD2] =	sst s25  }
0xa6: {  	s5 =	sshll.u32 s26, $0x1;
	_ =	strace $0x80000046;
	[dreg:$0x1] =	wrdreg $0xFFFFFFFF  }
0xa7: {  	s28 =	simm.s32 $_size_execute0_lowered;
	s3 =	sadd.s32 s3, s5;
	[dreg:$0x0] =	wrdreg $0x0  }
0xa8: {  	s5 =	sshll.u32 s28, $0x1;
	[dreg:$0x2] =	wrdreg s3  }
0xa9: {  	[dreg:$0x3] =	wrdreg s5  }
0xaa: {  	[dreg:$0x4] =	wrdreg $0xC0  }
0xab: {  	_ =	task [dreg:s7], $0x5FFFF  }
0xac: {  	[dreg:$0x1] =	wrdreg $0xFFFFFFFF  }
0xad: {  	[dreg:$0x0] =	wrdreg $0x60  }
0xae: {  	[dreg:$0x2] =	wrdreg s2  }
0xaf: {  	[dreg:$0x3] =	wrdreg s24  }
0xb0: {  	[dreg:$0x4] =	wrdreg $0x9  }
0xb1: {  	_ =	task.clear_ibuf [dreg:s7], $0x5FFFF;
	_ =	strace $0x90000046  }
0xb2: {  	s29 =	simm.s32 $0x9;
	_ =	strace $0x80000048  }
0xb3: {  	_ =	swait.ge [sflag:s29], $0x1  }
0xb4: {  	[sflag:s29] =	ssyncadd.s32 $0xFFFFFFFF  }
0xb5: {  	_ =	strace $0x90000048  }
0xb6: {  	_ =	sfence  }
0xb7: {  	s30 =	sld [smem:$0x0];
	_ =	sdelay $0x2  }
0xb8: {  	s31 =	sshll.u32 s1, $0xD;
	s1 =	sshrl.u32 s1, $0x2  }
0xb9: {  	s3 =	sand.u32 $0x4000, s31;
	s1 =	sadd.s32 s1, s30  }
0xba: {  	s0 =	sor.u32 s3, s0;
	s1 =	sshll.u32 s1, $0x11  }
0xbb: {  	s0 =	sor.u32 s1, s0  }
0xbc: {  	s0 =	sadd.s32 $0x8F2B, s0  }
0xbd: {  	[sflag:s0] =	ssyncadd.remote.s32 $0x1  }
0xbe: {  	_ =	sfence.sel $0xFFFF  }
0xbf: {  	[dreg:$0x0] =	wrdreg $0xFFFFFFFF;
	(pc) =	sbr.abs _section_cstart, $3  }
0xc0: {  	[dreg:$0x1] =	wrdreg $0xFFFFFFFF  }
0xc1: {  	_ =	task.clear_ibuf [dreg:s7], $0x2FFFF;
	_ =	strace $0x9FFFFFFF  }
0xc2: {  	(tm) =	ssettm $0x7FFFFFFF  }
0xc3: {  	_ =	shalt  }
tec
execute0_lowered:
.L_overlay_start_1:
0x0: {  	(tag) =	ssettag $0x1  }
0x1: {  	s1 =	rddreg [dreg:$0x0]  }
0x2: {  	s0 =	rddreg [dreg:$0x1]  }
0x3: {  	s3 =	simm.s32 $0x0;
	s2 =	srdreg.scid;
	s8 =	stileid.u32  }
0x4: {  	s14 =	simm.s32 $0xB;
	s15 =	simm.s32 $0x10800;
	s16 =	simm.s32 $0x12F80  }
0x5: {  	s17 =	simm.s32 $0x15700;
	s28 =	simm.s32 $0xE000;
	s29 =	simm.s32 $0x1  }
0x6: {  	s30 =	simm.s32 $0x2;
	s31 =	simm.s32 $0x3;
	[smem:$0x7FF] =	sst s3  }
0x7: {  	s2 =	sand.u32 $0x1, s2;
	s4 =	sshll.u32 s8, $0x1;
	s5 =	smul.u32 $0x4E200, s8  }
0x8: {  	s6 =	sadd.s32 $0x1A00, s0;
	s7 =	sadd.s32 $0x1400, s0;
	s19 =	sadd.s32 $0xE00, s0  }
0x9: {  	s8 =	smul.u32 $0x4E20, s8;
	_ =	strace $0x80000047;
	[dreg:$0x3] =	wrdreg s6  }
0xa: {  	s4 =	sor.u32 s2, s4;
	[dreg:$0x4] =	wrdreg s7;
	s22 =	smul.u32 $0x27100, s2  }
0xb: {  	[dreg:$0x5] =	wrdreg s19;
	s20 =	ssub.s32 $0x2, s2;
	s2 =	smul.u32 $0x2710, s2  }
0xc: {  	s19 =	simm.s32 $0x4000;
	s18 =	sshll.u32 s4, $0xB;
	s4 =	smul.u32 $0x2710, s4  }
0xd: {  	s5 =	sadd.s32 s5, s0;
	s21 =	sshrl.u32 s20, $0x1;
	s6 =	sadd.s32 s18, s0  }
0xe: {  	s26 =	sadd.s32 s22, s5;
	s12 =	sadd.s32 s2, s8;
	s18 =	simm.s32 $0x50  }
0xf: {  	s2 =	simm.s32 $0x5;
	s22 =	simm.s32 $0x7;
	s4 =	sshrl.u32 s4, $0x3  }
0x10: {  	s6 =	sadd.s32 $0x2000, s6;
	s0 =	sadd.s32 s4, s0;
	s4 =	ssub.s32 s20, s21  }
0x11: {  	[dreg:$0x6] =	wrdreg s6;
	s21 =	simm.s32 $0x6800;
	s23 =	sadd.s32 $0x12000, s0  }
0x12: {  	s20 =	simm.s32 $0x6;
	s24 =	sadd.s32 $0x1BC40, s0;
	[dreg:$0x7] =	wrdreg s23  }
.Ltmp0:
0x13: {  	s0 =	sadd.s32 $0x25880, s0;
	[dreg:$0x8] =	wrdreg s24;
	(pc) =	sbr.rel .LBB2_1-.Ltmp0, $4  }
0x14: {  	s6 =	simm.s32 $0x0;
	s25 =	smax.u32 s4, $0x1;
	[dreg:$0x9] =	wrdreg s0  }
0x15: {  	s4 =	simm.s32 $0xA;
	[dreg:$0xa] =	wrdreg s25;
	s0 =	sadd.s32 $0x2F600, s26  }
0x16: {  	s23 =	simm.s32 $0x9000;
	s25 =	simm.s32 $0xB800;
	s24 =	simm.s32 $0x8  }
0x17: {  	s26 =	simm.s32 $0x9;
	[dreg:$0xb] =	wrdreg s0;
	s0 =	simm.s32 $0x4  }
.LBB2_3:
0x18: {  	_ =	swait.ge [sflag:s22], $0x2800  }
0x19: {  	[sflag:s22] =	ssyncset.done $0x0  }
0x1a: {  	[sflag:s22] =	ssyncadd.s32 $0xFFFFD800  }
0x1b: {  	_ =	swait.ge [sflag:s24], $0x2800  }
0x1c: {  	[sflag:s24] =	ssyncset.done $0x0  }
0x1d: {  	[sflag:s24] =	ssyncadd.s32 $0xFFFFD800  }
0x1e: {  	_ =	swait.ge [sflag:s26], $0x2800  }
0x1f: {  	[sflag:s26] =	ssyncset.done $0x0  }
0x20: {  	[sflag:s26] =	ssyncadd.s32 $0xFFFFD800  }
0x21: {  	_ =	swait.ge [sflag:s4], $0x2800  }
0x22: {  	[sflag:s4] =	ssyncset.done $0x0  }
0x23: {  	[sflag:s4] =	ssyncadd.s32 $0xFFFFD800  }
.LBB2_5:
0x24: {  	s5 =	rddreg [dreg:$0x7];
	s6 =	simm.s32 $0x17E80  }
0x25: {  	[hbm4b:s5+s3] =	stream.linear.scatter [tilespmem:s6], [sflag:$0xB], $0x2710, $0x38;
	[tilespmem:$0x1F500] =	vst v63  }
0x26: {  	_ =	swait.ge [sflag:s14], $0x2710  }
0x27: {  	[sflag:s14] =	ssyncset.done $0x0  }
0x28: {  	s8 =	simm.s32 $0x1A600;
	s7 =	rddreg [dreg:$0x8];
	[sflag:s14] =	ssyncadd.s32 $0xFFFFD8F0  }
0x29: {  	[hbm4b:s7+s3] =	stream.linear.scatter [tilespmem:s8], [sflag:$0xB], $0x2710, $0x38;
	[tilespmem:$0x1F500] =	vst v63  }
0x2a: {  	_ =	swait.ge [sflag:s14], $0x2710  }
0x2b: {  	[sflag:s14] =	ssyncset.done $0x0  }
0x2c: {  	s10 =	simm.s32 $0x1CD80;
	s9 =	rddreg [dreg:$0x9];
	[sflag:s14] =	ssyncadd.s32 $0xFFFFD8F0  }
0x2d: {  	[hbm4b:s9+s3] =	stream.linear.scatter [tilespmem:s10], [sflag:$0xB], $0x2710, $0x38;
	[tilespmem:$0x1F500] =	vst v63  }
0x2e: {  	_ =	swait.ge [sflag:s14], $0x2710  }
0x2f: {  	s11 =	rddreg [dreg:$0xc]  }
0x30: {  	s13 =	rddreg [dreg:$0xa];
	s6 =	sadd.s32 $0x1, s11  }
0x31: {  	p0 =	sne.s32 s6, s13  }
.Ltmp1:
0x32: {  	_ = 	snop;
	(pc) =	sbr.rel @!p0 .LBB2_6-.Ltmp1, $3  }
0x33: {  	_ =	sdelay $0x1  }
0x34: {  	[sflag:s14] =	ssyncset.done $0x0  }
0x35: {  	[sflag:s14] =	ssyncadd.s32 $0xFFFFD8F0  }
.LBB2_1:
0x36: {  	[dreg:$0xc] =	wrdreg s6  }
0x37: {  	s5 =	rddreg [dreg:$0x6]  }
0x38: {  	[tilespmem:s3], [sflag:$0xB] =	stream.linear.gather [hbm4b:s5+s3], $0x3E80, $0x38;
	[tilespmem:$0x1F500] =	vst v63  }
0x39: {  	_ =	swait.ge [sflag:s14], $0x3E80  }
0x3a: {  	[sflag:s14] =	ssyncset.done $0x0  }
0x3b: {  	s6 =	rddreg [dreg:$0x3];
	[sflag:s14] =	ssyncadd.s32 $0xFFFFC180  }
0x3c: {  	[tilespmem:s15], [sflag:$0xB] =	stream.linear.gather [hbm4b:s6+s3], $0x2780, $0x38;
	[tilespmem:$0x1F500] =	vst v63  }
0x3d: {  	_ =	swait.ge [sflag:s14], $0x2780  }
0x3e: {  	[sflag:s14] =	ssyncset.done $0x0  }
0x3f: {  	s7 =	rddreg [dreg:$0x4];
	[sflag:s14] =	ssyncadd.s32 $0xFFFFD880  }
0x40: {  	[tilespmem:s16], [sflag:$0xB] =	stream.linear.gather [hbm4b:s7+s3], $0x2780, $0x38;
	[tilespmem:$0x1F500] =	vst v63  }
0x41: {  	_ =	swait.ge [sflag:s14], $0x2780  }
0x42: {  	[sflag:s14] =	ssyncset.done $0x0  }
0x43: {  	s8 =	rddreg [dreg:$0x5];
	[sflag:s14] =	ssyncadd.s32 $0xFFFFD880  }
0x44: {  	[tilespmem:s17], [sflag:$0xB] =	stream.linear.gather [hbm4b:s8+s3], $0x2780, $0x38;
	[tilespmem:$0x1F500] =	vst v63  }
0x45: {  	_ =	swait.ge [sflag:s14], $0x2780  }
0x46: {  	[sflag:s14] =	ssyncset.done $0x0  }
0x47: {  	[sflag:s14] =	ssyncadd.s32 $0xFFFFD880  }
0x48: {  	[tilespmem:s19], [sflag:$0x1] =	stream.indirect.gather [hbm4b:s1+s18], $0x80, s3, s18, $0xb8;
	[tilespmem:$0x1F500] =	vst v63  }
0x49: {  	s9 =	simm.s32 $0x80  }
0x4a: {  	[tilespmem:s21], [sflag:$0x2] =	stream.indirect.gather [hbm4b:s1+s18], $0x80, s9, s18, $0xb8;
	[tilespmem:$0x1F500] =	vst v63  }
0x4b: {  	s10 =	simm.s32 $0x100  }
0x4c: {  	[tilespmem:s23], [sflag:$0x3] =	stream.indirect.gather [hbm4b:s1+s18], $0x80, s10, s18, $0xb8;
	[tilespmem:$0x1F500] =	vst v63  }
0x4d: {  	s11 =	simm.s32 $0x180;
	s13 =	simm.s32 $0x200  }
0x4e: {  	[tilespmem:s25], [sflag:$0x4] =	stream.indirect.gather [hbm4b:s1+s18], $0x80, s11, s18, $0xb8;
	[tilespmem:$0x1F500] =	vst v63  }
0x4f: {  	s6 =	simm.s32 $0x480;
	s7 =	simm.s32 $0x17F40;
	s8 =	simm.s32 $0x1A6C0  }
0x50: {  	[tilespmem:s28], [sflag:$0x5] =	stream.indirect.gather [hbm4b:s1+s18], $0x80, s13, s18, $0xb8;
	[tilespmem:$0x1F500] =	vst v63  }
0x51: {  	s9 =	simm.s32 $0x1CE40;
	s11 =	simm.s32 $0x0;
	s13 =	rddreg [dreg:$0xb]  }
.LBB2_2:
0x52: {  	v0 =	vld [tilespmem:s6+$0xFFFFFB80];
	s10 =	sadd.s32 s11, s12  }
0x53: {  	v1 =	vmov s10  }
0x54: {  	v1 =	vshrl.u32 v1, $0x5  }
0x55: {  	v1 =	vbroadcast v1, $0x0;
	_ =	sdelay $0x4  }
0x56: {  	v2 =	vld.idx.msk [tilespmem:v0+s15+$0x0], $0xffff  }
0x57: {  	v3 =	vld.idx.msk [tilespmem:v1+s15+$0x0], $0xffff;
	_ =	sdelay $0x4  }
0x58: {  	v2 =	vsub.f32 v2, v3;
	_ =	sdelay $0x1  }
0x59: {  	[tilespmem:s7+$0xFFFFFF40] =	vst v2  }
0x5a: {  	v2 =	vld.idx.msk [tilespmem:v0+s16+$0x0], $0xffff  }
0x5b: {  	v41 =	vld.idx.msk [tilespmem:v1+s16+$0x0], $0xffff;
	_ =	sdelay $0x4  }
0x5c: {  	v2 =	vsub.f32 v2, v41;
	_ =	sdelay $0x1  }
0x5d: {  	[tilespmem:s8+$0xFFFFFF40] =	vst v2  }
0x5e: {  	v0 =	vld.idx.msk [tilespmem:v0+s17+$0x0], $0xffff  }
0x5f: {  	v1 =	vld.idx.msk [tilespmem:v1+s17+$0x0], $0xffff;
	_ =	sdelay $0x4  }
0x60: {  	v0 =	vsub.f32 v0, v1  }
0x61: {  	s5 =	sadd.s32 $0x10, s10  }
0x62: {  	v42 =	vmov s5;
	[tilespmem:s9+$0xFFFFFF40] =	vst v0  }
0x63: {  	v1 =	vshrl.u32 v42, $0x5;
	v0 =	vld [tilespmem:s6+$0xFFFFFB90]  }
0x64: {  	v1 =	vbroadcast v1, $0x0;
	_ =	sdelay $0x5  }
0x65: {  	v43 =	vld.idx.msk [tilespmem:v1+s15+$0x0], $0xffff  }
0x66: {  	v2 =	vld.idx.msk [tilespmem:v0+s15+$0x0], $0xffff;
	_ =	sdelay $0x4  }
0x67: {  	v2 =	vsub.f32 v2, v43;
	_ =	sdelay $0x1  }
0x68: {  	[tilespmem:s7+$0xFFFFFF50] =	vst v2  }
0x69: {  	v2 =	vld.idx.msk [tilespmem:v0+s16+$0x0], $0xffff  }
0x6a: {  	v44 =	vld.idx.msk [tilespmem:v1+s16+$0x0], $0xffff;
	_ =	sdelay $0x4  }
0x6b: {  	v2 =	vsub.f32 v2, v44;
	_ =	sdelay $0x1  }
0x6c: {  	[tilespmem:s8+$0xFFFFFF50] =	vst v2  }
0x6d: {  	v0 =	vld.idx.msk [tilespmem:v0+s17+$0x0], $0xffff  }
0x6e: {  	v1 =	vld.idx.msk [tilespmem:v1+s17+$0x0], $0xffff;
	_ =	sdelay $0x4  }
0x6f: {  	v0 =	vsub.f32 v0, v1  }
0x70: {  	s5 =	sadd.s32 $0x20, s10  }
0x71: {  	v45 =	vmov s5;
	[tilespmem:s9+$0xFFFFFF50] =	vst v0  }
0x72: {  	v1 =	vshrl.u32 v45, $0x5;
	v0 =	vld [tilespmem:s6+$0xFFFFFBA0]  }
0x73: {  	v1 =	vbroadcast v1, $0x0;
	_ =	sdelay $0x5  }
0x74: {  	v46 =	vld.idx.msk [tilespmem:v1+s15+$0x0], $0xffff  }
0x75: {  	v2 =	vld.idx.msk [tilespmem:v0+s15+$0x0], $0xffff;
	_ =	sdelay $0x4  }
0x76: {  	v2 =	vsub.f32 v2, v46;
	_ =	sdelay $0x1  }
0x77: {  	[tilespmem:s7+$0xFFFFFF60] =	vst v2  }
0x78: {  	v2 =	vld.idx.msk [tilespmem:v0+s16+$0x0], $0xffff  }
0x79: {  	v47 =	vld.idx.msk [tilespmem:v1+s16+$0x0], $0xffff;
	_ =	sdelay $0x4  }
0x7a: {  	v2 =	vsub.f32 v2, v47;
	_ =	sdelay $0x1  }
0x7b: {  	[tilespmem:s8+$0xFFFFFF60] =	vst v2  }
0x7c: {  	v0 =	vld.idx.msk [tilespmem:v0+s17+$0x0], $0xffff  }
0x7d: {  	v1 =	vld.idx.msk [tilespmem:v1+s17+$0x0], $0xffff;
	_ =	sdelay $0x4  }
0x7e: {  	v0 =	vsub.f32 v0, v1  }
0x7f: {  	s5 =	sadd.s32 $0x30, s10  }
0x80: {  	v48 =	vmov s5;
	[tilespmem:s9+$0xFFFFFF60] =	vst v0  }
0x81: {  	v1 =	vshrl.u32 v48, $0x5;
	v0 =	vld [tilespmem:s6+$0xFFFFFBB0]  }
0x82: {  	v1 =	vbroadcast v1, $0x0;
	_ =	sdelay $0x5  }
0x83: {  	v49 =	vld.idx.msk [tilespmem:v1+s15+$0x0], $0xffff  }
0x84: {  	v2 =	vld.idx.msk [tilespmem:v0+s15+$0x0], $0xffff;
	_ =	sdelay $0x4  }
0x85: {  	v2 =	vsub.f32 v2, v49;
	_ =	sdelay $0x1  }
0x86: {  	[tilespmem:s7+$0xFFFFFF70] =	vst v2  }
0x87: {  	v2 =	vld.idx.msk [tilespmem:v0+s16+$0x0], $0xffff  }
0x88: {  	v50 =	vld.idx.msk [tilespmem:v1+s16+$0x0], $0xffff;
	_ =	sdelay $0x4  }
0x89: {  	v2 =	vsub.f32 v2, v50;
	_ =	sdelay $0x1  }
0x8a: {  	[tilespmem:s8+$0xFFFFFF70] =	vst v2  }
0x8b: {  	v0 =	vld.idx.msk [tilespmem:v0+s17+$0x0], $0xffff  }
0x8c: {  	v1 =	vld.idx.msk [tilespmem:v1+s17+$0x0], $0xffff;
	_ =	sdelay $0x4  }
0x8d: {  	v0 =	vsub.f32 v0, v1  }
0x8e: {  	s5 =	sadd.s32 $0x40, s10  }
0x8f: {  	v51 =	vmov s5;
	[tilespmem:s9+$0xFFFFFF70] =	vst v0  }
0x90: {  	v1 =	vshrl.u32 v51, $0x5;
	v0 =	vld [tilespmem:s6+$0xFFFFFBC0]  }
0x91: {  	v1 =	vbroadcast v1, $0x0;
	_ =	sdelay $0x5  }
0x92: {  	v52 =	vld.idx.msk [tilespmem:v1+s15+$0x0], $0xffff  }
0x93: {  	v2 =	vld.idx.msk [tilespmem:v0+s15+$0x0], $0xffff;
	_ =	sdelay $0x4  }
0x94: {  	v2 =	vsub.f32 v2, v52;
	_ =	sdelay $0x1  }
0x95: {  	[tilespmem:s7+$0xFFFFFF80] =	vst v2  }
0x96: {  	v2 =	vld.idx.msk [tilespmem:v0+s16+$0x0], $0xffff  }
0x97: {  	v53 =	vld.idx.msk [tilespmem:v1+s16+$0x0], $0xffff;
	_ =	sdelay $0x4  }
0x98: {  	v2 =	vsub.f32 v2, v53;
	_ =	sdelay $0x1  }
0x99: {  	[tilespmem:s8+$0xFFFFFF80] =	vst v2  }
0x9a: {  	v0 =	vld.idx.msk [tilespmem:v0+s17+$0x0], $0xffff  }
0x9b: {  	v1 =	vld.idx.msk [tilespmem:v1+s17+$0x0], $0xffff;
	_ =	sdelay $0x4  }
0x9c: {  	v0 =	vsub.f32 v0, v1;
	_ =	sdelay $0x1  }
0x9d: {  	[tilespmem:s9+$0xFFFFFF80] =	vst v0  }
0x9e: {  	_ =	swait.ge [sflag:s29], $0x2800  }
0x9f: {  	[sflag:s29] =	ssyncset.done $0x0  }
0xa0: {  	s5 =	sadd.s32 $0x50, s10;
	[sflag:s29] =	ssyncadd.s32 $0xFFFFD800  }
0xa1: {  	v55 =	vmov s5;
	[hbm4b:s13+s3] =	stream.linear.scatter [tilespmem:s19], [sflag:$0x6], $0x2800, $0x38;
	[tilespmem:$0x1F500] =	vst v63  }
0xa2: {  	v1 =	vshrl.u32 v55, $0x5;
	v54 =	vld [tilespmem:s6+$0xFFFFFC00]  }
0xa3: {  	v1 =	vbroadcast v1, $0x0;
	_ =	sdelay $0x5  }
0xa4: {  	v57 =	vld.idx.msk [tilespmem:v1+s15+$0x0], $0xffff  }
0xa5: {  	v56 =	vld.idx.msk [tilespmem:v54+s15+$0x0], $0xffff;
	_ =	sdelay $0x4  }
0xa6: {  	v2 =	vsub.f32 v56, v57;
	_ =	sdelay $0x1  }
0xa7: {  	[tilespmem:s7+$0xFFFFFF90] =	vst v2  }
0xa8: {  	v2 =	vld.idx.msk [tilespmem:v54+s16+$0x0], $0xffff  }
0xa9: {  	v58 =	vld.idx.msk [tilespmem:v1+s16+$0x0], $0xffff;
	_ =	sdelay $0x4  }
0xaa: {  	v2 =	vsub.f32 v2, v58;
	_ =	sdelay $0x1  }
0xab: {  	[tilespmem:s8+$0xFFFFFF90] =	vst v2  }
0xac: {  	v0 =	vld.idx.msk [tilespmem:v54+s17+$0x0], $0xffff  }
0xad: {  	v1 =	vld.idx.msk [tilespmem:v1+s17+$0x0], $0xffff;
	_ =	sdelay $0x4  }
0xae: {  	v0 =	vsub.f32 v0, v1  }
0xaf: {  	s5 =	sadd.s32 $0x60, s10  }
0xb0: {  	v59 =	vmov s5;
	[tilespmem:s9+$0xFFFFFF90] =	vst v0  }
0xb1: {  	v1 =	vshrl.u32 v59, $0x5;
	v0 =	vld [tilespmem:s6+$0xFFFFFC10]  }
0xb2: {  	v1 =	vbroadcast v1, $0x0;
	_ =	sdelay $0x5  }
0xb3: {  	v60 =	vld.idx.msk [tilespmem:v1+s15+$0x0], $0xffff  }
0xb4: {  	v2 =	vld.idx.msk [tilespmem:v0+s15+$0x0], $0xffff;
	_ =	sdelay $0x4  }
0xb5: {  	v2 =	vsub.f32 v2, v60;
	_ =	sdelay $0x1  }
0xb6: {  	[tilespmem:s7+$0xFFFFFFA0] =	vst v2  }
0xb7: {  	v2 =	vld.idx.msk [tilespmem:v0+s16+$0x0], $0xffff  }
0xb8: {  	v61 =	vld.idx.msk [tilespmem:v1+s16+$0x0], $0xffff;
	_ =	sdelay $0x4  }
0xb9: {  	v2 =	vsub.f32 v2, v61;
	_ =	sdelay $0x1  }
0xba: {  	[tilespmem:s8+$0xFFFFFFA0] =	vst v2  }
0xbb: {  	v0 =	vld.idx.msk [tilespmem:v0+s17+$0x0], $0xffff  }
0xbc: {  	v1 =	vld.idx.msk [tilespmem:v1+s17+$0x0], $0xffff;
	_ =	sdelay $0x4  }
0xbd: {  	v0 =	vsub.f32 v0, v1  }
0xbe: {  	s5 =	sadd.s32 $0x70, s10  }
0xbf: {  	v62 =	vmov s5;
	[tilespmem:s9+$0xFFFFFFA0] =	vst v0  }
0xc0: {  	v1 =	vshrl.u32 v62, $0x5;
	v0 =	vld [tilespmem:s6+$0xFFFFFC20]  }
0xc1: {  	v1 =	vbroadcast v1, $0x0;
	_ =	sdelay $0x5  }
0xc2: {  	v63 =	vld.idx.msk [tilespmem:v1+s15+$0x0], $0xffff  }
0xc3: {  	v2 =	vld.idx.msk [tilespmem:v0+s15+$0x0], $0xffff;
	_ =	sdelay $0x4  }
0xc4: {  	v2 =	vsub.f32 v2, v63;
	_ =	sdelay $0x1  }
0xc5: {  	[tilespmem:s7+$0xFFFFFFB0] =	vst v2  }
0xc6: {  	v2 =	vld.idx.msk [tilespmem:v0+s16+$0x0], $0xffff  }
0xc7: {  	v6 =	vld.idx.msk [tilespmem:v1+s16+$0x0], $0xffff;
	_ =	sdelay $0x4  }
0xc8: {  	v2 =	vsub.f32 v2, v6;
	_ =	sdelay $0x1  }
0xc9: {  	[tilespmem:s8+$0xFFFFFFB0] =	vst v2  }
0xca: {  	v0 =	vld.idx.msk [tilespmem:v0+s17+$0x0], $0xffff  }
0xcb: {  	v1 =	vld.idx.msk [tilespmem:v1+s17+$0x0], $0xffff;
	_ =	sdelay $0x4  }
0xcc: {  	v0 =	vsub.f32 v0, v1  }
0xcd: {  	s5 =	sadd.s32 $0x80, s10  }
0xce: {  	v7 =	vmov s5;
	[tilespmem:s9+$0xFFFFFFB0] =	vst v0  }
0xcf: {  	v1 =	vshrl.u32 v7, $0x5;
	v0 =	vld [tilespmem:s6+$0xFFFFFC30]  }
0xd0: {  	v1 =	vbroadcast v1, $0x0;
	_ =	sdelay $0x5  }
0xd1: {  	v8 =	vld.idx.msk [tilespmem:v1+s15+$0x0], $0xffff  }
0xd2: {  	v2 =	vld.idx.msk [tilespmem:v0+s15+$0x0], $0xffff;
	_ =	sdelay $0x4  }
0xd3: {  	v2 =	vsub.f32 v2, v8;
	_ =	sdelay $0x1  }
0xd4: {  	[tilespmem:s7+$0xFFFFFFC0] =	vst v2  }
0xd5: {  	v2 =	vld.idx.msk [tilespmem:v0+s16+$0x0], $0xffff  }
0xd6: {  	v9 =	vld.idx.msk [tilespmem:v1+s16+$0x0], $0xffff;
	_ =	sdelay $0x4  }
0xd7: {  	v2 =	vsub.f32 v2, v9;
	_ =	sdelay $0x1  }
0xd8: {  	[tilespmem:s8+$0xFFFFFFC0] =	vst v2  }
0xd9: {  	v0 =	vld.idx.msk [tilespmem:v0+s17+$0x0], $0xffff  }
0xda: {  	v1 =	vld.idx.msk [tilespmem:v1+s17+$0x0], $0xffff;
	_ =	sdelay $0x4  }
0xdb: {  	v0 =	vsub.f32 v0, v1  }
0xdc: {  	s5 =	sadd.s32 $0x90, s10  }
0xdd: {  	v10 =	vmov s5;
	[tilespmem:s9+$0xFFFFFFC0] =	vst v0  }
0xde: {  	v1 =	vshrl.u32 v10, $0x5;
	v0 =	vld [tilespmem:s6+$0xFFFFFC40]  }
0xdf: {  	v1 =	vbroadcast v1, $0x0;
	_ =	sdelay $0x5  }
0xe0: {  	v11 =	vld.idx.msk [tilespmem:v1+s15+$0x0], $0xffff  }
0xe1: {  	v2 =	vld.idx.msk [tilespmem:v0+s15+$0x0], $0xffff;
	_ =	sdelay $0x4  }
0xe2: {  	v2 =	vsub.f32 v2, v11;
	_ =	sdelay $0x1  }
0xe3: {  	[tilespmem:s7+$0xFFFFFFD0] =	vst v2  }
0xe4: {  	v2 =	vld.idx.msk [tilespmem:v0+s16+$0x0], $0xffff  }
0xe5: {  	v12 =	vld.idx.msk [tilespmem:v1+s16+$0x0], $0xffff;
	_ =	sdelay $0x4  }
0xe6: {  	v2 =	vsub.f32 v2, v12;
	_ =	sdelay $0x1  }
0xe7: {  	[tilespmem:s8+$0xFFFFFFD0] =	vst v2  }
0xe8: {  	v0 =	vld.idx.msk [tilespmem:v0+s17+$0x0], $0xffff  }
0xe9: {  	v1 =	vld.idx.msk [tilespmem:v1+s17+$0x0], $0xffff;
	_ =	sdelay $0x4  }
0xea: {  	v0 =	vsub.f32 v0, v1;
	_ =	sdelay $0x1  }
0xeb: {  	[tilespmem:s9+$0xFFFFFFD0] =	vst v0  }
0xec: {  	_ =	swait.ge [sflag:s30], $0x2800  }
0xed: {  	[sflag:s30] =	ssyncset.done $0x0  }
0xee: {  	s5 =	sadd.s32 $0x500, s13;
	[sflag:s30] =	ssyncadd.s32 $0xFFFFD800  }
0xef: {  	[hbm4b:s5+s3] =	stream.linear.scatter [tilespmem:s21], [sflag:$0x7], $0x2800, $0x38;
	[tilespmem:$0x1F500] =	vst v63  }
0xf0: {  	s5 =	sadd.s32 $0xA0, s10;
	v13 =	vld [tilespmem:s6+$0xFFFFFC80]  }
0xf1: {  	v14 =	vmov s5  }
0xf2: {  	v1 =	vshrl.u32 v14, $0x5  }
0xf3: {  	v1 =	vbroadcast v1, $0x0;
	_ =	sdelay $0x4  }
0xf4: {  	v15 =	vld.idx.msk [tilespmem:v13+s15+$0x0], $0xffff  }
0xf5: {  	v16 =	vld.idx.msk [tilespmem:v1+s15+$0x0], $0xffff;
	_ =	sdelay $0x4  }
0xf6: {  	v2 =	vsub.f32 v15, v16;
	_ =	sdelay $0x1  }
0xf7: {  	[tilespmem:s7+$0xFFFFFFE0] =	vst v2  }
0xf8: {  	v2 =	vld.idx.msk [tilespmem:v13+s16+$0x0], $0xffff  }
0xf9: {  	v17 =	vld.idx.msk [tilespmem:v1+s16+$0x0], $0xffff;
	_ =	sdelay $0x4  }
0xfa: {  	v2 =	vsub.f32 v2, v17;
	_ =	sdelay $0x1  }
0xfb: {  	[tilespmem:s8+$0xFFFFFFE0] =	vst v2  }
0xfc: {  	v0 =	vld.idx.msk [tilespmem:v13+s17+$0x0], $0xffff  }
0xfd: {  	v1 =	vld.idx.msk [tilespmem:v1+s17+$0x0], $0xffff;
	_ =	sdelay $0x4  }
0xfe: {  	v0 =	vsub.f32 v0, v1  }
0xff: {  	s5 =	sadd.s32 $0xB0, s10  }
0x100: {  	v18 =	vmov s5;
	[tilespmem:s9+$0xFFFFFFE0] =	vst v0  }
0x101: {  	v1 =	vshrl.u32 v18, $0x5;
	v0 =	vld [tilespmem:s6+$0xFFFFFC90]  }
0x102: {  	v1 =	vbroadcast v1, $0x0;
	_ =	sdelay $0x5  }
0x103: {  	v19 =	vld.idx.msk [tilespmem:v1+s15+$0x0], $0xffff  }
0x104: {  	v2 =	vld.idx.msk [tilespmem:v0+s15+$0x0], $0xffff;
	_ =	sdelay $0x4  }
0x105: {  	v2 =	vsub.f32 v2, v19;
	_ =	sdelay $0x1  }
0x106: {  	[tilespmem:s7+$0xFFFFFFF0] =	vst v2  }
0x107: {  	v2 =	vld.idx.msk [tilespmem:v0+s16+$0x0], $0xffff  }
0x108: {  	v20 =	vld.idx.msk [tilespmem:v1+s16+$0x0], $0xffff;
	_ =	sdelay $0x4  }
0x109: {  	v2 =	vsub.f32 v2, v20;
	_ =	sdelay $0x1  }
0x10a: {  	[tilespmem:s8+$0xFFFFFFF0] =	vst v2  }
0x10b: {  	v0 =	vld.idx.msk [tilespmem:v0+s17+$0x0], $0xffff  }
0x10c: {  	v1 =	vld.idx.msk [tilespmem:v1+s17+$0x0], $0xffff;
	_ =	sdelay $0x4  }
0x10d: {  	v0 =	vsub.f32 v0, v1  }
0x10e: {  	s5 =	sadd.s32 $0xC0, s10  }
0x10f: {  	v21 =	vmov s5;
	[tilespmem:s9+$0xFFFFFFF0] =	vst v0  }
0x110: {  	v1 =	vshrl.u32 v21, $0x5;
	v0 =	vld [tilespmem:s6+$0xFFFFFCA0]  }
0x111: {  	v1 =	vbroadcast v1, $0x0;
	_ =	sdelay $0x5  }
0x112: {  	v22 =	vld.idx.msk [tilespmem:v1+s15+$0x0], $0xffff  }
0x113: {  	v2 =	vld.idx.msk [tilespmem:v0+s15+$0x0], $0xffff;
	_ =	sdelay $0x4  }
0x114: {  	v2 =	vsub.f32 v2, v22;
	_ =	sdelay $0x1  }
0x115: {  	[tilespmem:s7+$0x0] =	vst v2  }
0x116: {  	v2 =	vld.idx.msk [tilespmem:v0+s16+$0x0], $0xffff  }
0x117: {  	v23 =	vld.idx.msk [tilespmem:v1+s16+$0x0], $0xffff;
	_ =	sdelay $0x4  }
0x118: {  	v2 =	vsub.f32 v2, v23;
	_ =	sdelay $0x1  }
0x119: {  	[tilespmem:s8+$0x0] =	vst v2  }
0x11a: {  	v0 =	vld.idx.msk [tilespmem:v0+s17+$0x0], $0xffff  }
0x11b: {  	v1 =	vld.idx.msk [tilespmem:v1+s17+$0x0], $0xffff;
	_ =	sdelay $0x4  }
0x11c: {  	v0 =	vsub.f32 v0, v1  }
0x11d: {  	s5 =	sadd.s32 $0xD0, s10  }
0x11e: {  	v24 =	vmov s5;
	[tilespmem:s9+$0x0] =	vst v0  }
0x11f: {  	v1 =	vshrl.u32 v24, $0x5;
	v0 =	vld [tilespmem:s6+$0xFFFFFCB0]  }
0x120: {  	v1 =	vbroadcast v1, $0x0;
	_ =	sdelay $0x5  }
0x121: {  	v25 =	vld.idx.msk [tilespmem:v1+s15+$0x0], $0xffff  }
0x122: {  	v2 =	vld.idx.msk [tilespmem:v0+s15+$0x0], $0xffff;
	_ =	sdelay $0x4  }
0x123: {  	v2 =	vsub.f32 v2, v25;
	_ =	sdelay $0x1  }
0x124: {  	[tilespmem:s7+$0x10] =	vst v2  }
0x125: {  	v2 =	vld.idx.msk [tilespmem:v0+s16+$0x0], $0xffff  }
0x126: {  	v26 =	vld.idx.msk [tilespmem:v1+s16+$0x0], $0xffff;
	_ =	sdelay $0x4  }
0x127: {  	v2 =	vsub.f32 v2, v26;
	_ =	sdelay $0x1  }
0x128: {  	[tilespmem:s8+$0x10] =	vst v2  }
0x129: {  	v0 =	vld.idx.msk [tilespmem:v0+s17+$0x0], $0xffff  }
0x12a: {  	v1 =	vld.idx.msk [tilespmem:v1+s17+$0x0], $0xffff;
	_ =	sdelay $0x4  }
0x12b: {  	v0 =	vsub.f32 v0, v1  }
0x12c: {  	s5 =	sadd.s32 $0xE0, s10  }
0x12d: {  	v27 =	vmov s5;
	[tilespmem:s9+$0x10] =	vst v0  }
0x12e: {  	v1 =	vshrl.u32 v27, $0x5;
	v0 =	vld [tilespmem:s6+$0xFFFFFCC0]  }
0x12f: {  	v1 =	vbroadcast v1, $0x0;
	_ =	sdelay $0x5  }
0x130: {  	v28 =	vld.idx.msk [tilespmem:v1+s15+$0x0], $0xffff  }
0x131: {  	v2 =	vld.idx.msk [tilespmem:v0+s15+$0x0], $0xffff;
	_ =	sdelay $0x4  }
0x132: {  	v2 =	vsub.f32 v2, v28;
	_ =	sdelay $0x1  }
0x133: {  	[tilespmem:s7+$0x20] =	vst v2  }
0x134: {  	v2 =	vld.idx.msk [tilespmem:v0+s16+$0x0], $0xffff  }
0x135: {  	v29 =	vld.idx.msk [tilespmem:v1+s16+$0x0], $0xffff;
	_ =	sdelay $0x4  }
0x136: {  	v2 =	vsub.f32 v2, v29;
	_ =	sdelay $0x1  }
0x137: {  	[tilespmem:s8+$0x20] =	vst v2  }
0x138: {  	v0 =	vld.idx.msk [tilespmem:v0+s17+$0x0], $0xffff  }
0x139: {  	v1 =	vld.idx.msk [tilespmem:v1+s17+$0x0], $0xffff;
	_ =	sdelay $0x4  }
0x13a: {  	v0 =	vsub.f32 v0, v1;
	_ =	sdelay $0x1  }
0x13b: {  	[tilespmem:s9+$0x20] =	vst v0  }
0x13c: {  	_ =	swait.ge [sflag:s31], $0x2800  }
0x13d: {  	[sflag:s31] =	ssyncset.done $0x0  }
0x13e: {  	s5 =	sadd.s32 $0xA00, s13;
	[sflag:s31] =	ssyncadd.s32 $0xFFFFD800  }
0x13f: {  	[hbm4b:s5+s3] =	stream.linear.scatter [tilespmem:s23], [sflag:$0x8], $0x2800, $0x38;
	[tilespmem:$0x1F500] =	vst v63  }
0x140: {  	s5 =	sadd.s32 $0xF0, s10;
	v30 =	vld [tilespmem:s6+$0xFFFFFD00]  }
0x141: {  	v31 =	vmov s5  }
0x142: {  	v1 =	vshrl.u32 v31, $0x5  }
0x143: {  	v1 =	vbroadcast v1, $0x0;
	_ =	sdelay $0x4  }
0x144: {  	v32 =	vld.idx.msk [tilespmem:v30+s15+$0x0], $0xffff  }
0x145: {  	v33 =	vld.idx.msk [tilespmem:v1+s15+$0x0], $0xffff;
	_ =	sdelay $0x4  }
0x146: {  	v2 =	vsub.f32 v32, v33;
	_ =	sdelay $0x1  }
0x147: {  	[tilespmem:s7+$0x30] =	vst v2  }
0x148: {  	v2 =	vld.idx.msk [tilespmem:v30+s16+$0x0], $0xffff  }
0x149: {  	v34 =	vld.idx.msk [tilespmem:v1+s16+$0x0], $0xffff;
	_ =	sdelay $0x4  }
0x14a: {  	v2 =	vsub.f32 v2, v34;
	_ =	sdelay $0x1  }
0x14b: {  	[tilespmem:s8+$0x30] =	vst v2  }
0x14c: {  	v0 =	vld.idx.msk [tilespmem:v30+s17+$0x0], $0xffff  }
0x14d: {  	v1 =	vld.idx.msk [tilespmem:v1+s17+$0x0], $0xffff;
	_ =	sdelay $0x4  }
0x14e: {  	v0 =	vsub.f32 v0, v1  }
0x14f: {  	s5 =	sadd.s32 $0x100, s10  }
0x150: {  	v35 =	vmov s5;
	[tilespmem:s9+$0x30] =	vst v0  }
0x151: {  	v1 =	vshrl.u32 v35, $0x5;
	v0 =	vld [tilespmem:s6+$0xFFFFFD10]  }
0x152: {  	v1 =	vbroadcast v1, $0x0;
	_ =	sdelay $0x5  }
0x153: {  	v36 =	vld.idx.msk [tilespmem:v1+s15+$0x0], $0xffff  }
0x154: {  	v2 =	vld.idx.msk [tilespmem:v0+s15+$0x0], $0xffff;
	_ =	sdelay $0x4  }
0x155: {  	v2 =	vsub.f32 v2, v36;
	_ =	sdelay $0x1  }
0x156: {  	[tilespmem:s7+$0x40] =	vst v2  }
0x157: {  	v2 =	vld.idx.msk [tilespmem:v0+s16+$0x0], $0xffff  }
0x158: {  	v37 =	vld.idx.msk [tilespmem:v1+s16+$0x0], $0xffff;
	_ =	sdelay $0x4  }
0x159: {  	v2 =	vsub.f32 v2, v37;
	_ =	sdelay $0x1  }
0x15a: {  	[tilespmem:s8+$0x40] =	vst v2  }
0x15b: {  	v0 =	vld.idx.msk [tilespmem:v0+s17+$0x0], $0xffff  }
0x15c: {  	v1 =	vld.idx.msk [tilespmem:v1+s17+$0x0], $0xffff;
	_ =	sdelay $0x4  }
0x15d: {  	v0 =	vsub.f32 v0, v1  }
0x15e: {  	s5 =	sadd.s32 $0x110, s10  }
0x15f: {  	v38 =	vmov s5;
	[tilespmem:s9+$0x40] =	vst v0  }
0x160: {  	v1 =	vshrl.u32 v38, $0x5;
	v0 =	vld [tilespmem:s6+$0xFFFFFD20]  }
0x161: {  	v1 =	vbroadcast v1, $0x0;
	_ =	sdelay $0x5  }
0x162: {  	v39 =	vld.idx.msk [tilespmem:v1+s15+$0x0], $0xffff  }
0x163: {  	v2 =	vld.idx.msk [tilespmem:v0+s15+$0x0], $0xffff;
	_ =	sdelay $0x4  }
0x164: {  	v2 =	vsub.f32 v2, v39;
	_ =	sdelay $0x1  }
0x165: {  	[tilespmem:s7+$0x50] =	vst v2  }
0x166: {  	v2 =	vld.idx.msk [tilespmem:v0+s16+$0x0], $0xffff  }
0x167: {  	v40 =	vld.idx.msk [tilespmem:v1+s16+$0x0], $0xffff;
	_ =	sdelay $0x4  }
0x168: {  	v2 =	vsub.f32 v2, v40;
	_ =	sdelay $0x1  }
0x169: {  	[tilespmem:s8+$0x50] =	vst v2  }
0x16a: {  	v0 =	vld.idx.msk [tilespmem:v0+s17+$0x0], $0xffff  }
0x16b: {  	v1 =	vld.idx.msk [tilespmem:v1+s17+$0x0], $0xffff;
	_ =	sdelay $0x4  }
0x16c: {  	v0 =	vsub.f32 v0, v1  }
0x16d: {  	s5 =	sadd.s32 $0x120, s10  }
0x16e: {  	v41 =	vmov s5;
	[tilespmem:s9+$0x50] =	vst v0  }
0x16f: {  	v1 =	vshrl.u32 v41, $0x5;
	v0 =	vld [tilespmem:s6+$0xFFFFFD30]  }
0x170: {  	v1 =	vbroadcast v1, $0x0;
	_ =	sdelay $0x5  }
0x171: {  	v42 =	vld.idx.msk [tilespmem:v1+s15+$0x0], $0xffff  }
0x172: {  	v2 =	vld.idx.msk [tilespmem:v0+s15+$0x0], $0xffff;
	_ =	sdelay $0x4  }
0x173: {  	v2 =	vsub.f32 v2, v42;
	_ =	sdelay $0x1  }
0x174: {  	[tilespmem:s7+$0x60] =	vst v2  }
0x175: {  	v2 =	vld.idx.msk [tilespmem:v0+s16+$0x0], $0xffff  }
0x176: {  	v43 =	vld.idx.msk [tilespmem:v1+s16+$0x0], $0xffff;
	_ =	sdelay $0x4  }
0x177: {  	v2 =	vsub.f32 v2, v43;
	_ =	sdelay $0x1  }
0x178: {  	[tilespmem:s8+$0x60] =	vst v2  }
0x179: {  	v0 =	vld.idx.msk [tilespmem:v0+s17+$0x0], $0xffff  }
0x17a: {  	v1 =	vld.idx.msk [tilespmem:v1+s17+$0x0], $0xffff;
	_ =	sdelay $0x4  }
0x17b: {  	v0 =	vsub.f32 v0, v1  }
0x17c: {  	s5 =	sadd.s32 $0x130, s10  }
0x17d: {  	v44 =	vmov s5;
	[tilespmem:s9+$0x60] =	vst v0  }
0x17e: {  	v1 =	vshrl.u32 v44, $0x5;
	v0 =	vld [tilespmem:s6+$0xFFFFFD40]  }
0x17f: {  	v1 =	vbroadcast v1, $0x0;
	_ =	sdelay $0x5  }
0x180: {  	v45 =	vld.idx.msk [tilespmem:v1+s15+$0x0], $0xffff  }
0x181: {  	v2 =	vld.idx.msk [tilespmem:v0+s15+$0x0], $0xffff;
	_ =	sdelay $0x4  }
0x182: {  	v2 =	vsub.f32 v2, v45;
	_ =	sdelay $0x1  }
0x183: {  	[tilespmem:s7+$0x70] =	vst v2  }
0x184: {  	v2 =	vld.idx.msk [tilespmem:v0+s16+$0x0], $0xffff  }
0x185: {  	v46 =	vld.idx.msk [tilespmem:v1+s16+$0x0], $0xffff;
	_ =	sdelay $0x4  }
0x186: {  	v2 =	vsub.f32 v2, v46;
	_ =	sdelay $0x1  }
0x187: {  	[tilespmem:s8+$0x70] =	vst v2  }
0x188: {  	v0 =	vld.idx.msk [tilespmem:v0+s17+$0x0], $0xffff  }
0x189: {  	v1 =	vld.idx.msk [tilespmem:v1+s17+$0x0], $0xffff;
	_ =	sdelay $0x4  }
0x18a: {  	v0 =	vsub.f32 v0, v1;
	_ =	sdelay $0x1  }
0x18b: {  	[tilespmem:s9+$0x70] =	vst v0  }
0x18c: {  	_ =	swait.ge [sflag:s0], $0x2800  }
0x18d: {  	[sflag:s0] =	ssyncset.done $0x0  }
0x18e: {  	s5 =	sadd.s32 $0xF00, s13;
	[sflag:s0] =	ssyncadd.s32 $0xFFFFD800  }
0x18f: {  	[hbm4b:s5+s3] =	stream.linear.scatter [tilespmem:s25], [sflag:$0x9], $0x2800, $0x38;
	[tilespmem:$0x1F500] =	vst v63  }
0x190: {  	s5 =	sadd.s32 $0x140, s10;
	v47 =	vld [tilespmem:s6+$0xFFFFFD80]  }
0x191: {  	v48 =	vmov s5  }
0x192: {  	v1 =	vshrl.u32 v48, $0x5  }
0x193: {  	v1 =	vbroadcast v1, $0x0;
	_ =	sdelay $0x4  }
0x194: {  	v49 =	vld.idx.msk [tilespmem:v47+s15+$0x0], $0xffff  }
0x195: {  	v50 =	vld.idx.msk [tilespmem:v1+s15+$0x0], $0xffff;
	_ =	sdelay $0x4  }
0x196: {  	v2 =	vsub.f32 v49, v50;
	_ =	sdelay $0x1  }
0x197: {  	[tilespmem:s7+$0x80] =	vst v2  }
0x198: {  	v2 =	vld.idx.msk [tilespmem:v47+s16+$0x0], $0xffff  }
0x199: {  	v51 =	vld.idx.msk [tilespmem:v1+s16+$0x0], $0xffff;
	_ =	sdelay $0x4  }
0x19a: {  	v2 =	vsub.f32 v2, v51;
	_ =	sdelay $0x1  }
0x19b: {  	[tilespmem:s8+$0x80] =	vst v2  }
0x19c: {  	v0 =	vld.idx.msk [tilespmem:v47+s17+$0x0], $0xffff  }
0x19d: {  	v1 =	vld.idx.msk [tilespmem:v1+s17+$0x0], $0xffff;
	_ =	sdelay $0x4  }
0x19e: {  	v0 =	vsub.f32 v0, v1  }
0x19f: {  	s5 =	sadd.s32 $0x150, s10  }
0x1a0: {  	v52 =	vmov s5;
	[tilespmem:s9+$0x80] =	vst v0  }
0x1a1: {  	v1 =	vshrl.u32 v52, $0x5;
	v0 =	vld [tilespmem:s6+$0xFFFFFD90]  }
0x1a2: {  	v1 =	vbroadcast v1, $0x0;
	_ =	sdelay $0x5  }
0x1a3: {  	v53 =	vld.idx.msk [tilespmem:v1+s15+$0x0], $0xffff  }
0x1a4: {  	v2 =	vld.idx.msk [tilespmem:v0+s15+$0x0], $0xffff;
	_ =	sdelay $0x4  }
0x1a5: {  	v2 =	vsub.f32 v2, v53;
	_ =	sdelay $0x1  }
0x1a6: {  	[tilespmem:s7+$0x90] =	vst v2  }
0x1a7: {  	v2 =	vld.idx.msk [tilespmem:v0+s16+$0x0], $0xffff  }
0x1a8: {  	v54 =	vld.idx.msk [tilespmem:v1+s16+$0x0], $0xffff;
	_ =	sdelay $0x4  }
0x1a9: {  	v2 =	vsub.f32 v2, v54;
	_ =	sdelay $0x1  }
0x1aa: {  	[tilespmem:s8+$0x90] =	vst v2  }
0x1ab: {  	v0 =	vld.idx.msk [tilespmem:v0+s17+$0x0], $0xffff  }
0x1ac: {  	v1 =	vld.idx.msk [tilespmem:v1+s17+$0x0], $0xffff;
	_ =	sdelay $0x4  }
0x1ad: {  	v0 =	vsub.f32 v0, v1  }
0x1ae: {  	s5 =	sadd.s32 $0x160, s10  }
0x1af: {  	v55 =	vmov s5;
	[tilespmem:s9+$0x90] =	vst v0  }
0x1b0: {  	v1 =	vshrl.u32 v55, $0x5;
	v0 =	vld [tilespmem:s6+$0xFFFFFDA0]  }
0x1b1: {  	v1 =	vbroadcast v1, $0x0;
	_ =	sdelay $0x5  }
0x1b2: {  	v56 =	vld.idx.msk [tilespmem:v1+s15+$0x0], $0xffff  }
0x1b3: {  	v2 =	vld.idx.msk [tilespmem:v0+s15+$0x0], $0xffff;
	_ =	sdelay $0x4  }
0x1b4: {  	v2 =	vsub.f32 v2, v56;
	_ =	sdelay $0x1  }
0x1b5: {  	[tilespmem:s7+$0xA0] =	vst v2  }
0x1b6: {  	v2 =	vld.idx.msk [tilespmem:v0+s16+$0x0], $0xffff  }
0x1b7: {  	v57 =	vld.idx.msk [tilespmem:v1+s16+$0x0], $0xffff;
	_ =	sdelay $0x4  }
0x1b8: {  	v2 =	vsub.f32 v2, v57;
	_ =	sdelay $0x1  }
0x1b9: {  	[tilespmem:s8+$0xA0] =	vst v2  }
0x1ba: {  	v0 =	vld.idx.msk [tilespmem:v0+s17+$0x0], $0xffff  }
0x1bb: {  	v1 =	vld.idx.msk [tilespmem:v1+s17+$0x0], $0xffff;
	_ =	sdelay $0x4  }
0x1bc: {  	v0 =	vsub.f32 v0, v1  }
0x1bd: {  	s5 =	sadd.s32 $0x170, s10  }
0x1be: {  	v58 =	vmov s5;
	[tilespmem:s9+$0xA0] =	vst v0  }
0x1bf: {  	v1 =	vshrl.u32 v58, $0x5;
	v0 =	vld [tilespmem:s6+$0xFFFFFDB0]  }
0x1c0: {  	v1 =	vbroadcast v1, $0x0;
	_ =	sdelay $0x5  }
0x1c1: {  	v59 =	vld.idx.msk [tilespmem:v1+s15+$0x0], $0xffff  }
0x1c2: {  	v2 =	vld.idx.msk [tilespmem:v0+s15+$0x0], $0xffff;
	_ =	sdelay $0x4  }
0x1c3: {  	v2 =	vsub.f32 v2, v59;
	_ =	sdelay $0x1  }
0x1c4: {  	[tilespmem:s7+$0xB0] =	vst v2  }
0x1c5: {  	v2 =	vld.idx.msk [tilespmem:v0+s16+$0x0], $0xffff  }
0x1c6: {  	v60 =	vld.idx.msk [tilespmem:v1+s16+$0x0], $0xffff;
	_ =	sdelay $0x4  }
0x1c7: {  	v2 =	vsub.f32 v2, v60;
	_ =	sdelay $0x1  }
0x1c8: {  	[tilespmem:s8+$0xB0] =	vst v2  }
0x1c9: {  	v0 =	vld.idx.msk [tilespmem:v0+s17+$0x0], $0xffff  }
0x1ca: {  	v1 =	vld.idx.msk [tilespmem:v1+s17+$0x0], $0xffff;
	_ =	sdelay $0x4  }
0x1cb: {  	v0 =	vsub.f32 v0, v1  }
0x1cc: {  	s10 =	sadd.s32 $0x180, s10  }
0x1cd: {  	v61 =	vmov s10;
	[tilespmem:s9+$0xB0] =	vst v0  }
0x1ce: {  	v1 =	vshrl.u32 v61, $0x5;
	v0 =	vld [tilespmem:s6+$0xFFFFFDC0]  }
0x1cf: {  	v1 =	vbroadcast v1, $0x0;
	_ =	sdelay $0x5  }
0x1d0: {  	v62 =	vld.idx.msk [tilespmem:v1+s15+$0x0], $0xffff  }
0x1d1: {  	v2 =	vld.idx.msk [tilespmem:v0+s15+$0x0], $0xffff;
	_ =	sdelay $0x4  }
0x1d2: {  	v2 =	vsub.f32 v2, v62;
	_ =	sdelay $0x1  }
0x1d3: {  	[tilespmem:s7+$0xC0] =	vst v2  }
0x1d4: {  	v2 =	vld.idx.msk [tilespmem:v0+s16+$0x0], $0xffff  }
0x1d5: {  	v63 =	vld.idx.msk [tilespmem:v1+s16+$0x0], $0xffff;
	_ =	sdelay $0x4  }
0x1d6: {  	v2 =	vsub.f32 v2, v63;
	_ =	sdelay $0x1  }
0x1d7: {  	[tilespmem:s8+$0xC0] =	vst v2  }
0x1d8: {  	v0 =	vld.idx.msk [tilespmem:v0+s17+$0x0], $0xffff  }
0x1d9: {  	v1 =	vld.idx.msk [tilespmem:v1+s17+$0x0], $0xffff;
	_ =	sdelay $0x4  }
0x1da: {  	v0 =	vsub.f32 v0, v1;
	_ =	sdelay $0x1  }
0x1db: {  	[tilespmem:s9+$0xC0] =	vst v0  }
0x1dc: {  	_ =	swait.ge [sflag:s2], $0x2800  }
0x1dd: {  	p0 =	sne.s32 s11, $0x2580;
	[sflag:s2] =	ssyncset.done $0x0  }
.Ltmp2:
0x1de: {  	s10 =	sadd.s32 $0x1400, s13;
	[sflag:s2] =	ssyncadd.s32 $0xFFFFD800;
	(pc) =	sbr.rel @!p0 .LBB2_3-.Ltmp2, $4  }
0x1df: {  	[hbm4b:s10+s3] =	stream.linear.scatter [tilespmem:s28], [sflag:$0xA], $0x2800, $0x38;
	[tilespmem:$0x1F500] =	vst v63  }
0x1e0: {  	_ =	swait.ge [sflag:s20], $0x2800  }
0x1e1: {  	[sflag:s20] =	ssyncset.done $0x0  }
0x1e2: {  	[sflag:s20] =	ssyncadd.s32 $0xFFFFD800  }
0x1e3: {  	s5 =	sadd.s32 $0xFFFFFE00, s6  }
0x1e4: {  	[tilespmem:s19], [sflag:$0x1] =	stream.indirect.gather [hbm4b:s1+s18], $0x80, s5, s18, $0xb8;
	[tilespmem:$0x1F500] =	vst v63  }
0x1e5: {  	_ =	swait.ge [sflag:s22], $0x2800  }
0x1e6: {  	[sflag:s22] =	ssyncset.done $0x0  }
0x1e7: {  	s10 =	sadd.s32 $0xFFFFFE80, s6;
	[sflag:s22] =	ssyncadd.s32 $0xFFFFD800  }
0x1e8: {  	[tilespmem:s21], [sflag:$0x2] =	stream.indirect.gather [hbm4b:s1+s18], $0x80, s10, s18, $0xb8;
	[tilespmem:$0x1F500] =	vst v63  }
0x1e9: {  	_ =	swait.ge [sflag:s24], $0x2800  }
0x1ea: {  	[sflag:s24] =	ssyncset.done $0x0  }
0x1eb: {  	s10 =	sadd.s32 $0xFFFFFF00, s6;
	[sflag:s24] =	ssyncadd.s32 $0xFFFFD800  }
0x1ec: {  	[tilespmem:s23], [sflag:$0x3] =	stream.indirect.gather [hbm4b:s1+s18], $0x80, s10, s18, $0xb8;
	[tilespmem:$0x1F500] =	vst v63  }
0x1ed: {  	_ =	swait.ge [sflag:s26], $0x2800  }
0x1ee: {  	s11 =	sadd.s32 $0x190, s11;
	[sflag:s26] =	ssyncset.done $0x0  }
0x1ef: {  	p0 =	sne.s32 s11, $0x2710;
	s10 =	sadd.s32 $0xFFFFFF80, s6;
	[sflag:s26] =	ssyncadd.s32 $0xFFFFD800  }
0x1f0: {  	[tilespmem:s25], [sflag:$0x4] =	stream.indirect.gather [hbm4b:s1+s18], $0x80, s10, s18, $0xb8;
	[tilespmem:$0x1F500] =	vst v63  }
.Ltmp3:
0x1f1: {  	_ =	swait.ge [sflag:s4], $0x2800;
	(pc) =	sbr.rel @p0 .LBB2_2-.Ltmp3, $4  }
.Ltmp4:
0x1f2: {  	[sflag:s4] =	ssyncset.done $0x0;
	(pc) =	sbr.rel @!p0 .LBB2_5-.Ltmp4, $4  }
0x1f3: {  	s13 =	sadd.s32 $0x1900, s13;
	s7 =	sadd.s32 $0x190, s7;
	[sflag:s4] =	ssyncadd.s32 $0xFFFFD800  }
0x1f4: {  	[tilespmem:s28], [sflag:$0x5] =	stream.indirect.gather [hbm4b:s1+s18], $0x80, s6, s18, $0xb8;
	[tilespmem:$0x1F500] =	vst v63  }
0x1f5: {  	s8 =	sadd.s32 $0x190, s8;
	s9 =	sadd.s32 $0x190, s9;
	s6 =	sadd.s32 $0x280, s6  }
0x1f6: {  	_ = 	snop  }
.LBB2_6:
0x1f7: {  	_ =	sfence.sel $0x180000  }
0x1f8: {  	[bflag:$0x0] =	sbarrier.arrive $0xFFFF  }
0x1f9: {  	_ =	strace $0x90000047  }
0x1fa: {  	s0 =	stileid.u32;
	[bflag:$0x2] =	sbarrier.arrive $0xFFFF  }
0x1fb: {  	p0 =	sne.s32 s0, $0x0;
	s0 =	rddreg [dreg:$0x2]  }
0x1fc: {  	s0 =	sadd.s32 @!p0 $0x100000, s0  }
0x1fd: {  	[sflag:s0] =	ssyncadd.tile.s32 @!p0 $0x1;
	_ =	shalt  }
.Lfunc_end2:
_tile_overlayer_lowered:
.L_overlay_start_2:
0x1fe: {  	(tag) =	ssettag $0x2  }
0x1ff: {  	s0 =	rddreg [dreg:$0x0];
	s2 =	stileid.u32  }
0x200: {  	s1 =	rddreg [dreg:$0x1];
	p0 =	sne.s32 s2, $0x0  }
0x201: {  	s3 =	rddreg [dreg:$0x2];
	[bflag:$0x3] =	sbarrier.arrive $0xFFFF;
	s2 =	simm.s32 @!p0 $0x1C0B  }
0x202: {  	[timem:s3], [sflag:s2] =	dma.local @!p0 [hbm:s0], s1  }
0x203: {  	s0 =	simm.s32 @!p0 $0xB  }
0x204: {  	_ =	swait.ge @!p0 [sflag:s0], s1  }
0x205: {  	s1 =	ssub.s32 @!p0 $0x0, s1;
	[sflag:s0] =	ssyncset.done @!p0 $0x0  }
0x206: {  	[sflag:s0] =	ssyncadd.s32 @!p0 s1  }
0x207: {  	[bflag:$0x3] =	sbarrier.arrive $0xFFFF  }
0x208: {  	_ =	shalt  }

</sc_bundles>
